<compile_context>
chip_gen: v7x
topology: tpu7x:2x2x1
jax: 0.10.2.dev20260603
libtpu: 0.0.44.dev20260713+nightly
codegen_flags: <defaults>
</compile_context>

<pallas_src>
import functools

import jax
import jax.numpy as jnp
from jax import lax
from jax.experimental import pallas as pl
from jax.experimental.pallas import tpu as pltpu
from jax.experimental.pallas import tpu_sc as plsc

N = 10000
E = 320000
D = 128

NC = 2
NS = 16
K = 100
CH = E // (NS * K)
NBUF = 3
RPT = 624
TAIL_BASE = NS * RPT
TAIL = N - TAIL_BASE

NB = 8
NBLK = CH // NB

assert NS * CH * K == E
assert NB * NBLK == CH


def _sc_scatter(x, src, dst, zeros):
    mesh = plsc.VectorSubcoreMesh(core_axis_name="c", subcore_axis_name="s")

    @functools.partial(
        pl.kernel,
        out_type=(
            jax.ShapeDtypeStruct((N, D), jnp.float32),
            jax.ShapeDtypeStruct((N, D), jnp.float32),
        ),
        mesh=mesh,
        scratch_types=[
            [pltpu.VMEM((NB, K), jnp.int32) for _ in range(3)],
            [pltpu.VMEM((NB, K), jnp.int32) for _ in range(3)],
            [pltpu.VMEM((K, D), jnp.float32) for _ in range(NBUF)],
            pltpu.VMEM_SHARED((N, D), jnp.float32),
            [pltpu.SemaphoreType.DMA for _ in range(NBUF)],
            [pltpu.SemaphoreType.DMA for _ in range(3)],
            [pltpu.SemaphoreType.DMA for _ in range(3)],
        ],
    )
    def scatter_kernel(x_hbm, src_hbm, dst_hbm, z_hbm, out0, out1,
                       src_v, dst_v, rows, acc, gsems, isems_s, isems_d):
        c = lax.axis_index("c")
        s = lax.axis_index("s")
        base = pl.multiple_of(s * RPT, 8)

        def copy_rows(src_ref, dst_ref):
            pltpu.sync_copy(src_ref.at[pl.ds(base, RPT)],
                            dst_ref.at[pl.ds(base, RPT)])

            @pl.when(s == NS - 1)
            def _():
                pltpu.sync_copy(src_ref.at[pl.ds(TAIL_BASE, TAIL)],
                                dst_ref.at[pl.ds(TAIL_BASE, TAIL)])

        copy_rows(z_hbm, acc)
        plsc.subcore_barrier()

        def gather_start(j, i):
            pltpu.async_copy(x_hbm.at[src_v[j // NB].at[j % NB]],
                             rows[i], gsems[i])

        def gather_wait(i):
            pltpu.make_async_copy(x_hbm.at[src_v[0].at[0]],
                                  rows[i], gsems[i]).wait()

        def scatter(j, i):
            pltpu.sync_copy(rows[i], acc.at[dst_v[j // NB].at[j % NB]],
                            add=True)

        def stage_start(b, ib):
            off = pl.multiple_of(b * NB, 8)
            pltpu.async_copy(src_hbm.at[c, s, pl.ds(off, NB)],
                             src_v[ib], isems_s[ib])
            pltpu.async_copy(dst_hbm.at[c, s, pl.ds(off, NB)],
                             dst_v[ib], isems_d[ib])

        def stage_wait(ib):
            pltpu.make_async_copy(src_hbm.at[c, s, pl.ds(0, NB)],
                                  src_v[ib], isems_s[ib]).wait()
            pltpu.make_async_copy(dst_hbm.at[c, s, pl.ds(0, NB)],
                                  dst_v[ib], isems_d[ib]).wait()

        def run_chunks(n_chunks, group):
            for j in range(NBUF - 1):
                gather_start(j, j)
            for j in range(n_chunks):
                i = j % NBUF
                gather_wait(i)
                jn = j + NBUF - 1
                if jn < n_chunks:
                    if group and jn % NB == 0:
                        stage_wait(jn // NB)
                    gather_start(jn, jn % NBUF)
                scatter(j, i)

        GB = 3
        NG = NBLK // GB
        for ib in range(GB):
            stage_start(ib, ib)

        def group_body(p, carry):
            b0 = p * GB
            stage_wait(0)
            run_chunks(GB * NB, True)
            stage_start(b0 + GB, 0)

            @pl.when(p < NG - 1)
            def _():
                stage_start(b0 + GB + 1, 1)
                stage_start(b0 + GB + 2, 2)

            return carry

        lax.fori_loop(0, NG, group_body, 0)
        stage_wait(0)
        run_chunks(NB, False)
        plsc.subcore_barrier()

        @pl.when(c == 0)
        def _():
            copy_rows(acc, out0)

        @pl.when(c == 1)
        def _():
            copy_rows(acc, out1)

    return scatter_kernel(x, src, dst, zeros)


BLK = 2000


def _mm_kernel(x_ref, a0_ref, a1_ref, wl0_ref, wr0_ref, wl1_ref, wr1_ref,
               o_ref):
    wr = wr0_ref[...] + wr1_ref[...]
    o_ref[...] = (
        jnp.dot(a0_ref[...], wl0_ref[...], preferred_element_type=jnp.float32)
        + jnp.dot(a1_ref[...], wl1_ref[...], preferred_element_type=jnp.float32)
        + jnp.dot(x_ref[...], wr, preferred_element_type=jnp.float32)
    )


def _tc_matmul(x, agg0, agg1, W_l0, W_r0, W_l1, W_r1):
    row_spec = pl.BlockSpec((BLK, D), lambda i: (i, 0))
    w_spec = pl.BlockSpec((D, D), lambda i: (0, 0))
    return pl.pallas_call(
        _mm_kernel,
        grid=(N // BLK,),
        in_specs=[row_spec, row_spec, row_spec, w_spec, w_spec, w_spec, w_spec],
        out_specs=row_spec,
        out_shape=jax.ShapeDtypeStruct((N, D), jnp.float32),
    )(x, agg0, agg1, W_l0, W_r0, W_l1, W_r1)


def kernel(x_node1, edge_index_0, edge_index_1, W_l0, W_r0, W_l1, W_r1):
    src = jnp.stack([edge_index_0[0], edge_index_1[0]]).astype(jnp.int32)
    dst = jnp.stack([edge_index_0[1], edge_index_1[1]]).astype(jnp.int32)
    src = src.reshape(NC, NS, CH, K)
    dst = dst.reshape(NC, NS, CH, K)
    zeros = jnp.zeros((N, D), jnp.float32)
    agg0, agg1 = _sc_scatter(x_node1, src, dst, zeros)
    return _tc_matmul(x_node1, agg0, agg1, W_l0, W_r0, W_l1, W_r1)

# --- scband reference (transcript-rebuilt; emitter-appended) ---
"""Pipeline reference for scband-hetero-conv-31610959299137 (READ-ONLY COPY).

The authoritative reference and input builder live on the scoring server;
editing this copy changes nothing except your own understanding.
"""

import jax, jax.numpy as jnp
import numpy as np

N = 10000
E = 320000
D = 128


def setup_inputs(seed: int = 0) -> dict:
    key = jax.random.key(seed)
    k_x, k_e0, k_e1, k_wl0, k_wr0, k_wl1, k_wr1 = jax.random.split(key, 7)
    x_node1 = jax.random.normal(k_x, (N, D), dtype=jnp.float32)
    edge_index_0 = jax.random.randint(k_e0, (2, E), 0, N, dtype=jnp.int64)
    edge_index_1 = jax.random.randint(k_e1, (2, E), 0, N, dtype=jnp.int64)
    W_l0 = jax.random.normal(k_wl0, (D, D), dtype=jnp.float32) * 0.05
    W_r0 = jax.random.normal(k_wr0, (D, D), dtype=jnp.float32) * 0.05
    W_l1 = jax.random.normal(k_wl1, (D, D), dtype=jnp.float32) * 0.05
    W_r1 = jax.random.normal(k_wr1, (D, D), dtype=jnp.float32) * 0.05
    return {
        "x_node1": x_node1,
        "edge_index_0": edge_index_0,
        "edge_index_1": edge_index_1,
        "W_l0": W_l0,
        "W_r0": W_r0,
        "W_l1": W_l1,
        "W_r1": W_r1,
    }


def _sage_conv(x_src, x_dst, edge_index, W_l, W_r):
    # SAGE-style conv with sum aggregation:
    # out = aggregate_sum(x_src[src] -> dst) @ W_l + x_dst @ W_r
    src = edge_index[0]
    dst = edge_index[1]
    msg = jnp.take(x_src, src, axis=0)  # gather: [E, D]
    agg = jnp.zeros_like(x_dst).at[dst].add(msg)  # scatter-add: [N, D]
    return agg @ W_l + x_dst @ W_r


def reference(x_node1, edge_index_0, edge_index_1, W_l0, W_r0, W_l1, W_r1):
    # HeteroConv forward: iterate over edge types, conv((x, x), edge_index),
    # accumulate into out_dict['node1'] with aggr='sum'.
    out0 = _sage_conv(x_node1, x_node1, edge_index_0, W_l0, W_r0)
    out1 = _sage_conv(x_node1, x_node1, edge_index_1, W_l1, W_r1)
    out = out0 + out1  # aggr == 'sum'
    return out

if __name__ == "__main__":
    import jax
    _d = setup_inputs()
    print(jax.jit(kernel)(*tuple(_d.values())))

</pallas_src>

<mosaic_0001>
#map = affine_map<(d0, d1) -> (0, 0)>
#map1 = affine_map<(d0, d1) -> (0, 0, 0, 0)>
module attributes {stable_mosaic.version = 14 : i64} {
  func.func @scatter_kernel(%arg0: i32, %arg1: i32, %arg2: memref<10000x128xf32, #tpu.memory_space<hbm>>, %arg3: memref<2x16x200x100xi32, #tpu.memory_space<hbm>>, %arg4: memref<2x16x200x100xi32, #tpu.memory_space<hbm>>, %arg5: memref<10000x128xf32, #tpu.memory_space<hbm>>, %arg6: memref<10000x128xf32, #tpu.memory_space<hbm>>, %arg7: memref<10000x128xf32, #tpu.memory_space<hbm>>, %arg8: memref<8x100xi32, #tpu.memory_space<vmem>>, %arg9: memref<8x100xi32, #tpu.memory_space<vmem>>, %arg10: memref<8x100xi32, #tpu.memory_space<vmem>>, %arg11: memref<8x100xi32, #tpu.memory_space<vmem>>, %arg12: memref<8x100xi32, #tpu.memory_space<vmem>>, %arg13: memref<8x100xi32, #tpu.memory_space<vmem>>, %arg14: memref<100x128xf32, #tpu.memory_space<vmem>>, %arg15: memref<100x128xf32, #tpu.memory_space<vmem>>, %arg16: memref<100x128xf32, #tpu.memory_space<vmem>>, %arg17: memref<10000x128xf32, #tpu.memory_space<vmem_shared>>, %arg18: memref<!tpu.dma_semaphore, #tpu.memory_space<semaphore_mem>>, %arg19: memref<!tpu.dma_semaphore, #tpu.memory_space<semaphore_mem>>, %arg20: memref<!tpu.dma_semaphore, #tpu.memory_space<semaphore_mem>>, %arg21: memref<!tpu.dma_semaphore, #tpu.memory_space<semaphore_mem>>, %arg22: memref<!tpu.dma_semaphore, #tpu.memory_space<semaphore_mem>>, %arg23: memref<!tpu.dma_semaphore, #tpu.memory_space<semaphore_mem>>, %arg24: memref<!tpu.dma_semaphore, #tpu.memory_space<semaphore_mem>>, %arg25: memref<!tpu.dma_semaphore, #tpu.memory_space<semaphore_mem>>, %arg26: memref<!tpu.dma_semaphore, #tpu.memory_space<semaphore_mem>>) attributes {dimension_semantics = [#tpu.dimension_semantics<core_parallel>, #tpu.dimension_semantics<subcore_parallel>], iteration_bounds = array<i64: 2, 16>, scalar_prefetch = 0 : i64, scratch_operands = 19 : i64, tpu.core_type = #tpu.core_type<sc_vector_subcore>, window_params = [{transform_indices = #map}, {transform_indices = #map1}, {transform_indices = #map1}, {transform_indices = #map}, {transform_indices = #map}, {transform_indices = #map}]} {
    %mul3A = arith.constant 624 : i32
    %mul3A_0 = arith.muli %arg1, %mul3A : i32
    %multiple_of3A = tpu.assume_multiple %mul3A_0, 8 : i32
    "tpu.region"() ({
      %run_scoped3A_194 = tpu.sem_alloc : memref<!tpu.dma_semaphore, #tpu.memory_space<semaphore_mem>>
      %dma_start3A_195 = arith.constant 0 : i32
      %dma_start3A_196 = tpu.memref_slice %arg17[%multiple_of3A, %dma_start3A_195] : memref<10000x128xf32, #tpu.memory_space<vmem_shared>> -> memref<624x128xf32, #tpu.memory_space<vmem_shared>>
      %dma_start3A_197 = arith.constant 0 : i32
      %dma_start3A_198 = tpu.memref_slice %arg5[%multiple_of3A, %dma_start3A_197] : memref<10000x128xf32, #tpu.memory_space<hbm>> -> memref<624x128xf32, #tpu.memory_space<hbm>>
      tpu.enqueue_dma source(%dma_start3A_198 : memref<624x128xf32, #tpu.memory_space<hbm>>) target(%dma_start3A_196 : memref<624x128xf32, #tpu.memory_space<vmem_shared>>) target_semaphore(%run_scoped3A_194 : memref<!tpu.dma_semaphore, #tpu.memory_space<semaphore_mem>>)
      %dma_wait3A_199 = arith.constant 0 : i32
      %dma_wait3A_200 = tpu.memref_slice %arg17[%multiple_of3A, %dma_wait3A_199] : memref<10000x128xf32, #tpu.memory_space<vmem_shared>> -> memref<624x128xf32, #tpu.memory_space<vmem_shared>>
      %dma_wait3A_201 = arith.constant 0 : i32
      %dma_wait3A_202 = tpu.memref_slice %arg5[%multiple_of3A, %dma_wait3A_201] : memref<10000x128xf32, #tpu.memory_space<hbm>> -> memref<624x128xf32, #tpu.memory_space<hbm>>
      tpu.wait_dma2 semaphore(%run_scoped3A_194 : memref<!tpu.dma_semaphore, #tpu.memory_space<semaphore_mem>>) src(%dma_wait3A_202 : memref<624x128xf32, #tpu.memory_space<hbm>>) dst(%dma_wait3A_200 : memref<624x128xf32, #tpu.memory_space<vmem_shared>>)
      tpu.yield
    }) : () -> ()
    %eq3A = arith.constant 15 : i32
    %eq3A_1 = arith.cmpi eq, %arg1, %eq3A : i32
    %convert_element_type3A = arith.extui %eq3A_1 : i1 to i32
    %cond3A = arith.constant 0 : i32
    %cond3A_2 = arith.cmpi ne, %convert_element_type3A, %cond3A : i32
    scf.if %cond3A_2 {
      "tpu.region"() ({
        %run_scoped3A_194 = tpu.sem_alloc : memref<!tpu.dma_semaphore, #tpu.memory_space<semaphore_mem>>
        %dma_start3A_195 = arith.constant 9984 : i32
        %dma_start3A_196 = arith.constant 0 : i32
        %dma_start3A_197 = tpu.memref_slice %arg17[%dma_start3A_195, %dma_start3A_196] : memref<10000x128xf32, #tpu.memory_space<vmem_shared>> -> memref<16x128xf32, #tpu.memory_space<vmem_shared>>
        %dma_start3A_198 = arith.constant 9984 : i32
        %dma_start3A_199 = arith.constant 0 : i32
        %dma_start3A_200 = tpu.memref_slice %arg5[%dma_start3A_198, %dma_start3A_199] : memref<10000x128xf32, #tpu.memory_space<hbm>> -> memref<16x128xf32, #tpu.memory_space<hbm>>
        tpu.enqueue_dma source(%dma_start3A_200 : memref<16x128xf32, #tpu.memory_space<hbm>>) target(%dma_start3A_197 : memref<16x128xf32, #tpu.memory_space<vmem_shared>>) target_semaphore(%run_scoped3A_194 : memref<!tpu.dma_semaphore, #tpu.memory_space<semaphore_mem>>)
        %dma_wait3A_201 = arith.constant 9984 : i32
        %dma_wait3A_202 = arith.constant 0 : i32
        %dma_wait3A_203 = tpu.memref_slice %arg17[%dma_wait3A_201, %dma_wait3A_202] : memref<10000x128xf32, #tpu.memory_space<vmem_shared>> -> memref<16x128xf32, #tpu.memory_space<vmem_shared>>
        %dma_wait3A_204 = arith.constant 9984 : i32
        %dma_wait3A_205 = arith.constant 0 : i32
        %dma_wait3A_206 = tpu.memref_slice %arg5[%dma_wait3A_204, %dma_wait3A_205] : memref<10000x128xf32, #tpu.memory_space<hbm>> -> memref<16x128xf32, #tpu.memory_space<hbm>>
        tpu.wait_dma2 semaphore(%run_scoped3A_194 : memref<!tpu.dma_semaphore, #tpu.memory_space<semaphore_mem>>) src(%dma_wait3A_206 : memref<16x128xf32, #tpu.memory_space<hbm>>) dst(%dma_wait3A_203 : memref<16x128xf32, #tpu.memory_space<vmem_shared>>)
        tpu.yield
      }) : () -> ()
    } else {
    }
    %barrier3A = arith.constant 0 : index
    tpu.barrier barrier_id(%barrier3A)
    %multiple_of3A_3 = arith.constant 0 : i32
    %multiple_of3A_4 = tpu.assume_multiple %multiple_of3A_3, 8 : i32
    %dma_start3A = arith.constant 0 : i32
    %dma_start3A_5 = tpu.memref_slice %arg3[%arg0, %arg1, %multiple_of3A_4, %dma_start3A] : memref<2x16x200x100xi32, #tpu.memory_space<hbm>> -> memref<1x1x8x100xi32, #tpu.memory_space<hbm>>
    %dma_start3A_6 = tpu.memref_squeeze %dma_start3A_5 : memref<1x1x8x100xi32, #tpu.memory_space<hbm>> -> memref<8x100xi32, #tpu.memory_space<hbm>>
    %dma_start3A_7 = arith.constant 0 : i32
    %dma_start3A_8 = tpu.memref_slice %arg3[%arg0, %arg1, %multiple_of3A_4, %dma_start3A_7] : memref<2x16x200x100xi32, #tpu.memory_space<hbm>> -> memref<1x1x8x100xi32, #tpu.memory_space<hbm>>
    %dma_start3A_9 = tpu.memref_squeeze %dma_start3A_8 : memref<1x1x8x100xi32, #tpu.memory_space<hbm>> -> memref<8x100xi32, #tpu.memory_space<hbm>>
    tpu.enqueue_dma source(%dma_start3A_9 : memref<8x100xi32, #tpu.memory_space<hbm>>) target(%arg8 : memref<8x100xi32, #tpu.memory_space<vmem>>) target_semaphore(%arg21 : memref<!tpu.dma_semaphore, #tpu.memory_space<semaphore_mem>>)
    %dma_start3A_10 = arith.constant 0 : i32
    %dma_start3A_11 = tpu.memref_slice %arg4[%arg0, %arg1, %multiple_of3A_4, %dma_start3A_10] : memref<2x16x200x100xi32, #tpu.memory_space<hbm>> -> memref<1x1x8x100xi32, #tpu.memory_space<hbm>>
    %dma_start3A_12 = tpu.memref_squeeze %dma_start3A_11 : memref<1x1x8x100xi32, #tpu.memory_space<hbm>> -> memref<8x100xi32, #tpu.memory_space<hbm>>
    %dma_start3A_13 = arith.constant 0 : i32
    %dma_start3A_14 = tpu.memref_slice %arg4[%arg0, %arg1, %multiple_of3A_4, %dma_start3A_13] : memref<2x16x200x100xi32, #tpu.memory_space<hbm>> -> memref<1x1x8x100xi32, #tpu.memory_space<hbm>>
    %dma_start3A_15 = tpu.memref_squeeze %dma_start3A_14 : memref<1x1x8x100xi32, #tpu.memory_space<hbm>> -> memref<8x100xi32, #tpu.memory_space<hbm>>
    tpu.enqueue_dma source(%dma_start3A_15 : memref<8x100xi32, #tpu.memory_space<hbm>>) target(%arg11 : memref<8x100xi32, #tpu.memory_space<vmem>>) target_semaphore(%arg24 : memref<!tpu.dma_semaphore, #tpu.memory_space<semaphore_mem>>)
    %multiple_of3A_16 = arith.constant 8 : i32
    %multiple_of3A_17 = tpu.assume_multiple %multiple_of3A_16, 8 : i32
    %dma_start3A_18 = arith.constant 0 : i32
    %dma_start3A_19 = tpu.memref_slice %arg3[%arg0, %arg1, %multiple_of3A_17, %dma_start3A_18] : memref<2x16x200x100xi32, #tpu.memory_space<hbm>> -> memref<1x1x8x100xi32, #tpu.memory_space<hbm>>
    %dma_start3A_20 = tpu.memref_squeeze %dma_start3A_19 : memref<1x1x8x100xi32, #tpu.memory_space<hbm>> -> memref<8x100xi32, #tpu.memory_space<hbm>>
    %dma_start3A_21 = arith.constant 0 : i32
    %dma_start3A_22 = tpu.memref_slice %arg3[%arg0, %arg1, %multiple_of3A_17, %dma_start3A_21] : memref<2x16x200x100xi32, #tpu.memory_space<hbm>> -> memref<1x1x8x100xi32, #tpu.memory_space<hbm>>
    %dma_start3A_23 = tpu.memref_squeeze %dma_start3A_22 : memref<1x1x8x100xi32, #tpu.memory_space<hbm>> -> memref<8x100xi32, #tpu.memory_space<hbm>>
    tpu.enqueue_dma source(%dma_start3A_23 : memref<8x100xi32, #tpu.memory_space<hbm>>) target(%arg9 : memref<8x100xi32, #tpu.memory_space<vmem>>) target_semaphore(%arg22 : memref<!tpu.dma_semaphore, #tpu.memory_space<semaphore_mem>>)
    %dma_start3A_24 = arith.constant 0 : i32
    %dma_start3A_25 = tpu.memref_slice %arg4[%arg0, %arg1, %multiple_of3A_17, %dma_start3A_24] : memref<2x16x200x100xi32, #tpu.memory_space<hbm>> -> memref<1x1x8x100xi32, #tpu.memory_space<hbm>>
    %dma_start3A_26 = tpu.memref_squeeze %dma_start3A_25 : memref<1x1x8x100xi32, #tpu.memory_space<hbm>> -> memref<8x100xi32, #tpu.memory_space<hbm>>
    %dma_start3A_27 = arith.constant 0 : i32
    %dma_start3A_28 = tpu.memref_slice %arg4[%arg0, %arg1, %multiple_of3A_17, %dma_start3A_27] : memref<2x16x200x100xi32, #tpu.memory_space<hbm>> -> memref<1x1x8x100xi32, #tpu.memory_space<hbm>>
    %dma_start3A_29 = tpu.memref_squeeze %dma_start3A_28 : memref<1x1x8x100xi32, #tpu.memory_space<hbm>> -> memref<8x100xi32, #tpu.memory_space<hbm>>
    tpu.enqueue_dma source(%dma_start3A_29 : memref<8x100xi32, #tpu.memory_space<hbm>>) target(%arg12 : memref<8x100xi32, #tpu.memory_space<vmem>>) target_semaphore(%arg25 : memref<!tpu.dma_semaphore, #tpu.memory_space<semaphore_mem>>)
    %multiple_of3A_30 = arith.constant 16 : i32
    %multiple_of3A_31 = tpu.assume_multiple %multiple_of3A_30, 8 : i32
    %dma_start3A_32 = arith.constant 0 : i32
    %dma_start3A_33 = tpu.memref_slice %arg3[%arg0, %arg1, %multiple_of3A_31, %dma_start3A_32] : memref<2x16x200x100xi32, #tpu.memory_space<hbm>> -> memref<1x1x8x100xi32, #tpu.memory_space<hbm>>
    %dma_start3A_34 = tpu.memref_squeeze %dma_start3A_33 : memref<1x1x8x100xi32, #tpu.memory_space<hbm>> -> memref<8x100xi32, #tpu.memory_space<hbm>>
    %dma_start3A_35 = arith.constant 0 : i32
    %dma_start3A_36 = tpu.memref_slice %arg3[%arg0, %arg1, %multiple_of3A_31, %dma_start3A_35] : memref<2x16x200x100xi32, #tpu.memory_space<hbm>> -> memref<1x1x8x100xi32, #tpu.memory_space<hbm>>
    %dma_start3A_37 = tpu.memref_squeeze %dma_start3A_36 : memref<1x1x8x100xi32, #tpu.memory_space<hbm>> -> memref<8x100xi32, #tpu.memory_space<hbm>>
    tpu.enqueue_dma source(%dma_start3A_37 : memref<8x100xi32, #tpu.memory_space<hbm>>) target(%arg10 : memref<8x100xi32, #tpu.memory_space<vmem>>) target_semaphore(%arg23 : memref<!tpu.dma_semaphore, #tpu.memory_space<semaphore_mem>>)
    %dma_start3A_38 = arith.constant 0 : i32
    %dma_start3A_39 = tpu.memref_slice %arg4[%arg0, %arg1, %multiple_of3A_31, %dma_start3A_38] : memref<2x16x200x100xi32, #tpu.memory_space<hbm>> -> memref<1x1x8x100xi32, #tpu.memory_space<hbm>>
    %dma_start3A_40 = tpu.memref_squeeze %dma_start3A_39 : memref<1x1x8x100xi32, #tpu.memory_space<hbm>> -> memref<8x100xi32, #tpu.memory_space<hbm>>
    %dma_start3A_41 = arith.constant 0 : i32
    %dma_start3A_42 = tpu.memref_slice %arg4[%arg0, %arg1, %multiple_of3A_31, %dma_start3A_41] : memref<2x16x200x100xi32, #tpu.memory_space<hbm>> -> memref<1x1x8x100xi32, #tpu.memory_space<hbm>>
    %dma_start3A_43 = tpu.memref_squeeze %dma_start3A_42 : memref<1x1x8x100xi32, #tpu.memory_space<hbm>> -> memref<8x100xi32, #tpu.memory_space<hbm>>
    tpu.enqueue_dma source(%dma_start3A_43 : memref<8x100xi32, #tpu.memory_space<hbm>>) target(%arg13 : memref<8x100xi32, #tpu.memory_space<vmem>>) target_semaphore(%arg26 : memref<!tpu.dma_semaphore, #tpu.memory_space<semaphore_mem>>)
    %scan3A = arith.constant 0 : i32
    %scan3A_44 = arith.constant 0 : i32
    %scan3A_45 = arith.constant 8 : i32
    %scan3A_46 = arith.addi %scan3A_44, %scan3A_45 : i32
    %scan3A_47 = arith.constant 1 : i32
    scf.for %scan3A_194 = %scan3A_44 to %scan3A_46 step %scan3A_47  : i32 {
      %mul3A_195 = arith.constant 3 : i32
      %mul3A_196 = arith.muli %scan3A_194, %mul3A_195 : i32
      %dma_wait3A_197 = arith.constant 0 : i32
      %dma_wait3A_198 = arith.constant 0 : i32
      %dma_wait3A_199 = tpu.memref_slice %arg3[%arg0, %arg1, %dma_wait3A_197, %dma_wait3A_198] : memref<2x16x200x100xi32, #tpu.memory_space<hbm>> -> memref<1x1x8x100xi32, #tpu.memory_space<hbm>>
      %dma_wait3A_200 = tpu.memref_squeeze %dma_wait3A_199 : memref<1x1x8x100xi32, #tpu.memory_space<hbm>> -> memref<8x100xi32, #tpu.memory_space<hbm>>
      %dma_wait3A_201 = arith.constant 0 : i32
      %dma_wait3A_202 = arith.constant 0 : i32
      %dma_wait3A_203 = tpu.memref_slice %arg3[%arg0, %arg1, %dma_wait3A_201, %dma_wait3A_202] : memref<2x16x200x100xi32, #tpu.memory_space<hbm>> -> memref<1x1x8x100xi32, #tpu.memory_space<hbm>>
      %dma_wait3A_204 = tpu.memref_squeeze %dma_wait3A_203 : memref<1x1x8x100xi32, #tpu.memory_space<hbm>> -> memref<8x100xi32, #tpu.memory_space<hbm>>
      tpu.wait_dma2 semaphore(%arg21 : memref<!tpu.dma_semaphore, #tpu.memory_space<semaphore_mem>>) src(%dma_wait3A_204 : memref<8x100xi32, #tpu.memory_space<hbm>>) dst(%arg8 : memref<8x100xi32, #tpu.memory_space<vmem>>)
      %dma_wait3A_205 = arith.constant 0 : i32
      %dma_wait3A_206 = arith.constant 0 : i32
      %dma_wait3A_207 = tpu.memref_slice %arg4[%arg0, %arg1, %dma_wait3A_205, %dma_wait3A_206] : memref<2x16x200x100xi32, #tpu.memory_space<hbm>> -> memref<1x1x8x100xi32, #tpu.memory_space<hbm>>
      %dma_wait3A_208 = tpu.memref_squeeze %dma_wait3A_207 : memref<1x1x8x100xi32, #tpu.memory_space<hbm>> -> memref<8x100xi32, #tpu.memory_space<hbm>>
      %dma_wait3A_209 = arith.constant 0 : i32
      %dma_wait3A_210 = arith.constant 0 : i32
      %dma_wait3A_211 = tpu.memref_slice %arg4[%arg0, %arg1, %dma_wait3A_209, %dma_wait3A_210] : memref<2x16x200x100xi32, #tpu.memory_space<hbm>> -> memref<1x1x8x100xi32, #tpu.memory_space<hbm>>
      %dma_wait3A_212 = tpu.memref_squeeze %dma_wait3A_211 : memref<1x1x8x100xi32, #tpu.memory_space<hbm>> -> memref<8x100xi32, #tpu.memory_space<hbm>>
      tpu.wait_dma2 semaphore(%arg24 : memref<!tpu.dma_semaphore, #tpu.memory_space<semaphore_mem>>) src(%dma_wait3A_212 : memref<8x100xi32, #tpu.memory_space<hbm>>) dst(%arg11 : memref<8x100xi32, #tpu.memory_space<vmem>>)
      %dma_start3A_213 = arith.constant 0 : i32
      %dma_start3A_214 = arith.constant 0 : i32
      %dma_start3A_215 = tpu.memref_slice %arg8[%dma_start3A_213, %dma_start3A_214] : memref<8x100xi32, #tpu.memory_space<vmem>> -> memref<1x100xi32, #tpu.memory_space<vmem>>
      %dma_start3A_216 = tpu.memref_squeeze %dma_start3A_215 : memref<1x100xi32, #tpu.memory_space<vmem>> -> memref<100xi32, #tpu.memory_space<vmem>>
      %dma_start3A_217 = arith.constant 0 : i32
      %dma_start3A_218 = arith.constant 0 : i32
      %dma_start3A_219 = tpu.memref_slice %arg2[%dma_start3A_217, %dma_start3A_218] : memref<10000x128xf32, #tpu.memory_space<hbm>> -> memref<10000x128xf32, #tpu.memory_space<hbm>>
      tpu.enqueue_indirect_dma source(%dma_start3A_219 : memref<10000x128xf32, #tpu.memory_space<hbm>>) target(%arg14 : memref<100x128xf32, #tpu.memory_space<vmem>>) offsets(%dma_start3A_216 : memref<100xi32, #tpu.memory_space<vmem>>) semaphore(%arg18 : memref<!tpu.dma_semaphore, #tpu.memory_space<semaphore_mem>>)
      %dma_start3A_220 = arith.constant 1 : i32
      %dma_start3A_221 = arith.constant 0 : i32
      %dma_start3A_222 = tpu.memref_slice %arg8[%dma_start3A_220, %dma_start3A_221] : memref<8x100xi32, #tpu.memory_space<vmem>> -> memref<1x100xi32, #tpu.memory_space<vmem>>
      %dma_start3A_223 = tpu.memref_squeeze %dma_start3A_222 : memref<1x100xi32, #tpu.memory_space<vmem>> -> memref<100xi32, #tpu.memory_space<vmem>>
      %dma_start3A_224 = arith.constant 0 : i32
      %dma_start3A_225 = arith.constant 0 : i32
      %dma_start3A_226 = tpu.memref_slice %arg2[%dma_start3A_224, %dma_start3A_225] : memref<10000x128xf32, #tpu.memory_space<hbm>> -> memref<10000x128xf32, #tpu.memory_space<hbm>>
      tpu.enqueue_indirect_dma source(%dma_start3A_226 : memref<10000x128xf32, #tpu.memory_space<hbm>>) target(%arg15 : memref<100x128xf32, #tpu.memory_space<vmem>>) offsets(%dma_start3A_223 : memref<100xi32, #tpu.memory_space<vmem>>) semaphore(%arg19 : memref<!tpu.dma_semaphore, #tpu.memory_space<semaphore_mem>>)
      %dma_wait3A_227 = arith.constant 0 : i32
      %dma_wait3A_228 = arith.constant 0 : i32
      %dma_wait3A_229 = tpu.memref_slice %arg8[%dma_wait3A_227, %dma_wait3A_228] : memref<8x100xi32, #tpu.memory_space<vmem>> -> memref<1x100xi32, #tpu.memory_space<vmem>>
      %dma_wait3A_230 = tpu.memref_squeeze %dma_wait3A_229 : memref<1x100xi32, #tpu.memory_space<vmem>> -> memref<100xi32, #tpu.memory_space<vmem>>
      %dma_wait3A_231 = arith.constant 0 : i32
      %dma_wait3A_232 = arith.constant 0 : i32
      %dma_wait3A_233 = tpu.memref_slice %arg2[%dma_wait3A_231, %dma_wait3A_232] : memref<10000x128xf32, #tpu.memory_space<hbm>> -> memref<10000x128xf32, #tpu.memory_space<hbm>>
      tpu.wait_indirect_dma semaphore(%arg18 : memref<!tpu.dma_semaphore, #tpu.memory_space<semaphore_mem>>) src(%dma_wait3A_233 : memref<10000x128xf32, #tpu.memory_space<hbm>>) dst(%arg14 : memref<100x128xf32, #tpu.memory_space<vmem>>)
      %dma_start3A_234 = arith.constant 2 : i32
      %dma_start3A_235 = arith.constant 0 : i32
      %dma_start3A_236 = tpu.memref_slice %arg8[%dma_start3A_234, %dma_start3A_235] : memref<8x100xi32, #tpu.memory_space<vmem>> -> memref<1x100xi32, #tpu.memory_space<vmem>>
      %dma_start3A_237 = tpu.memref_squeeze %dma_start3A_236 : memref<1x100xi32, #tpu.memory_space<vmem>> -> memref<100xi32, #tpu.memory_space<vmem>>
      %dma_start3A_238 = arith.constant 0 : i32
      %dma_start3A_239 = arith.constant 0 : i32
      %dma_start3A_240 = tpu.memref_slice %arg2[%dma_start3A_238, %dma_start3A_239] : memref<10000x128xf32, #tpu.memory_space<hbm>> -> memref<10000x128xf32, #tpu.memory_space<hbm>>
      tpu.enqueue_indirect_dma source(%dma_start3A_240 : memref<10000x128xf32, #tpu.memory_space<hbm>>) target(%arg16 : memref<100x128xf32, #tpu.memory_space<vmem>>) offsets(%dma_start3A_237 : memref<100xi32, #tpu.memory_space<vmem>>) semaphore(%arg20 : memref<!tpu.dma_semaphore, #tpu.memory_space<semaphore_mem>>)
      %run_scoped3A_241 = arith.constant 0 : i32
      "tpu.region"() ({
        %run_scoped3A_625 = tpu.sem_alloc : memref<!tpu.dma_semaphore, #tpu.memory_space<semaphore_mem>>
        %dma_start3A_626 = arith.constant 0 : i32
        %dma_start3A_627 = tpu.memref_slice %arg11[%run_scoped3A_241, %dma_start3A_626] : memref<8x100xi32, #tpu.memory_space<vmem>> -> memref<1x100xi32, #tpu.memory_space<vmem>>
        %dma_start3A_628 = tpu.memref_squeeze %dma_start3A_627 : memref<1x100xi32, #tpu.memory_space<vmem>> -> memref<100xi32, #tpu.memory_space<vmem>>
        %dma_start3A_629 = arith.constant 0 : i32
        %dma_start3A_630 = arith.constant 0 : i32
        %dma_start3A_631 = tpu.memref_slice %arg17[%dma_start3A_629, %dma_start3A_630] : memref<10000x128xf32, #tpu.memory_space<vmem_shared>> -> memref<10000x128xf32, #tpu.memory_space<vmem_shared>>
        tpu.enqueue_indirect_dma source(%arg14 : memref<100x128xf32, #tpu.memory_space<vmem>>) target(%dma_start3A_631 : memref<10000x128xf32, #tpu.memory_space<vmem_shared>>) offsets(%dma_start3A_628 : memref<100xi32, #tpu.memory_space<vmem>>) semaphore(%run_scoped3A_625 : memref<!tpu.dma_semaphore, #tpu.memory_space<semaphore_mem>>) {add = true}
        %dma_wait3A_632 = arith.constant 0 : i32
        %dma_wait3A_633 = tpu.memref_slice %arg11[%run_scoped3A_241, %dma_wait3A_632] : memref<8x100xi32, #tpu.memory_space<vmem>> -> memref<1x100xi32, #tpu.memory_space<vmem>>
        %dma_wait3A_634 = tpu.memref_squeeze %dma_wait3A_633 : memref<1x100xi32, #tpu.memory_space<vmem>> -> memref<100xi32, #tpu.memory_space<vmem>>
        %dma_wait3A_635 = arith.constant 0 : i32
        %dma_wait3A_636 = arith.constant 0 : i32
        %dma_wait3A_637 = tpu.memref_slice %arg17[%dma_wait3A_635, %dma_wait3A_636] : memref<10000x128xf32, #tpu.memory_space<vmem_shared>> -> memref<10000x128xf32, #tpu.memory_space<vmem_shared>>
        tpu.wait_indirect_dma semaphore(%run_scoped3A_625 : memref<!tpu.dma_semaphore, #tpu.memory_space<semaphore_mem>>) src(%arg14 : memref<100x128xf32, #tpu.memory_space<vmem>>) dst(%dma_wait3A_637 : memref<10000x128xf32, #tpu.memory_space<vmem_shared>>)
        tpu.yield
      }) : () -> ()
      %dma_wait3A_242 = arith.constant 0 : i32
      %dma_wait3A_243 = arith.constant 0 : i32
      %dma_wait3A_244 = tpu.memref_slice %arg8[%dma_wait3A_242, %dma_wait3A_243] : memref<8x100xi32, #tpu.memory_space<vmem>> -> memref<1x100xi32, #tpu.memory_space<vmem>>
      %dma_wait3A_245 = tpu.memref_squeeze %dma_wait3A_244 : memref<1x100xi32, #tpu.memory_space<vmem>> -> memref<100xi32, #tpu.memory_space<vmem>>
      %dma_wait3A_246 = arith.constant 0 : i32
      %dma_wait3A_247 = arith.constant 0 : i32
      %dma_wait3A_248 = tpu.memref_slice %arg2[%dma_wait3A_246, %dma_wait3A_247] : memref<10000x128xf32, #tpu.memory_space<hbm>> -> memref<10000x128xf32, #tpu.memory_space<hbm>>
      tpu.wait_indirect_dma semaphore(%arg19 : memref<!tpu.dma_semaphore, #tpu.memory_space<semaphore_mem>>) src(%dma_wait3A_248 : memref<10000x128xf32, #tpu.memory_space<hbm>>) dst(%arg15 : memref<100x128xf32, #tpu.memory_space<vmem>>)
      %dma_start3A_249 = arith.constant 3 : i32
      %dma_start3A_250 = arith.constant 0 : i32
      %dma_start3A_251 = tpu.memref_slice %arg8[%dma_start3A_249, %dma_start3A_250] : memref<8x100xi32, #tpu.memory_space<vmem>> -> memref<1x100xi32, #tpu.memory_space<vmem>>
      %dma_start3A_252 = tpu.memref_squeeze %dma_start3A_251 : memref<1x100xi32, #tpu.memory_space<vmem>> -> memref<100xi32, #tpu.memory_space<vmem>>
      %dma_start3A_253 = arith.constant 0 : i32
      %dma_start3A_254 = arith.constant 0 : i32
      %dma_start3A_255 = tpu.memref_slice %arg2[%dma_start3A_253, %dma_start3A_254] : memref<10000x128xf32, #tpu.memory_space<hbm>> -> memref<10000x128xf32, #tpu.memory_space<hbm>>
      tpu.enqueue_indirect_dma source(%dma_start3A_255 : memref<10000x128xf32, #tpu.memory_space<hbm>>) target(%arg14 : memref<100x128xf32, #tpu.memory_space<vmem>>) offsets(%dma_start3A_252 : memref<100xi32, #tpu.memory_space<vmem>>) semaphore(%arg18 : memref<!tpu.dma_semaphore, #tpu.memory_space<semaphore_mem>>)
      %run_scoped3A_256 = arith.constant 1 : i32
      "tpu.region"() ({
        %run_scoped3A_625 = tpu.sem_alloc : memref<!tpu.dma_semaphore, #tpu.memory_space<semaphore_mem>>
        %dma_start3A_626 = arith.constant 0 : i32
        %dma_start3A_627 = tpu.memref_slice %arg11[%run_scoped3A_256, %dma_start3A_626] : memref<8x100xi32, #tpu.memory_space<vmem>> -> memref<1x100xi32, #tpu.memory_space<vmem>>
        %dma_start3A_628 = tpu.memref_squeeze %dma_start3A_627 : memref<1x100xi32, #tpu.memory_space<vmem>> -> memref<100xi32, #tpu.memory_space<vmem>>
        %dma_start3A_629 = arith.constant 0 : i32
        %dma_start3A_630 = arith.constant 0 : i32
        %dma_start3A_631 = tpu.memref_slice %arg17[%dma_start3A_629, %dma_start3A_630] : memref<10000x128xf32, #tpu.memory_space<vmem_shared>> -> memref<10000x128xf32, #tpu.memory_space<vmem_shared>>
        tpu.enqueue_indirect_dma source(%arg15 : memref<100x128xf32, #tpu.memory_space<vmem>>) target(%dma_start3A_631 : memref<10000x128xf32, #tpu.memory_space<vmem_shared>>) offsets(%dma_start3A_628 : memref<100xi32, #tpu.memory_space<vmem>>) semaphore(%run_scoped3A_625 : memref<!tpu.dma_semaphore, #tpu.memory_space<semaphore_mem>>) {add = true}
        %dma_wait3A_632 = arith.constant 0 : i32
        %dma_wait3A_633 = tpu.memref_slice %arg11[%run_scoped3A_256, %dma_wait3A_632] : memref<8x100xi32, #tpu.memory_space<vmem>> -> memref<1x100xi32, #tpu.memory_space<vmem>>
        %dma_wait3A_634 = tpu.memref_squeeze %dma_wait3A_633 : memref<1x100xi32, #tpu.memory_space<vmem>> -> memref<100xi32, #tpu.memory_space<vmem>>
        %dma_wait3A_635 = arith.constant 0 : i32
        %dma_wait3A_636 = arith.constant 0 : i32
        %dma_wait3A_637 = tpu.memref_slice %arg17[%dma_wait3A_635, %dma_wait3A_636] : memref<10000x128xf32, #tpu.memory_space<vmem_shared>> -> memref<10000x128xf32, #tpu.memory_space<vmem_shared>>
        tpu.wait_indirect_dma semaphore(%run_scoped3A_625 : memref<!tpu.dma_semaphore, #tpu.memory_space<semaphore_mem>>) src(%arg15 : memref<100x128xf32, #tpu.memory_space<vmem>>) dst(%dma_wait3A_637 : memref<10000x128xf32, #tpu.memory_space<vmem_shared>>)
        tpu.yield
      }) : () -> ()
      %dma_wait3A_257 = arith.constant 0 : i32
      %dma_wait3A_258 = arith.constant 0 : i32
      %dma_wait3A_259 = tpu.memref_slice %arg8[%dma_wait3A_257, %dma_wait3A_258] : memref<8x100xi32, #tpu.memory_space<vmem>> -> memref<1x100xi32, #tpu.memory_space<vmem>>
      %dma_wait3A_260 = tpu.memref_squeeze %dma_wait3A_259 : memref<1x100xi32, #tpu.memory_space<vmem>> -> memref<100xi32, #tpu.memory_space<vmem>>
      %dma_wait3A_261 = arith.constant 0 : i32
      %dma_wait3A_262 = arith.constant 0 : i32
      %dma_wait3A_263 = tpu.memref_slice %arg2[%dma_wait3A_261, %dma_wait3A_262] : memref<10000x128xf32, #tpu.memory_space<hbm>> -> memref<10000x128xf32, #tpu.memory_space<hbm>>
      tpu.wait_indirect_dma semaphore(%arg20 : memref<!tpu.dma_semaphore, #tpu.memory_space<semaphore_mem>>) src(%dma_wait3A_263 : memref<10000x128xf32, #tpu.memory_space<hbm>>) dst(%arg16 : memref<100x128xf32, #tpu.memory_space<vmem>>)
      %dma_start3A_264 = arith.constant 4 : i32
      %dma_start3A_265 = arith.constant 0 : i32
      %dma_start3A_266 = tpu.memref_slice %arg8[%dma_start3A_264, %dma_start3A_265] : memref<8x100xi32, #tpu.memory_space<vmem>> -> memref<1x100xi32, #tpu.memory_space<vmem>>
      %dma_start3A_267 = tpu.memref_squeeze %dma_start3A_266 : memref<1x100xi32, #tpu.memory_space<vmem>> -> memref<100xi32, #tpu.memory_space<vmem>>
      %dma_start3A_268 = arith.constant 0 : i32
      %dma_start3A_269 = arith.constant 0 : i32
      %dma_start3A_270 = tpu.memref_slice %arg2[%dma_start3A_268, %dma_start3A_269] : memref<10000x128xf32, #tpu.memory_space<hbm>> -> memref<10000x128xf32, #tpu.memory_space<hbm>>
      tpu.enqueue_indirect_dma source(%dma_start3A_270 : memref<10000x128xf32, #tpu.memory_space<hbm>>) target(%arg15 : memref<100x128xf32, #tpu.memory_space<vmem>>) offsets(%dma_start3A_267 : memref<100xi32, #tpu.memory_space<vmem>>) semaphore(%arg19 : memref<!tpu.dma_semaphore, #tpu.memory_space<semaphore_mem>>)
      %run_scoped3A_271 = arith.constant 2 : i32
      "tpu.region"() ({
        %run_scoped3A_625 = tpu.sem_alloc : memref<!tpu.dma_semaphore, #tpu.memory_space<semaphore_mem>>
        %dma_start3A_626 = arith.constant 0 : i32
        %dma_start3A_627 = tpu.memref_slice %arg11[%run_scoped3A_271, %dma_start3A_626] : memref<8x100xi32, #tpu.memory_space<vmem>> -> memref<1x100xi32, #tpu.memory_space<vmem>>
        %dma_start3A_628 = tpu.memref_squeeze %dma_start3A_627 : memref<1x100xi32, #tpu.memory_space<vmem>> -> memref<100xi32, #tpu.memory_space<vmem>>
        %dma_start3A_629 = arith.constant 0 : i32
        %dma_start3A_630 = arith.constant 0 : i32
        %dma_start3A_631 = tpu.memref_slice %arg17[%dma_start3A_629, %dma_start3A_630] : memref<10000x128xf32, #tpu.memory_space<vmem_shared>> -> memref<10000x128xf32, #tpu.memory_space<vmem_shared>>
        tpu.enqueue_indirect_dma source(%arg16 : memref<100x128xf32, #tpu.memory_space<vmem>>) target(%dma_start3A_631 : memref<10000x128xf32, #tpu.memory_space<vmem_shared>>) offsets(%dma_start3A_628 : memref<100xi32, #tpu.memory_space<vmem>>) semaphore(%run_scoped3A_625 : memref<!tpu.dma_semaphore, #tpu.memory_space<semaphore_mem>>) {add = true}
        %dma_wait3A_632 = arith.constant 0 : i32
        %dma_wait3A_633 = tpu.memref_slice %arg11[%run_scoped3A_271, %dma_wait3A_632] : memref<8x100xi32, #tpu.memory_space<vmem>> -> memref<1x100xi32, #tpu.memory_space<vmem>>
        %dma_wait3A_634 = tpu.memref_squeeze %dma_wait3A_633 : memref<1x100xi32, #tpu.memory_space<vmem>> -> memref<100xi32, #tpu.memory_space<vmem>>
        %dma_wait3A_635 = arith.constant 0 : i32
        %dma_wait3A_636 = arith.constant 0 : i32
        %dma_wait3A_637 = tpu.memref_slice %arg17[%dma_wait3A_635, %dma_wait3A_636] : memref<10000x128xf32, #tpu.memory_space<vmem_shared>> -> memref<10000x128xf32, #tpu.memory_space<vmem_shared>>
        tpu.wait_indirect_dma semaphore(%run_scoped3A_625 : memref<!tpu.dma_semaphore, #tpu.memory_space<semaphore_mem>>) src(%arg16 : memref<100x128xf32, #tpu.memory_space<vmem>>) dst(%dma_wait3A_637 : memref<10000x128xf32, #tpu.memory_space<vmem_shared>>)
        tpu.yield
      }) : () -> ()
      %dma_wait3A_272 = arith.constant 0 : i32
      %dma_wait3A_273 = arith.constant 0 : i32
      %dma_wait3A_274 = tpu.memref_slice %arg8[%dma_wait3A_272, %dma_wait3A_273] : memref<8x100xi32, #tpu.memory_space<vmem>> -> memref<1x100xi32, #tpu.memory_space<vmem>>
      %dma_wait3A_275 = tpu.memref_squeeze %dma_wait3A_274 : memref<1x100xi32, #tpu.memory_space<vmem>> -> memref<100xi32, #tpu.memory_space<vmem>>
      %dma_wait3A_276 = arith.constant 0 : i32
      %dma_wait3A_277 = arith.constant 0 : i32
      %dma_wait3A_278 = tpu.memref_slice %arg2[%dma_wait3A_276, %dma_wait3A_277] : memref<10000x128xf32, #tpu.memory_space<hbm>> -> memref<10000x128xf32, #tpu.memory_space<hbm>>
      tpu.wait_indirect_dma semaphore(%arg18 : memref<!tpu.dma_semaphore, #tpu.memory_space<semaphore_mem>>) src(%dma_wait3A_278 : memref<10000x128xf32, #tpu.memory_space<hbm>>) dst(%arg14 : memref<100x128xf32, #tpu.memory_space<vmem>>)
      %dma_start3A_279 = arith.constant 5 : i32
      %dma_start3A_280 = arith.constant 0 : i32
      %dma_start3A_281 = tpu.memref_slice %arg8[%dma_start3A_279, %dma_start3A_280] : memref<8x100xi32, #tpu.memory_space<vmem>> -> memref<1x100xi32, #tpu.memory_space<vmem>>
      %dma_start3A_282 = tpu.memref_squeeze %dma_start3A_281 : memref<1x100xi32, #tpu.memory_space<vmem>> -> memref<100xi32, #tpu.memory_space<vmem>>
      %dma_start3A_283 = arith.constant 0 : i32
      %dma_start3A_284 = arith.constant 0 : i32
      %dma_start3A_285 = tpu.memref_slice %arg2[%dma_start3A_283, %dma_start3A_284] : memref<10000x128xf32, #tpu.memory_space<hbm>> -> memref<10000x128xf32, #tpu.memory_space<hbm>>
      tpu.enqueue_indirect_dma source(%dma_start3A_285 : memref<10000x128xf32, #tpu.memory_space<hbm>>) target(%arg16 : memref<100x128xf32, #tpu.memory_space<vmem>>) offsets(%dma_start3A_282 : memref<100xi32, #tpu.memory_space<vmem>>) semaphore(%arg20 : memref<!tpu.dma_semaphore, #tpu.memory_space<semaphore_mem>>)
      %run_scoped3A_286 = arith.constant 3 : i32
      "tpu.region"() ({
        %run_scoped3A_625 = tpu.sem_alloc : memref<!tpu.dma_semaphore, #tpu.memory_space<semaphore_mem>>
        %dma_start3A_626 = arith.constant 0 : i32
        %dma_start3A_627 = tpu.memref_slice %arg11[%run_scoped3A_286, %dma_start3A_626] : memref<8x100xi32, #tpu.memory_space<vmem>> -> memref<1x100xi32, #tpu.memory_space<vmem>>
        %dma_start3A_628 = tpu.memref_squeeze %dma_start3A_627 : memref<1x100xi32, #tpu.memory_space<vmem>> -> memref<100xi32, #tpu.memory_space<vmem>>
        %dma_start3A_629 = arith.constant 0 : i32
        %dma_start3A_630 = arith.constant 0 : i32
        %dma_start3A_631 = tpu.memref_slice %arg17[%dma_start3A_629, %dma_start3A_630] : memref<10000x128xf32, #tpu.memory_space<vmem_shared>> -> memref<10000x128xf32, #tpu.memory_space<vmem_shared>>
        tpu.enqueue_indirect_dma source(%arg14 : memref<100x128xf32, #tpu.memory_space<vmem>>) target(%dma_start3A_631 : memref<10000x128xf32, #tpu.memory_space<vmem_shared>>) offsets(%dma_start3A_628 : memref<100xi32, #tpu.memory_space<vmem>>) semaphore(%run_scoped3A_625 : memref<!tpu.dma_semaphore, #tpu.memory_space<semaphore_mem>>) {add = true}
        %dma_wait3A_632 = arith.constant 0 : i32
        %dma_wait3A_633 = tpu.memref_slice %arg11[%run_scoped3A_286, %dma_wait3A_632] : memref<8x100xi32, #tpu.memory_space<vmem>> -> memref<1x100xi32, #tpu.memory_space<vmem>>
        %dma_wait3A_634 = tpu.memref_squeeze %dma_wait3A_633 : memref<1x100xi32, #tpu.memory_space<vmem>> -> memref<100xi32, #tpu.memory_space<vmem>>
        %dma_wait3A_635 = arith.constant 0 : i32
        %dma_wait3A_636 = arith.constant 0 : i32
        %dma_wait3A_637 = tpu.memref_slice %arg17[%dma_wait3A_635, %dma_wait3A_636] : memref<10000x128xf32, #tpu.memory_space<vmem_shared>> -> memref<10000x128xf32, #tpu.memory_space<vmem_shared>>
        tpu.wait_indirect_dma semaphore(%run_scoped3A_625 : memref<!tpu.dma_semaphore, #tpu.memory_space<semaphore_mem>>) src(%arg14 : memref<100x128xf32, #tpu.memory_space<vmem>>) dst(%dma_wait3A_637 : memref<10000x128xf32, #tpu.memory_space<vmem_shared>>)
        tpu.yield
      }) : () -> ()
      %dma_wait3A_287 = arith.constant 0 : i32
      %dma_wait3A_288 = arith.constant 0 : i32
      %dma_wait3A_289 = tpu.memref_slice %arg8[%dma_wait3A_287, %dma_wait3A_288] : memref<8x100xi32, #tpu.memory_space<vmem>> -> memref<1x100xi32, #tpu.memory_space<vmem>>
      %dma_wait3A_290 = tpu.memref_squeeze %dma_wait3A_289 : memref<1x100xi32, #tpu.memory_space<vmem>> -> memref<100xi32, #tpu.memory_space<vmem>>
      %dma_wait3A_291 = arith.constant 0 : i32
      %dma_wait3A_292 = arith.constant 0 : i32
      %dma_wait3A_293 = tpu.memref_slice %arg2[%dma_wait3A_291, %dma_wait3A_292] : memref<10000x128xf32, #tpu.memory_space<hbm>> -> memref<10000x128xf32, #tpu.memory_space<hbm>>
      tpu.wait_indirect_dma semaphore(%arg19 : memref<!tpu.dma_semaphore, #tpu.memory_space<semaphore_mem>>) src(%dma_wait3A_293 : memref<10000x128xf32, #tpu.memory_space<hbm>>) dst(%arg15 : memref<100x128xf32, #tpu.memory_space<vmem>>)
      %dma_start3A_294 = arith.constant 6 : i32
      %dma_start3A_295 = arith.constant 0 : i32
      %dma_start3A_296 = tpu.memref_slice %arg8[%dma_start3A_294, %dma_start3A_295] : memref<8x100xi32, #tpu.memory_space<vmem>> -> memref<1x100xi32, #tpu.memory_space<vmem>>
      %dma_start3A_297 = tpu.memref_squeeze %dma_start3A_296 : memref<1x100xi32, #tpu.memory_space<vmem>> -> memref<100xi32, #tpu.memory_space<vmem>>
      %dma_start3A_298 = arith.constant 0 : i32
      %dma_start3A_299 = arith.constant 0 : i32
      %dma_start3A_300 = tpu.memref_slice %arg2[%dma_start3A_298, %dma_start3A_299] : memref<10000x128xf32, #tpu.memory_space<hbm>> -> memref<10000x128xf32, #tpu.memory_space<hbm>>
      tpu.enqueue_indirect_dma source(%dma_start3A_300 : memref<10000x128xf32, #tpu.memory_space<hbm>>) target(%arg14 : memref<100x128xf32, #tpu.memory_space<vmem>>) offsets(%dma_start3A_297 : memref<100xi32, #tpu.memory_space<vmem>>) semaphore(%arg18 : memref<!tpu.dma_semaphore, #tpu.memory_space<semaphore_mem>>)
      %run_scoped3A_301 = arith.constant 4 : i32
      "tpu.region"() ({
        %run_scoped3A_625 = tpu.sem_alloc : memref<!tpu.dma_semaphore, #tpu.memory_space<semaphore_mem>>
        %dma_start3A_626 = arith.constant 0 : i32
        %dma_start3A_627 = tpu.memref_slice %arg11[%run_scoped3A_301, %dma_start3A_626] : memref<8x100xi32, #tpu.memory_space<vmem>> -> memref<1x100xi32, #tpu.memory_space<vmem>>
        %dma_start3A_628 = tpu.memref_squeeze %dma_start3A_627 : memref<1x100xi32, #tpu.memory_space<vmem>> -> memref<100xi32, #tpu.memory_space<vmem>>
        %dma_start3A_629 = arith.constant 0 : i32
        %dma_start3A_630 = arith.constant 0 : i32
        %dma_start3A_631 = tpu.memref_slice %arg17[%dma_start3A_629, %dma_start3A_630] : memref<10000x128xf32, #tpu.memory_space<vmem_shared>> -> memref<10000x128xf32, #tpu.memory_space<vmem_shared>>
        tpu.enqueue_indirect_dma source(%arg15 : memref<100x128xf32, #tpu.memory_space<vmem>>) target(%dma_start3A_631 : memref<10000x128xf32, #tpu.memory_space<vmem_shared>>) offsets(%dma_start3A_628 : memref<100xi32, #tpu.memory_space<vmem>>) semaphore(%run_scoped3A_625 : memref<!tpu.dma_semaphore, #tpu.memory_space<semaphore_mem>>) {add = true}
        %dma_wait3A_632 = arith.constant 0 : i32
        %dma_wait3A_633 = tpu.memref_slice %arg11[%run_scoped3A_301, %dma_wait3A_632] : memref<8x100xi32, #tpu.memory_space<vmem>> -> memref<1x100xi32, #tpu.memory_space<vmem>>
        %dma_wait3A_634 = tpu.memref_squeeze %dma_wait3A_633 : memref<1x100xi32, #tpu.memory_space<vmem>> -> memref<100xi32, #tpu.memory_space<vmem>>
        %dma_wait3A_635 = arith.constant 0 : i32
        %dma_wait3A_636 = arith.constant 0 : i32
        %dma_wait3A_637 = tpu.memref_slice %arg17[%dma_wait3A_635, %dma_wait3A_636] : memref<10000x128xf32, #tpu.memory_space<vmem_shared>> -> memref<10000x128xf32, #tpu.memory_space<vmem_shared>>
        tpu.wait_indirect_dma semaphore(%run_scoped3A_625 : memref<!tpu.dma_semaphore, #tpu.memory_space<semaphore_mem>>) src(%arg15 : memref<100x128xf32, #tpu.memory_space<vmem>>) dst(%dma_wait3A_637 : memref<10000x128xf32, #tpu.memory_space<vmem_shared>>)
        tpu.yield
      }) : () -> ()
      %dma_wait3A_302 = arith.constant 0 : i32
      %dma_wait3A_303 = arith.constant 0 : i32
      %dma_wait3A_304 = tpu.memref_slice %arg8[%dma_wait3A_302, %dma_wait3A_303] : memref<8x100xi32, #tpu.memory_space<vmem>> -> memref<1x100xi32, #tpu.memory_space<vmem>>
      %dma_wait3A_305 = tpu.memref_squeeze %dma_wait3A_304 : memref<1x100xi32, #tpu.memory_space<vmem>> -> memref<100xi32, #tpu.memory_space<vmem>>
      %dma_wait3A_306 = arith.constant 0 : i32
      %dma_wait3A_307 = arith.constant 0 : i32
      %dma_wait3A_308 = tpu.memref_slice %arg2[%dma_wait3A_306, %dma_wait3A_307] : memref<10000x128xf32, #tpu.memory_space<hbm>> -> memref<10000x128xf32, #tpu.memory_space<hbm>>
      tpu.wait_indirect_dma semaphore(%arg20 : memref<!tpu.dma_semaphore, #tpu.memory_space<semaphore_mem>>) src(%dma_wait3A_308 : memref<10000x128xf32, #tpu.memory_space<hbm>>) dst(%arg16 : memref<100x128xf32, #tpu.memory_space<vmem>>)
      %dma_start3A_309 = arith.constant 7 : i32
      %dma_start3A_310 = arith.constant 0 : i32
      %dma_start3A_311 = tpu.memref_slice %arg8[%dma_start3A_309, %dma_start3A_310] : memref<8x100xi32, #tpu.memory_space<vmem>> -> memref<1x100xi32, #tpu.memory_space<vmem>>
      %dma_start3A_312 = tpu.memref_squeeze %dma_start3A_311 : memref<1x100xi32, #tpu.memory_space<vmem>> -> memref<100xi32, #tpu.memory_space<vmem>>
      %dma_start3A_313 = arith.constant 0 : i32
      %dma_start3A_314 = arith.constant 0 : i32
      %dma_start3A_315 = tpu.memref_slice %arg2[%dma_start3A_313, %dma_start3A_314] : memref<10000x128xf32, #tpu.memory_space<hbm>> -> memref<10000x128xf32, #tpu.memory_space<hbm>>
      tpu.enqueue_indirect_dma source(%dma_start3A_315 : memref<10000x128xf32, #tpu.memory_space<hbm>>) target(%arg15 : memref<100x128xf32, #tpu.memory_space<vmem>>) offsets(%dma_start3A_312 : memref<100xi32, #tpu.memory_space<vmem>>) semaphore(%arg19 : memref<!tpu.dma_semaphore, #tpu.memory_space<semaphore_mem>>)
      %run_scoped3A_316 = arith.constant 5 : i32
      "tpu.region"() ({
        %run_scoped3A_625 = tpu.sem_alloc : memref<!tpu.dma_semaphore, #tpu.memory_space<semaphore_mem>>
        %dma_start3A_626 = arith.constant 0 : i32
        %dma_start3A_627 = tpu.memref_slice %arg11[%run_scoped3A_316, %dma_start3A_626] : memref<8x100xi32, #tpu.memory_space<vmem>> -> memref<1x100xi32, #tpu.memory_space<vmem>>
        %dma_start3A_628 = tpu.memref_squeeze %dma_start3A_627 : memref<1x100xi32, #tpu.memory_space<vmem>> -> memref<100xi32, #tpu.memory_space<vmem>>
        %dma_start3A_629 = arith.constant 0 : i32
        %dma_start3A_630 = arith.constant 0 : i32
        %dma_start3A_631 = tpu.memref_slice %arg17[%dma_start3A_629, %dma_start3A_630] : memref<10000x128xf32, #tpu.memory_space<vmem_shared>> -> memref<10000x128xf32, #tpu.memory_space<vmem_shared>>
        tpu.enqueue_indirect_dma source(%arg16 : memref<100x128xf32, #tpu.memory_space<vmem>>) target(%dma_start3A_631 : memref<10000x128xf32, #tpu.memory_space<vmem_shared>>) offsets(%dma_start3A_628 : memref<100xi32, #tpu.memory_space<vmem>>) semaphore(%run_scoped3A_625 : memref<!tpu.dma_semaphore, #tpu.memory_space<semaphore_mem>>) {add = true}
        %dma_wait3A_632 = arith.constant 0 : i32
        %dma_wait3A_633 = tpu.memref_slice %arg11[%run_scoped3A_316, %dma_wait3A_632] : memref<8x100xi32, #tpu.memory_space<vmem>> -> memref<1x100xi32, #tpu.memory_space<vmem>>
        %dma_wait3A_634 = tpu.memref_squeeze %dma_wait3A_633 : memref<1x100xi32, #tpu.memory_space<vmem>> -> memref<100xi32, #tpu.memory_space<vmem>>
        %dma_wait3A_635 = arith.constant 0 : i32
        %dma_wait3A_636 = arith.constant 0 : i32
        %dma_wait3A_637 = tpu.memref_slice %arg17[%dma_wait3A_635, %dma_wait3A_636] : memref<10000x128xf32, #tpu.memory_space<vmem_shared>> -> memref<10000x128xf32, #tpu.memory_space<vmem_shared>>
        tpu.wait_indirect_dma semaphore(%run_scoped3A_625 : memref<!tpu.dma_semaphore, #tpu.memory_space<semaphore_mem>>) src(%arg16 : memref<100x128xf32, #tpu.memory_space<vmem>>) dst(%dma_wait3A_637 : memref<10000x128xf32, #tpu.memory_space<vmem_shared>>)
        tpu.yield
      }) : () -> ()
      %dma_wait3A_317 = arith.constant 0 : i32
      %dma_wait3A_318 = arith.constant 0 : i32
      %dma_wait3A_319 = tpu.memref_slice %arg8[%dma_wait3A_317, %dma_wait3A_318] : memref<8x100xi32, #tpu.memory_space<vmem>> -> memref<1x100xi32, #tpu.memory_space<vmem>>
      %dma_wait3A_320 = tpu.memref_squeeze %dma_wait3A_319 : memref<1x100xi32, #tpu.memory_space<vmem>> -> memref<100xi32, #tpu.memory_space<vmem>>
      %dma_wait3A_321 = arith.constant 0 : i32
      %dma_wait3A_322 = arith.constant 0 : i32
      %dma_wait3A_323 = tpu.memref_slice %arg2[%dma_wait3A_321, %dma_wait3A_322] : memref<10000x128xf32, #tpu.memory_space<hbm>> -> memref<10000x128xf32, #tpu.memory_space<hbm>>
      tpu.wait_indirect_dma semaphore(%arg18 : memref<!tpu.dma_semaphore, #tpu.memory_space<semaphore_mem>>) src(%dma_wait3A_323 : memref<10000x128xf32, #tpu.memory_space<hbm>>) dst(%arg14 : memref<100x128xf32, #tpu.memory_space<vmem>>)
      %dma_wait3A_324 = arith.constant 0 : i32
      %dma_wait3A_325 = arith.constant 0 : i32
      %dma_wait3A_326 = tpu.memref_slice %arg3[%arg0, %arg1, %dma_wait3A_324, %dma_wait3A_325] : memref<2x16x200x100xi32, #tpu.memory_space<hbm>> -> memref<1x1x8x100xi32, #tpu.memory_space<hbm>>
      %dma_wait3A_327 = tpu.memref_squeeze %dma_wait3A_326 : memref<1x1x8x100xi32, #tpu.memory_space<hbm>> -> memref<8x100xi32, #tpu.memory_space<hbm>>
      %dma_wait3A_328 = arith.constant 0 : i32
      %dma_wait3A_329 = arith.constant 0 : i32
      %dma_wait3A_330 = tpu.memref_slice %arg3[%arg0, %arg1, %dma_wait3A_328, %dma_wait3A_329] : memref<2x16x200x100xi32, #tpu.memory_space<hbm>> -> memref<1x1x8x100xi32, #tpu.memory_space<hbm>>
      %dma_wait3A_331 = tpu.memref_squeeze %dma_wait3A_330 : memref<1x1x8x100xi32, #tpu.memory_space<hbm>> -> memref<8x100xi32, #tpu.memory_space<hbm>>
      tpu.wait_dma2 semaphore(%arg22 : memref<!tpu.dma_semaphore, #tpu.memory_space<semaphore_mem>>) src(%dma_wait3A_331 : memref<8x100xi32, #tpu.memory_space<hbm>>) dst(%arg9 : memref<8x100xi32, #tpu.memory_space<vmem>>)
      %dma_wait3A_332 = arith.constant 0 : i32
      %dma_wait3A_333 = arith.constant 0 : i32
      %dma_wait3A_334 = tpu.memref_slice %arg4[%arg0, %arg1, %dma_wait3A_332, %dma_wait3A_333] : memref<2x16x200x100xi32, #tpu.memory_space<hbm>> -> memref<1x1x8x100xi32, #tpu.memory_space<hbm>>
      %dma_wait3A_335 = tpu.memref_squeeze %dma_wait3A_334 : memref<1x1x8x100xi32, #tpu.memory_space<hbm>> -> memref<8x100xi32, #tpu.memory_space<hbm>>
      %dma_wait3A_336 = arith.constant 0 : i32
      %dma_wait3A_337 = arith.constant 0 : i32
      %dma_wait3A_338 = tpu.memref_slice %arg4[%arg0, %arg1, %dma_wait3A_336, %dma_wait3A_337] : memref<2x16x200x100xi32, #tpu.memory_space<hbm>> -> memref<1x1x8x100xi32, #tpu.memory_space<hbm>>
      %dma_wait3A_339 = tpu.memref_squeeze %dma_wait3A_338 : memref<1x1x8x100xi32, #tpu.memory_space<hbm>> -> memref<8x100xi32, #tpu.memory_space<hbm>>
      tpu.wait_dma2 semaphore(%arg25 : memref<!tpu.dma_semaphore, #tpu.memory_space<semaphore_mem>>) src(%dma_wait3A_339 : memref<8x100xi32, #tpu.memory_space<hbm>>) dst(%arg12 : memref<8x100xi32, #tpu.memory_space<vmem>>)
      %dma_start3A_340 = arith.constant 0 : i32
      %dma_start3A_341 = arith.constant 0 : i32
      %dma_start3A_342 = tpu.memref_slice %arg9[%dma_start3A_340, %dma_start3A_341] : memref<8x100xi32, #tpu.memory_space<vmem>> -> memref<1x100xi32, #tpu.memory_space<vmem>>
      %dma_start3A_343 = tpu.memref_squeeze %dma_start3A_342 : memref<1x100xi32, #tpu.memory_space<vmem>> -> memref<100xi32, #tpu.memory_space<vmem>>
      %dma_start3A_344 = arith.constant 0 : i32
      %dma_start3A_345 = arith.constant 0 : i32
      %dma_start3A_346 = tpu.memref_slice %arg2[%dma_start3A_344, %dma_start3A_345] : memref<10000x128xf32, #tpu.memory_space<hbm>> -> memref<10000x128xf32, #tpu.memory_space<hbm>>
      tpu.enqueue_indirect_dma source(%dma_start3A_346 : memref<10000x128xf32, #tpu.memory_space<hbm>>) target(%arg16 : memref<100x128xf32, #tpu.memory_space<vmem>>) offsets(%dma_start3A_343 : memref<100xi32, #tpu.memory_space<vmem>>) semaphore(%arg20 : memref<!tpu.dma_semaphore, #tpu.memory_space<semaphore_mem>>)
      %run_scoped3A_347 = arith.constant 6 : i32
      "tpu.region"() ({
        %run_scoped3A_625 = tpu.sem_alloc : memref<!tpu.dma_semaphore, #tpu.memory_space<semaphore_mem>>
        %dma_start3A_626 = arith.constant 0 : i32
        %dma_start3A_627 = tpu.memref_slice %arg11[%run_scoped3A_347, %dma_start3A_626] : memref<8x100xi32, #tpu.memory_space<vmem>> -> memref<1x100xi32, #tpu.memory_space<vmem>>
        %dma_start3A_628 = tpu.memref_squeeze %dma_start3A_627 : memref<1x100xi32, #tpu.memory_space<vmem>> -> memref<100xi32, #tpu.memory_space<vmem>>
        %dma_start3A_629 = arith.constant 0 : i32
        %dma_start3A_630 = arith.constant 0 : i32
        %dma_start3A_631 = tpu.memref_slice %arg17[%dma_start3A_629, %dma_start3A_630] : memref<10000x128xf32, #tpu.memory_space<vmem_shared>> -> memref<10000x128xf32, #tpu.memory_space<vmem_shared>>
        tpu.enqueue_indirect_dma source(%arg14 : memref<100x128xf32, #tpu.memory_space<vmem>>) target(%dma_start3A_631 : memref<10000x128xf32, #tpu.memory_space<vmem_shared>>) offsets(%dma_start3A_628 : memref<100xi32, #tpu.memory_space<vmem>>) semaphore(%run_scoped3A_625 : memref<!tpu.dma_semaphore, #tpu.memory_space<semaphore_mem>>) {add = true}
        %dma_wait3A_632 = arith.constant 0 : i32
        %dma_wait3A_633 = tpu.memref_slice %arg11[%run_scoped3A_347, %dma_wait3A_632] : memref<8x100xi32, #tpu.memory_space<vmem>> -> memref<1x100xi32, #tpu.memory_space<vmem>>
        %dma_wait3A_634 = tpu.memref_squeeze %dma_wait3A_633 : memref<1x100xi32, #tpu.memory_space<vmem>> -> memref<100xi32, #tpu.memory_space<vmem>>
        %dma_wait3A_635 = arith.constant 0 : i32
        %dma_wait3A_636 = arith.constant 0 : i32
        %dma_wait3A_637 = tpu.memref_slice %arg17[%dma_wait3A_635, %dma_wait3A_636] : memref<10000x128xf32, #tpu.memory_space<vmem_shared>> -> memref<10000x128xf32, #tpu.memory_space<vmem_shared>>
        tpu.wait_indirect_dma semaphore(%run_scoped3A_625 : memref<!tpu.dma_semaphore, #tpu.memory_space<semaphore_mem>>) src(%arg14 : memref<100x128xf32, #tpu.memory_space<vmem>>) dst(%dma_wait3A_637 : memref<10000x128xf32, #tpu.memory_space<vmem_shared>>)
        tpu.yield
      }) : () -> ()
      %dma_wait3A_348 = arith.constant 0 : i32
      %dma_wait3A_349 = arith.constant 0 : i32
      %dma_wait3A_350 = tpu.memref_slice %arg8[%dma_wait3A_348, %dma_wait3A_349] : memref<8x100xi32, #tpu.memory_space<vmem>> -> memref<1x100xi32, #tpu.memory_space<vmem>>
      %dma_wait3A_351 = tpu.memref_squeeze %dma_wait3A_350 : memref<1x100xi32, #tpu.memory_space<vmem>> -> memref<100xi32, #tpu.memory_space<vmem>>
      %dma_wait3A_352 = arith.constant 0 : i32
      %dma_wait3A_353 = arith.constant 0 : i32
      %dma_wait3A_354 = tpu.memref_slice %arg2[%dma_wait3A_352, %dma_wait3A_353] : memref<10000x128xf32, #tpu.memory_space<hbm>> -> memref<10000x128xf32, #tpu.memory_space<hbm>>
      tpu.wait_indirect_dma semaphore(%arg19 : memref<!tpu.dma_semaphore, #tpu.memory_space<semaphore_mem>>) src(%dma_wait3A_354 : memref<10000x128xf32, #tpu.memory_space<hbm>>) dst(%arg15 : memref<100x128xf32, #tpu.memory_space<vmem>>)
      %dma_start3A_355 = arith.constant 1 : i32
      %dma_start3A_356 = arith.constant 0 : i32
      %dma_start3A_357 = tpu.memref_slice %arg9[%dma_start3A_355, %dma_start3A_356] : memref<8x100xi32, #tpu.memory_space<vmem>> -> memref<1x100xi32, #tpu.memory_space<vmem>>
      %dma_start3A_358 = tpu.memref_squeeze %dma_start3A_357 : memref<1x100xi32, #tpu.memory_space<vmem>> -> memref<100xi32, #tpu.memory_space<vmem>>
      %dma_start3A_359 = arith.constant 0 : i32
      %dma_start3A_360 = arith.constant 0 : i32
      %dma_start3A_361 = tpu.memref_slice %arg2[%dma_start3A_359, %dma_start3A_360] : memref<10000x128xf32, #tpu.memory_space<hbm>> -> memref<10000x128xf32, #tpu.memory_space<hbm>>
      tpu.enqueue_indirect_dma source(%dma_start3A_361 : memref<10000x128xf32, #tpu.memory_space<hbm>>) target(%arg14 : memref<100x128xf32, #tpu.memory_space<vmem>>) offsets(%dma_start3A_358 : memref<100xi32, #tpu.memory_space<vmem>>) semaphore(%arg18 : memref<!tpu.dma_semaphore, #tpu.memory_space<semaphore_mem>>)
      %run_scoped3A_362 = arith.constant 7 : i32
      "tpu.region"() ({
        %run_scoped3A_625 = tpu.sem_alloc : memref<!tpu.dma_semaphore, #tpu.memory_space<semaphore_mem>>
        %dma_start3A_626 = arith.constant 0 : i32
        %dma_start3A_627 = tpu.memref_slice %arg11[%run_scoped3A_362, %dma_start3A_626] : memref<8x100xi32, #tpu.memory_space<vmem>> -> memref<1x100xi32, #tpu.memory_space<vmem>>
        %dma_start3A_628 = tpu.memref_squeeze %dma_start3A_627 : memref<1x100xi32, #tpu.memory_space<vmem>> -> memref<100xi32, #tpu.memory_space<vmem>>
        %dma_start3A_629 = arith.constant 0 : i32
        %dma_start3A_630 = arith.constant 0 : i32
        %dma_start3A_631 = tpu.memref_slice %arg17[%dma_start3A_629, %dma_start3A_630] : memref<10000x128xf32, #tpu.memory_space<vmem_shared>> -> memref<10000x128xf32, #tpu.memory_space<vmem_shared>>
        tpu.enqueue_indirect_dma source(%arg15 : memref<100x128xf32, #tpu.memory_space<vmem>>) target(%dma_start3A_631 : memref<10000x128xf32, #tpu.memory_space<vmem_shared>>) offsets(%dma_start3A_628 : memref<100xi32, #tpu.memory_space<vmem>>) semaphore(%run_scoped3A_625 : memref<!tpu.dma_semaphore, #tpu.memory_space<semaphore_mem>>) {add = true}
        %dma_wait3A_632 = arith.constant 0 : i32
        %dma_wait3A_633 = tpu.memref_slice %arg11[%run_scoped3A_362, %dma_wait3A_632] : memref<8x100xi32, #tpu.memory_space<vmem>> -> memref<1x100xi32, #tpu.memory_space<vmem>>
        %dma_wait3A_634 = tpu.memref_squeeze %dma_wait3A_633 : memref<1x100xi32, #tpu.memory_space<vmem>> -> memref<100xi32, #tpu.memory_space<vmem>>
        %dma_wait3A_635 = arith.constant 0 : i32
        %dma_wait3A_636 = arith.constant 0 : i32
        %dma_wait3A_637 = tpu.memref_slice %arg17[%dma_wait3A_635, %dma_wait3A_636] : memref<10000x128xf32, #tpu.memory_space<vmem_shared>> -> memref<10000x128xf32, #tpu.memory_space<vmem_shared>>
        tpu.wait_indirect_dma semaphore(%run_scoped3A_625 : memref<!tpu.dma_semaphore, #tpu.memory_space<semaphore_mem>>) src(%arg15 : memref<100x128xf32, #tpu.memory_space<vmem>>) dst(%dma_wait3A_637 : memref<10000x128xf32, #tpu.memory_space<vmem_shared>>)
        tpu.yield
      }) : () -> ()
      %dma_wait3A_363 = arith.constant 0 : i32
      %dma_wait3A_364 = arith.constant 0 : i32
      %dma_wait3A_365 = tpu.memref_slice %arg8[%dma_wait3A_363, %dma_wait3A_364] : memref<8x100xi32, #tpu.memory_space<vmem>> -> memref<1x100xi32, #tpu.memory_space<vmem>>
      %dma_wait3A_366 = tpu.memref_squeeze %dma_wait3A_365 : memref<1x100xi32, #tpu.memory_space<vmem>> -> memref<100xi32, #tpu.memory_space<vmem>>
      %dma_wait3A_367 = arith.constant 0 : i32
      %dma_wait3A_368 = arith.constant 0 : i32
      %dma_wait3A_369 = tpu.memref_slice %arg2[%dma_wait3A_367, %dma_wait3A_368] : memref<10000x128xf32, #tpu.memory_space<hbm>> -> memref<10000x128xf32, #tpu.memory_space<hbm>>
      tpu.wait_indirect_dma semaphore(%arg20 : memref<!tpu.dma_semaphore, #tpu.memory_space<semaphore_mem>>) src(%dma_wait3A_369 : memref<10000x128xf32, #tpu.memory_space<hbm>>) dst(%arg16 : memref<100x128xf32, #tpu.memory_space<vmem>>)
      %dma_start3A_370 = arith.constant 2 : i32
      %dma_start3A_371 = arith.constant 0 : i32
      %dma_start3A_372 = tpu.memref_slice %arg9[%dma_start3A_370, %dma_start3A_371] : memref<8x100xi32, #tpu.memory_space<vmem>> -> memref<1x100xi32, #tpu.memory_space<vmem>>
      %dma_start3A_373 = tpu.memref_squeeze %dma_start3A_372 : memref<1x100xi32, #tpu.memory_space<vmem>> -> memref<100xi32, #tpu.memory_space<vmem>>
      %dma_start3A_374 = arith.constant 0 : i32
      %dma_start3A_375 = arith.constant 0 : i32
      %dma_start3A_376 = tpu.memref_slice %arg2[%dma_start3A_374, %dma_start3A_375] : memref<10000x128xf32, #tpu.memory_space<hbm>> -> memref<10000x128xf32, #tpu.memory_space<hbm>>
      tpu.enqueue_indirect_dma source(%dma_start3A_376 : memref<10000x128xf32, #tpu.memory_space<hbm>>) target(%arg15 : memref<100x128xf32, #tpu.memory_space<vmem>>) offsets(%dma_start3A_373 : memref<100xi32, #tpu.memory_space<vmem>>) semaphore(%arg19 : memref<!tpu.dma_semaphore, #tpu.memory_space<semaphore_mem>>)
      %run_scoped3A_377 = arith.constant 0 : i32
      "tpu.region"() ({
        %run_scoped3A_625 = tpu.sem_alloc : memref<!tpu.dma_semaphore, #tpu.memory_space<semaphore_mem>>
        %dma_start3A_626 = arith.constant 0 : i32
        %dma_start3A_627 = tpu.memref_slice %arg12[%run_scoped3A_377, %dma_start3A_626] : memref<8x100xi32, #tpu.memory_space<vmem>> -> memref<1x100xi32, #tpu.memory_space<vmem>>
        %dma_start3A_628 = tpu.memref_squeeze %dma_start3A_627 : memref<1x100xi32, #tpu.memory_space<vmem>> -> memref<100xi32, #tpu.memory_space<vmem>>
        %dma_start3A_629 = arith.constant 0 : i32
        %dma_start3A_630 = arith.constant 0 : i32
        %dma_start3A_631 = tpu.memref_slice %arg17[%dma_start3A_629, %dma_start3A_630] : memref<10000x128xf32, #tpu.memory_space<vmem_shared>> -> memref<10000x128xf32, #tpu.memory_space<vmem_shared>>
        tpu.enqueue_indirect_dma source(%arg16 : memref<100x128xf32, #tpu.memory_space<vmem>>) target(%dma_start3A_631 : memref<10000x128xf32, #tpu.memory_space<vmem_shared>>) offsets(%dma_start3A_628 : memref<100xi32, #tpu.memory_space<vmem>>) semaphore(%run_scoped3A_625 : memref<!tpu.dma_semaphore, #tpu.memory_space<semaphore_mem>>) {add = true}
        %dma_wait3A_632 = arith.constant 0 : i32
        %dma_wait3A_633 = tpu.memref_slice %arg12[%run_scoped3A_377, %dma_wait3A_632] : memref<8x100xi32, #tpu.memory_space<vmem>> -> memref<1x100xi32, #tpu.memory_space<vmem>>
        %dma_wait3A_634 = tpu.memref_squeeze %dma_wait3A_633 : memref<1x100xi32, #tpu.memory_space<vmem>> -> memref<100xi32, #tpu.memory_space<vmem>>
        %dma_wait3A_635 = arith.constant 0 : i32
        %dma_wait3A_636 = arith.constant 0 : i32
        %dma_wait3A_637 = tpu.memref_slice %arg17[%dma_wait3A_635, %dma_wait3A_636] : memref<10000x128xf32, #tpu.memory_space<vmem_shared>> -> memref<10000x128xf32, #tpu.memory_space<vmem_shared>>
        tpu.wait_indirect_dma semaphore(%run_scoped3A_625 : memref<!tpu.dma_semaphore, #tpu.memory_space<semaphore_mem>>) src(%arg16 : memref<100x128xf32, #tpu.memory_space<vmem>>) dst(%dma_wait3A_637 : memref<10000x128xf32, #tpu.memory_space<vmem_shared>>)
        tpu.yield
      }) : () -> ()
      %dma_wait3A_378 = arith.constant 0 : i32
      %dma_wait3A_379 = arith.constant 0 : i32
      %dma_wait3A_380 = tpu.memref_slice %arg8[%dma_wait3A_378, %dma_wait3A_379] : memref<8x100xi32, #tpu.memory_space<vmem>> -> memref<1x100xi32, #tpu.memory_space<vmem>>
      %dma_wait3A_381 = tpu.memref_squeeze %dma_wait3A_380 : memref<1x100xi32, #tpu.memory_space<vmem>> -> memref<100xi32, #tpu.memory_space<vmem>>
      %dma_wait3A_382 = arith.constant 0 : i32
      %dma_wait3A_383 = arith.constant 0 : i32
      %dma_wait3A_384 = tpu.memref_slice %arg2[%dma_wait3A_382, %dma_wait3A_383] : memref<10000x128xf32, #tpu.memory_space<hbm>> -> memref<10000x128xf32, #tpu.memory_space<hbm>>
      tpu.wait_indirect_dma semaphore(%arg18 : memref<!tpu.dma_semaphore, #tpu.memory_space<semaphore_mem>>) src(%dma_wait3A_384 : memref<10000x128xf32, #tpu.memory_space<hbm>>) dst(%arg14 : memref<100x128xf32, #tpu.memory_space<vmem>>)
      %dma_start3A_385 = arith.constant 3 : i32
      %dma_start3A_386 = arith.constant 0 : i32
      %dma_start3A_387 = tpu.memref_slice %arg9[%dma_start3A_385, %dma_start3A_386] : memref<8x100xi32, #tpu.memory_space<vmem>> -> memref<1x100xi32, #tpu.memory_space<vmem>>
      %dma_start3A_388 = tpu.memref_squeeze %dma_start3A_387 : memref<1x100xi32, #tpu.memory_space<vmem>> -> memref<100xi32, #tpu.memory_space<vmem>>
      %dma_start3A_389 = arith.constant 0 : i32
      %dma_start3A_390 = arith.constant 0 : i32
      %dma_start3A_391 = tpu.memref_slice %arg2[%dma_start3A_389, %dma_start3A_390] : memref<10000x128xf32, #tpu.memory_space<hbm>> -> memref<10000x128xf32, #tpu.memory_space<hbm>>
      tpu.enqueue_indirect_dma source(%dma_start3A_391 : memref<10000x128xf32, #tpu.memory_space<hbm>>) target(%arg16 : memref<100x128xf32, #tpu.memory_space<vmem>>) offsets(%dma_start3A_388 : memref<100xi32, #tpu.memory_space<vmem>>) semaphore(%arg20 : memref<!tpu.dma_semaphore, #tpu.memory_space<semaphore_mem>>)
      %run_scoped3A_392 = arith.constant 1 : i32
      "tpu.region"() ({
        %run_scoped3A_625 = tpu.sem_alloc : memref<!tpu.dma_semaphore, #tpu.memory_space<semaphore_mem>>
        %dma_start3A_626 = arith.constant 0 : i32
        %dma_start3A_627 = tpu.memref_slice %arg12[%run_scoped3A_392, %dma_start3A_626] : memref<8x100xi32, #tpu.memory_space<vmem>> -> memref<1x100xi32, #tpu.memory_space<vmem>>
        %dma_start3A_628 = tpu.memref_squeeze %dma_start3A_627 : memref<1x100xi32, #tpu.memory_space<vmem>> -> memref<100xi32, #tpu.memory_space<vmem>>
        %dma_start3A_629 = arith.constant 0 : i32
        %dma_start3A_630 = arith.constant 0 : i32
        %dma_start3A_631 = tpu.memref_slice %arg17[%dma_start3A_629, %dma_start3A_630] : memref<10000x128xf32, #tpu.memory_space<vmem_shared>> -> memref<10000x128xf32, #tpu.memory_space<vmem_shared>>
        tpu.enqueue_indirect_dma source(%arg14 : memref<100x128xf32, #tpu.memory_space<vmem>>) target(%dma_start3A_631 : memref<10000x128xf32, #tpu.memory_space<vmem_shared>>) offsets(%dma_start3A_628 : memref<100xi32, #tpu.memory_space<vmem>>) semaphore(%run_scoped3A_625 : memref<!tpu.dma_semaphore, #tpu.memory_space<semaphore_mem>>) {add = true}
        %dma_wait3A_632 = arith.constant 0 : i32
        %dma_wait3A_633 = tpu.memref_slice %arg12[%run_scoped3A_392, %dma_wait3A_632] : memref<8x100xi32, #tpu.memory_space<vmem>> -> memref<1x100xi32, #tpu.memory_space<vmem>>
        %dma_wait3A_634 = tpu.memref_squeeze %dma_wait3A_633 : memref<1x100xi32, #tpu.memory_space<vmem>> -> memref<100xi32, #tpu.memory_space<vmem>>
        %dma_wait3A_635 = arith.constant 0 : i32
        %dma_wait3A_636 = arith.constant 0 : i32
        %dma_wait3A_637 = tpu.memref_slice %arg17[%dma_wait3A_635, %dma_wait3A_636] : memref<10000x128xf32, #tpu.memory_space<vmem_shared>> -> memref<10000x128xf32, #tpu.memory_space<vmem_shared>>
        tpu.wait_indirect_dma semaphore(%run_scoped3A_625 : memref<!tpu.dma_semaphore, #tpu.memory_space<semaphore_mem>>) src(%arg14 : memref<100x128xf32, #tpu.memory_space<vmem>>) dst(%dma_wait3A_637 : memref<10000x128xf32, #tpu.memory_space<vmem_shared>>)
        tpu.yield
      }) : () -> ()
      %dma_wait3A_393 = arith.constant 0 : i32
      %dma_wait3A_394 = arith.constant 0 : i32
      %dma_wait3A_395 = tpu.memref_slice %arg8[%dma_wait3A_393, %dma_wait3A_394] : memref<8x100xi32, #tpu.memory_space<vmem>> -> memref<1x100xi32, #tpu.memory_space<vmem>>
      %dma_wait3A_396 = tpu.memref_squeeze %dma_wait3A_395 : memref<1x100xi32, #tpu.memory_space<vmem>> -> memref<100xi32, #tpu.memory_space<vmem>>
      %dma_wait3A_397 = arith.constant 0 : i32
      %dma_wait3A_398 = arith.constant 0 : i32
      %dma_wait3A_399 = tpu.memref_slice %arg2[%dma_wait3A_397, %dma_wait3A_398] : memref<10000x128xf32, #tpu.memory_space<hbm>> -> memref<10000x128xf32, #tpu.memory_space<hbm>>
      tpu.wait_indirect_dma semaphore(%arg19 : memref<!tpu.dma_semaphore, #tpu.memory_space<semaphore_mem>>) src(%dma_wait3A_399 : memref<10000x128xf32, #tpu.memory_space<hbm>>) dst(%arg15 : memref<100x128xf32, #tpu.memory_space<vmem>>)
      %dma_start3A_400 = arith.constant 4 : i32
      %dma_start3A_401 = arith.constant 0 : i32
      %dma_start3A_402 = tpu.memref_slice %arg9[%dma_start3A_400, %dma_start3A_401] : memref<8x100xi32, #tpu.memory_space<vmem>> -> memref<1x100xi32, #tpu.memory_space<vmem>>
      %dma_start3A_403 = tpu.memref_squeeze %dma_start3A_402 : memref<1x100xi32, #tpu.memory_space<vmem>> -> memref<100xi32, #tpu.memory_space<vmem>>
      %dma_start3A_404 = arith.constant 0 : i32
      %dma_start3A_405 = arith.constant 0 : i32
      %dma_start3A_406 = tpu.memref_slice %arg2[%dma_start3A_404, %dma_start3A_405] : memref<10000x128xf32, #tpu.memory_space<hbm>> -> memref<10000x128xf32, #tpu.memory_space<hbm>>
      tpu.enqueue_indirect_dma source(%dma_start3A_406 : memref<10000x128xf32, #tpu.memory_space<hbm>>) target(%arg14 : memref<100x128xf32, #tpu.memory_space<vmem>>) offsets(%dma_start3A_403 : memref<100xi32, #tpu.memory_space<vmem>>) semaphore(%arg18 : memref<!tpu.dma_semaphore, #tpu.memory_space<semaphore_mem>>)
      %run_scoped3A_407 = arith.constant 2 : i32
      "tpu.region"() ({
        %run_scoped3A_625 = tpu.sem_alloc : memref<!tpu.dma_semaphore, #tpu.memory_space<semaphore_mem>>
        %dma_start3A_626 = arith.constant 0 : i32
        %dma_start3A_627 = tpu.memref_slice %arg12[%run_scoped3A_407, %dma_start3A_626] : memref<8x100xi32, #tpu.memory_space<vmem>> -> memref<1x100xi32, #tpu.memory_space<vmem>>
        %dma_start3A_628 = tpu.memref_squeeze %dma_start3A_627 : memref<1x100xi32, #tpu.memory_space<vmem>> -> memref<100xi32, #tpu.memory_space<vmem>>
        %dma_start3A_629 = arith.constant 0 : i32
        %dma_start3A_630 = arith.constant 0 : i32
        %dma_start3A_631 = tpu.memref_slice %arg17[%dma_start3A_629, %dma_start3A_630] : memref<10000x128xf32, #tpu.memory_space<vmem_shared>> -> memref<10000x128xf32, #tpu.memory_space<vmem_shared>>
        tpu.enqueue_indirect_dma source(%arg15 : memref<100x128xf32, #tpu.memory_space<vmem>>) target(%dma_start3A_631 : memref<10000x128xf32, #tpu.memory_space<vmem_shared>>) offsets(%dma_start3A_628 : memref<100xi32, #tpu.memory_space<vmem>>) semaphore(%run_scoped3A_625 : memref<!tpu.dma_semaphore, #tpu.memory_space<semaphore_mem>>) {add = true}
        %dma_wait3A_632 = arith.constant 0 : i32
        %dma_wait3A_633 = tpu.memref_slice %arg12[%run_scoped3A_407, %dma_wait3A_632] : memref<8x100xi32, #tpu.memory_space<vmem>> -> memref<1x100xi32, #tpu.memory_space<vmem>>
        %dma_wait3A_634 = tpu.memref_squeeze %dma_wait3A_633 : memref<1x100xi32, #tpu.memory_space<vmem>> -> memref<100xi32, #tpu.memory_space<vmem>>
        %dma_wait3A_635 = arith.constant 0 : i32
        %dma_wait3A_636 = arith.constant 0 : i32
        %dma_wait3A_637 = tpu.memref_slice %arg17[%dma_wait3A_635, %dma_wait3A_636] : memref<10000x128xf32, #tpu.memory_space<vmem_shared>> -> memref<10000x128xf32, #tpu.memory_space<vmem_shared>>
        tpu.wait_indirect_dma semaphore(%run_scoped3A_625 : memref<!tpu.dma_semaphore, #tpu.memory_space<semaphore_mem>>) src(%arg15 : memref<100x128xf32, #tpu.memory_space<vmem>>) dst(%dma_wait3A_637 : memref<10000x128xf32, #tpu.memory_space<vmem_shared>>)
        tpu.yield
      }) : () -> ()
      %dma_wait3A_408 = arith.constant 0 : i32
      %dma_wait3A_409 = arith.constant 0 : i32
      %dma_wait3A_410 = tpu.memref_slice %arg8[%dma_wait3A_408, %dma_wait3A_409] : memref<8x100xi32, #tpu.memory_space<vmem>> -> memref<1x100xi32, #tpu.memory_space<vmem>>
      %dma_wait3A_411 = tpu.memref_squeeze %dma_wait3A_410 : memref<1x100xi32, #tpu.memory_space<vmem>> -> memref<100xi32, #tpu.memory_space<vmem>>
      %dma_wait3A_412 = arith.constant 0 : i32
      %dma_wait3A_413 = arith.constant 0 : i32
      %dma_wait3A_414 = tpu.memref_slice %arg2[%dma_wait3A_412, %dma_wait3A_413] : memref<10000x128xf32, #tpu.memory_space<hbm>> -> memref<10000x128xf32, #tpu.memory_space<hbm>>
      tpu.wait_indirect_dma semaphore(%arg20 : memref<!tpu.dma_semaphore, #tpu.memory_space<semaphore_mem>>) src(%dma_wait3A_414 : memref<10000x128xf32, #tpu.memory_space<hbm>>) dst(%arg16 : memref<100x128xf32, #tpu.memory_space<vmem>>)
      %dma_start3A_415 = arith.constant 5 : i32
      %dma_start3A_416 = arith.constant 0 : i32
      %dma_start3A_417 = tpu.memref_slice %arg9[%dma_start3A_415, %dma_start3A_416] : memref<8x100xi32, #tpu.memory_space<vmem>> -> memref<1x100xi32, #tpu.memory_space<vmem>>
      %dma_start3A_418 = tpu.memref_squeeze %dma_start3A_417 : memref<1x100xi32, #tpu.memory_space<vmem>> -> memref<100xi32, #tpu.memory_space<vmem>>
      %dma_start3A_419 = arith.constant 0 : i32
      %dma_start3A_420 = arith.constant 0 : i32
      %dma_start3A_421 = tpu.memref_slice %arg2[%dma_start3A_419, %dma_start3A_420] : memref<10000x128xf32, #tpu.memory_space<hbm>> -> memref<10000x128xf32, #tpu.memory_space<hbm>>
      tpu.enqueue_indirect_dma source(%dma_start3A_421 : memref<10000x128xf32, #tpu.memory_space<hbm>>) target(%arg15 : memref<100x128xf32, #tpu.memory_space<vmem>>) offsets(%dma_start3A_418 : memref<100xi32, #tpu.memory_space<vmem>>) semaphore(%arg19 : memref<!tpu.dma_semaphore, #tpu.memory_space<semaphore_mem>>)
      %run_scoped3A_422 = arith.constant 3 : i32
      "tpu.region"() ({
        %run_scoped3A_625 = tpu.sem_alloc : memref<!tpu.dma_semaphore, #tpu.memory_space<semaphore_mem>>
        %dma_start3A_626 = arith.constant 0 : i32
        %dma_start3A_627 = tpu.memref_slice %arg12[%run_scoped3A_422, %dma_start3A_626] : memref<8x100xi32, #tpu.memory_space<vmem>> -> memref<1x100xi32, #tpu.memory_space<vmem>>
        %dma_start3A_628 = tpu.memref_squeeze %dma_start3A_627 : memref<1x100xi32, #tpu.memory_space<vmem>> -> memref<100xi32, #tpu.memory_space<vmem>>
        %dma_start3A_629 = arith.constant 0 : i32
        %dma_start3A_630 = arith.constant 0 : i32
        %dma_start3A_631 = tpu.memref_slice %arg17[%dma_start3A_629, %dma_start3A_630] : memref<10000x128xf32, #tpu.memory_space<vmem_shared>> -> memref<10000x128xf32, #tpu.memory_space<vmem_shared>>
        tpu.enqueue_indirect_dma source(%arg16 : memref<100x128xf32, #tpu.memory_space<vmem>>) target(%dma_start3A_631 : memref<10000x128xf32, #tpu.memory_space<vmem_shared>>) offsets(%dma_start3A_628 : memref<100xi32, #tpu.memory_space<vmem>>) semaphore(%run_scoped3A_625 : memref<!tpu.dma_semaphore, #tpu.memory_space<semaphore_mem>>) {add = true}
        %dma_wait3A_632 = arith.constant 0 : i32
        %dma_wait3A_633 = tpu.memref_slice %arg12[%run_scoped3A_422, %dma_wait3A_632] : memref<8x100xi32, #tpu.memory_space<vmem>> -> memref<1x100xi32, #tpu.memory_space<vmem>>
        %dma_wait3A_634 = tpu.memref_squeeze %dma_wait3A_633 : memref<1x100xi32, #tpu.memory_space<vmem>> -> memref<100xi32, #tpu.memory_space<vmem>>
        %dma_wait3A_635 = arith.constant 0 : i32
        %dma_wait3A_636 = arith.constant 0 : i32
        %dma_wait3A_637 = tpu.memref_slice %arg17[%dma_wait3A_635, %dma_wait3A_636] : memref<10000x128xf32, #tpu.memory_space<vmem_shared>> -> memref<10000x128xf32, #tpu.memory_space<vmem_shared>>
        tpu.wait_indirect_dma semaphore(%run_scoped3A_625 : memref<!tpu.dma_semaphore, #tpu.memory_space<semaphore_mem>>) src(%arg16 : memref<100x128xf32, #tpu.memory_space<vmem>>) dst(%dma_wait3A_637 : memref<10000x128xf32, #tpu.memory_space<vmem_shared>>)
        tpu.yield
      }) : () -> ()
      %dma_wait3A_423 = arith.constant 0 : i32
      %dma_wait3A_424 = arith.constant 0 : i32
      %dma_wait3A_425 = tpu.memref_slice %arg8[%dma_wait3A_423, %dma_wait3A_424] : memref<8x100xi32, #tpu.memory_space<vmem>> -> memref<1x100xi32, #tpu.memory_space<vmem>>
      %dma_wait3A_426 = tpu.memref_squeeze %dma_wait3A_425 : memref<1x100xi32, #tpu.memory_space<vmem>> -> memref<100xi32, #tpu.memory_space<vmem>>
      %dma_wait3A_427 = arith.constant 0 : i32
      %dma_wait3A_428 = arith.constant 0 : i32
      %dma_wait3A_429 = tpu.memref_slice %arg2[%dma_wait3A_427, %dma_wait3A_428] : memref<10000x128xf32, #tpu.memory_space<hbm>> -> memref<10000x128xf32, #tpu.memory_space<hbm>>
      tpu.wait_indirect_dma semaphore(%arg18 : memref<!tpu.dma_semaphore, #tpu.memory_space<semaphore_mem>>) src(%dma_wait3A_429 : memref<10000x128xf32, #tpu.memory_space<hbm>>) dst(%arg14 : memref<100x128xf32, #tpu.memory_space<vmem>>)
      %dma_start3A_430 = arith.constant 6 : i32
      %dma_start3A_431 = arith.constant 0 : i32
      %dma_start3A_432 = tpu.memref_slice %arg9[%dma_start3A_430, %dma_start3A_431] : memref<8x100xi32, #tpu.memory_space<vmem>> -> memref<1x100xi32, #tpu.memory_space<vmem>>
      %dma_start3A_433 = tpu.memref_squeeze %dma_start3A_432 : memref<1x100xi32, #tpu.memory_space<vmem>> -> memref<100xi32, #tpu.memory_space<vmem>>
      %dma_start3A_434 = arith.constant 0 : i32
      %dma_start3A_435 = arith.constant 0 : i32
      %dma_start3A_436 = tpu.memref_slice %arg2[%dma_start3A_434, %dma_start3A_435] : memref<10000x128xf32, #tpu.memory_space<hbm>> -> memref<10000x128xf32, #tpu.memory_space<hbm>>
      tpu.enqueue_indirect_dma source(%dma_start3A_436 : memref<10000x128xf32, #tpu.memory_space<hbm>>) target(%arg16 : memref<100x128xf32, #tpu.memory_space<vmem>>) offsets(%dma_start3A_433 : memref<100xi32, #tpu.memory_space<vmem>>) semaphore(%arg20 : memref<!tpu.dma_semaphore, #tpu.memory_space<semaphore_mem>>)
      %run_scoped3A_437 = arith.constant 4 : i32
      "tpu.region"() ({
        %run_scoped3A_625 = tpu.sem_alloc : memref<!tpu.dma_semaphore, #tpu.memory_space<semaphore_mem>>
        %dma_start3A_626 = arith.constant 0 : i32
        %dma_start3A_627 = tpu.memref_slice %arg12[%run_scoped3A_437, %dma_start3A_626] : memref<8x100xi32, #tpu.memory_space<vmem>> -> memref<1x100xi32, #tpu.memory_space<vmem>>
        %dma_start3A_628 = tpu.memref_squeeze %dma_start3A_627 : memref<1x100xi32, #tpu.memory_space<vmem>> -> memref<100xi32, #tpu.memory_space<vmem>>
        %dma_start3A_629 = arith.constant 0 : i32
        %dma_start3A_630 = arith.constant 0 : i32
        %dma_start3A_631 = tpu.memref_slice %arg17[%dma_start3A_629, %dma_start3A_630] : memref<10000x128xf32, #tpu.memory_space<vmem_shared>> -> memref<10000x128xf32, #tpu.memory_space<vmem_shared>>
        tpu.enqueue_indirect_dma source(%arg14 : memref<100x128xf32, #tpu.memory_space<vmem>>) target(%dma_start3A_631 : memref<10000x128xf32, #tpu.memory_space<vmem_shared>>) offsets(%dma_start3A_628 : memref<100xi32, #tpu.memory_space<vmem>>) semaphore(%run_scoped3A_625 : memref<!tpu.dma_semaphore, #tpu.memory_space<semaphore_mem>>) {add = true}
        %dma_wait3A_632 = arith.constant 0 : i32
        %dma_wait3A_633 = tpu.memref_slice %arg12[%run_scoped3A_437, %dma_wait3A_632] : memref<8x100xi32, #tpu.memory_space<vmem>> -> memref<1x100xi32, #tpu.memory_space<vmem>>
        %dma_wait3A_634 = tpu.memref_squeeze %dma_wait3A_633 : memref<1x100xi32, #tpu.memory_space<vmem>> -> memref<100xi32, #tpu.memory_space<vmem>>
        %dma_wait3A_635 = arith.constant 0 : i32
        %dma_wait3A_636 = arith.constant 0 : i32
        %dma_wait3A_637 = tpu.memref_slice %arg17[%dma_wait3A_635, %dma_wait3A_636] : memref<10000x128xf32, #tpu.memory_space<vmem_shared>> -> memref<10000x128xf32, #tpu.memory_space<vmem_shared>>
        tpu.wait_indirect_dma semaphore(%run_scoped3A_625 : memref<!tpu.dma_semaphore, #tpu.memory_space<semaphore_mem>>) src(%arg14 : memref<100x128xf32, #tpu.memory_space<vmem>>) dst(%dma_wait3A_637 : memref<10000x128xf32, #tpu.memory_space<vmem_shared>>)
        tpu.yield
      }) : () -> ()
      %dma_wait3A_438 = arith.constant 0 : i32
      %dma_wait3A_439 = arith.constant 0 : i32
      %dma_wait3A_440 = tpu.memref_slice %arg8[%dma_wait3A_438, %dma_wait3A_439] : memref<8x100xi32, #tpu.memory_space<vmem>> -> memref<1x100xi32, #tpu.memory_space<vmem>>
      %dma_wait3A_441 = tpu.memref_squeeze %dma_wait3A_440 : memref<1x100xi32, #tpu.memory_space<vmem>> -> memref<100xi32, #tpu.memory_space<vmem>>
      %dma_wait3A_442 = arith.constant 0 : i32
      %dma_wait3A_443 = arith.constant 0 : i32
      %dma_wait3A_444 = tpu.memref_slice %arg2[%dma_wait3A_442, %dma_wait3A_443] : memref<10000x128xf32, #tpu.memory_space<hbm>> -> memref<10000x128xf32, #tpu.memory_space<hbm>>
      tpu.wait_indirect_dma semaphore(%arg19 : memref<!tpu.dma_semaphore, #tpu.memory_space<semaphore_mem>>) src(%dma_wait3A_444 : memref<10000x128xf32, #tpu.memory_space<hbm>>) dst(%arg15 : memref<100x128xf32, #tpu.memory_space<vmem>>)
      %dma_start3A_445 = arith.constant 7 : i32
      %dma_start3A_446 = arith.constant 0 : i32
      %dma_start3A_447 = tpu.memref_slice %arg9[%dma_start3A_445, %dma_start3A_446] : memref<8x100xi32, #tpu.memory_space<vmem>> -> memref<1x100xi32, #tpu.memory_space<vmem>>
      %dma_start3A_448 = tpu.memref_squeeze %dma_start3A_447 : memref<1x100xi32, #tpu.memory_space<vmem>> -> memref<100xi32, #tpu.memory_space<vmem>>
      %dma_start3A_449 = arith.constant 0 : i32
      %dma_start3A_450 = arith.constant 0 : i32
      %dma_start3A_451 = tpu.memref_slice %arg2[%dma_start3A_449, %dma_start3A_450] : memref<10000x128xf32, #tpu.memory_space<hbm>> -> memref<10000x128xf32, #tpu.memory_space<hbm>>
      tpu.enqueue_indirect_dma source(%dma_start3A_451 : memref<10000x128xf32, #tpu.memory_space<hbm>>) target(%arg14 : memref<100x128xf32, #tpu.memory_space<vmem>>) offsets(%dma_start3A_448 : memref<100xi32, #tpu.memory_space<vmem>>) semaphore(%arg18 : memref<!tpu.dma_semaphore, #tpu.memory_space<semaphore_mem>>)
      %run_scoped3A_452 = arith.constant 5 : i32
      "tpu.region"() ({
        %run_scoped3A_625 = tpu.sem_alloc : memref<!tpu.dma_semaphore, #tpu.memory_space<semaphore_mem>>
        %dma_start3A_626 = arith.constant 0 : i32
        %dma_start3A_627 = tpu.memref_slice %arg12[%run_scoped3A_452, %dma_start3A_626] : memref<8x100xi32, #tpu.memory_space<vmem>> -> memref<1x100xi32, #tpu.memory_space<vmem>>
        %dma_start3A_628 = tpu.memref_squeeze %dma_start3A_627 : memref<1x100xi32, #tpu.memory_space<vmem>> -> memref<100xi32, #tpu.memory_space<vmem>>
        %dma_start3A_629 = arith.constant 0 : i32
        %dma_start3A_630 = arith.constant 0 : i32
        %dma_start3A_631 = tpu.memref_slice %arg17[%dma_start3A_629, %dma_start3A_630] : memref<10000x128xf32, #tpu.memory_space<vmem_shared>> -> memref<10000x128xf32, #tpu.memory_space<vmem_shared>>
        tpu.enqueue_indirect_dma source(%arg15 : memref<100x128xf32, #tpu.memory_space<vmem>>) target(%dma_start3A_631 : memref<10000x128xf32, #tpu.memory_space<vmem_shared>>) offsets(%dma_start3A_628 : memref<100xi32, #tpu.memory_space<vmem>>) semaphore(%run_scoped3A_625 : memref<!tpu.dma_semaphore, #tpu.memory_space<semaphore_mem>>) {add = true}
        %dma_wait3A_632 = arith.constant 0 : i32
        %dma_wait3A_633 = tpu.memref_slice %arg12[%run_scoped3A_452, %dma_wait3A_632] : memref<8x100xi32, #tpu.memory_space<vmem>> -> memref<1x100xi32, #tpu.memory_space<vmem>>
        %dma_wait3A_634 = tpu.memref_squeeze %dma_wait3A_633 : memref<1x100xi32, #tpu.memory_space<vmem>> -> memref<100xi32, #tpu.memory_space<vmem>>
        %dma_wait3A_635 = arith.constant 0 : i32
        %dma_wait3A_636 = arith.constant 0 : i32
        %dma_wait3A_637 = tpu.memref_slice %arg17[%dma_wait3A_635, %dma_wait3A_636] : memref<10000x128xf32, #tpu.memory_space<vmem_shared>> -> memref<10000x128xf32, #tpu.memory_space<vmem_shared>>
        tpu.wait_indirect_dma semaphore(%run_scoped3A_625 : memref<!tpu.dma_semaphore, #tpu.memory_space<semaphore_mem>>) src(%arg15 : memref<100x128xf32, #tpu.memory_space<vmem>>) dst(%dma_wait3A_637 : memref<10000x128xf32, #tpu.memory_space<vmem_shared>>)
        tpu.yield
      }) : () -> ()
      %dma_wait3A_453 = arith.constant 0 : i32
      %dma_wait3A_454 = arith.constant 0 : i32
      %dma_wait3A_455 = tpu.memref_slice %arg8[%dma_wait3A_453, %dma_wait3A_454] : memref<8x100xi32, #tpu.memory_space<vmem>> -> memref<1x100xi32, #tpu.memory_space<vmem>>
      %dma_wait3A_456 = tpu.memref_squeeze %dma_wait3A_455 : memref<1x100xi32, #tpu.memory_space<vmem>> -> memref<100xi32, #tpu.memory_space<vmem>>
      %dma_wait3A_457 = arith.constant 0 : i32
      %dma_wait3A_458 = arith.constant 0 : i32
      %dma_wait3A_459 = tpu.memref_slice %arg2[%dma_wait3A_457, %dma_wait3A_458] : memref<10000x128xf32, #tpu.memory_space<hbm>> -> memref<10000x128xf32, #tpu.memory_space<hbm>>
      tpu.wait_indirect_dma semaphore(%arg20 : memref<!tpu.dma_semaphore, #tpu.memory_space<semaphore_mem>>) src(%dma_wait3A_459 : memref<10000x128xf32, #tpu.memory_space<hbm>>) dst(%arg16 : memref<100x128xf32, #tpu.memory_space<vmem>>)
      %dma_wait3A_460 = arith.constant 0 : i32
      %dma_wait3A_461 = arith.constant 0 : i32
      %dma_wait3A_462 = tpu.memref_slice %arg3[%arg0, %arg1, %dma_wait3A_460, %dma_wait3A_461] : memref<2x16x200x100xi32, #tpu.memory_space<hbm>> -> memref<1x1x8x100xi32, #tpu.memory_space<hbm>>
      %dma_wait3A_463 = tpu.memref_squeeze %dma_wait3A_462 : memref<1x1x8x100xi32, #tpu.memory_space<hbm>> -> memref<8x100xi32, #tpu.memory_space<hbm>>
      %dma_wait3A_464 = arith.constant 0 : i32
      %dma_wait3A_465 = arith.constant 0 : i32
      %dma_wait3A_466 = tpu.memref_slice %arg3[%arg0, %arg1, %dma_wait3A_464, %dma_wait3A_465] : memref<2x16x200x100xi32, #tpu.memory_space<hbm>> -> memref<1x1x8x100xi32, #tpu.memory_space<hbm>>
      %dma_wait3A_467 = tpu.memref_squeeze %dma_wait3A_466 : memref<1x1x8x100xi32, #tpu.memory_space<hbm>> -> memref<8x100xi32, #tpu.memory_space<hbm>>
      tpu.wait_dma2 semaphore(%arg23 : memref<!tpu.dma_semaphore, #tpu.memory_space<semaphore_mem>>) src(%dma_wait3A_467 : memref<8x100xi32, #tpu.memory_space<hbm>>) dst(%arg10 : memref<8x100xi32, #tpu.memory_space<vmem>>)
      %dma_wait3A_468 = arith.constant 0 : i32
      %dma_wait3A_469 = arith.constant 0 : i32
      %dma_wait3A_470 = tpu.memref_slice %arg4[%arg0, %arg1, %dma_wait3A_468, %dma_wait3A_469] : memref<2x16x200x100xi32, #tpu.memory_space<hbm>> -> memref<1x1x8x100xi32, #tpu.memory_space<hbm>>
      %dma_wait3A_471 = tpu.memref_squeeze %dma_wait3A_470 : memref<1x1x8x100xi32, #tpu.memory_space<hbm>> -> memref<8x100xi32, #tpu.memory_space<hbm>>
      %dma_wait3A_472 = arith.constant 0 : i32
      %dma_wait3A_473 = arith.constant 0 : i32
      %dma_wait3A_474 = tpu.memref_slice %arg4[%arg0, %arg1, %dma_wait3A_472, %dma_wait3A_473] : memref<2x16x200x100xi32, #tpu.memory_space<hbm>> -> memref<1x1x8x100xi32, #tpu.memory_space<hbm>>
      %dma_wait3A_475 = tpu.memref_squeeze %dma_wait3A_474 : memref<1x1x8x100xi32, #tpu.memory_space<hbm>> -> memref<8x100xi32, #tpu.memory_space<hbm>>
      tpu.wait_dma2 semaphore(%arg26 : memref<!tpu.dma_semaphore, #tpu.memory_space<semaphore_mem>>) src(%dma_wait3A_475 : memref<8x100xi32, #tpu.memory_space<hbm>>) dst(%arg13 : memref<8x100xi32, #tpu.memory_space<vmem>>)
      %dma_start3A_476 = arith.constant 0 : i32
      %dma_start3A_477 = arith.constant 0 : i32
      %dma_start3A_478 = tpu.memref_slice %arg10[%dma_start3A_476, %dma_start3A_477] : memref<8x100xi32, #tpu.memory_space<vmem>> -> memref<1x100xi32, #tpu.memory_space<vmem>>
      %dma_start3A_479 = tpu.memref_squeeze %dma_start3A_478 : memref<1x100xi32, #tpu.memory_space<vmem>> -> memref<100xi32, #tpu.memory_space<vmem>>
      %dma_start3A_480 = arith.constant 0 : i32
      %dma_start3A_481 = arith.constant 0 : i32
      %dma_start3A_482 = tpu.memref_slice %arg2[%dma_start3A_480, %dma_start3A_481] : memref<10000x128xf32, #tpu.memory_space<hbm>> -> memref<10000x128xf32, #tpu.memory_space<hbm>>
      tpu.enqueue_indirect_dma source(%dma_start3A_482 : memref<10000x128xf32, #tpu.memory_space<hbm>>) target(%arg15 : memref<100x128xf32, #tpu.memory_space<vmem>>) offsets(%dma_start3A_479 : memref<100xi32, #tpu.memory_space<vmem>>) semaphore(%arg19 : memref<!tpu.dma_semaphore, #tpu.memory_space<semaphore_mem>>)
      %run_scoped3A_483 = arith.constant 6 : i32
      "tpu.region"() ({
        %run_scoped3A_625 = tpu.sem_alloc : memref<!tpu.dma_semaphore, #tpu.memory_space<semaphore_mem>>
        %dma_start3A_626 = arith.constant 0 : i32
        %dma_start3A_627 = tpu.memref_slice %arg12[%run_scoped3A_483, %dma_start3A_626] : memref<8x100xi32, #tpu.memory_space<vmem>> -> memref<1x100xi32, #tpu.memory_space<vmem>>
        %dma_start3A_628 = tpu.memref_squeeze %dma_start3A_627 : memref<1x100xi32, #tpu.memory_space<vmem>> -> memref<100xi32, #tpu.memory_space<vmem>>
        %dma_start3A_629 = arith.constant 0 : i32
        %dma_start3A_630 = arith.constant 0 : i32
        %dma_start3A_631 = tpu.memref_slice %arg17[%dma_start3A_629, %dma_start3A_630] : memref<10000x128xf32, #tpu.memory_space<vmem_shared>> -> memref<10000x128xf32, #tpu.memory_space<vmem_shared>>
        tpu.enqueue_indirect_dma source(%arg16 : memref<100x128xf32, #tpu.memory_space<vmem>>) target(%dma_start3A_631 : memref<10000x128xf32, #tpu.memory_space<vmem_shared>>) offsets(%dma_start3A_628 : memref<100xi32, #tpu.memory_space<vmem>>) semaphore(%run_scoped3A_625 : memref<!tpu.dma_semaphore, #tpu.memory_space<semaphore_mem>>) {add = true}
        %dma_wait3A_632 = arith.constant 0 : i32
        %dma_wait3A_633 = tpu.memref_slice %arg12[%run_scoped3A_483, %dma_wait3A_632] : memref<8x100xi32, #tpu.memory_space<vmem>> -> memref<1x100xi32, #tpu.memory_space<vmem>>
        %dma_wait3A_634 = tpu.memref_squeeze %dma_wait3A_633 : memref<1x100xi32, #tpu.memory_space<vmem>> -> memref<100xi32, #tpu.memory_space<vmem>>
        %dma_wait3A_635 = arith.constant 0 : i32
        %dma_wait3A_636 = arith.constant 0 : i32
        %dma_wait3A_637 = tpu.memref_slice %arg17[%dma_wait3A_635, %dma_wait3A_636] : memref<10000x128xf32, #tpu.memory_space<vmem_shared>> -> memref<10000x128xf32, #tpu.memory_space<vmem_shared>>
        tpu.wait_indirect_dma semaphore(%run_scoped3A_625 : memref<!tpu.dma_semaphore, #tpu.memory_space<semaphore_mem>>) src(%arg16 : memref<100x128xf32, #tpu.memory_space<vmem>>) dst(%dma_wait3A_637 : memref<10000x128xf32, #tpu.memory_space<vmem_shared>>)
        tpu.yield
      }) : () -> ()
      %dma_wait3A_484 = arith.constant 0 : i32
      %dma_wait3A_485 = arith.constant 0 : i32
      %dma_wait3A_486 = tpu.memref_slice %arg8[%dma_wait3A_484, %dma_wait3A_485] : memref<8x100xi32, #tpu.memory_space<vmem>> -> memref<1x100xi32, #tpu.memory_space<vmem>>
      %dma_wait3A_487 = tpu.memref_squeeze %dma_wait3A_486 : memref<1x100xi32, #tpu.memory_space<vmem>> -> memref<100xi32, #tpu.memory_space<vmem>>
      %dma_wait3A_488 = arith.constant 0 : i32
      %dma_wait3A_489 = arith.constant 0 : i32
      %dma_wait3A_490 = tpu.memref_slice %arg2[%dma_wait3A_488, %dma_wait3A_489] : memref<10000x128xf32, #tpu.memory_space<hbm>> -> memref<10000x128xf32, #tpu.memory_space<hbm>>
      tpu.wait_indirect_dma semaphore(%arg18 : memref<!tpu.dma_semaphore, #tpu.memory_space<semaphore_mem>>) src(%dma_wait3A_490 : memref<10000x128xf32, #tpu.memory_space<hbm>>) dst(%arg14 : memref<100x128xf32, #tpu.memory_space<vmem>>)
      %dma_start3A_491 = arith.constant 1 : i32
      %dma_start3A_492 = arith.constant 0 : i32
      %dma_start3A_493 = tpu.memref_slice %arg10[%dma_start3A_491, %dma_start3A_492] : memref<8x100xi32, #tpu.memory_space<vmem>> -> memref<1x100xi32, #tpu.memory_space<vmem>>
      %dma_start3A_494 = tpu.memref_squeeze %dma_start3A_493 : memref<1x100xi32, #tpu.memory_space<vmem>> -> memref<100xi32, #tpu.memory_space<vmem>>
      %dma_start3A_495 = arith.constant 0 : i32
      %dma_start3A_496 = arith.constant 0 : i32
      %dma_start3A_497 = tpu.memref_slice %arg2[%dma_start3A_495, %dma_start3A_496] : memref<10000x128xf32, #tpu.memory_space<hbm>> -> memref<10000x128xf32, #tpu.memory_space<hbm>>
      tpu.enqueue_indirect_dma source(%dma_start3A_497 : memref<10000x128xf32, #tpu.memory_space<hbm>>) target(%arg16 : memref<100x128xf32, #tpu.memory_space<vmem>>) offsets(%dma_start3A_494 : memref<100xi32, #tpu.memory_space<vmem>>) semaphore(%arg20 : memref<!tpu.dma_semaphore, #tpu.memory_space<semaphore_mem>>)
      %run_scoped3A_498 = arith.constant 7 : i32
      "tpu.region"() ({
        %run_scoped3A_625 = tpu.sem_alloc : memref<!tpu.dma_semaphore, #tpu.memory_space<semaphore_mem>>
        %dma_start3A_626 = arith.constant 0 : i32
        %dma_start3A_627 = tpu.memref_slice %arg12[%run_scoped3A_498, %dma_start3A_626] : memref<8x100xi32, #tpu.memory_space<vmem>> -> memref<1x100xi32, #tpu.memory_space<vmem>>
        %dma_start3A_628 = tpu.memref_squeeze %dma_start3A_627 : memref<1x100xi32, #tpu.memory_space<vmem>> -> memref<100xi32, #tpu.memory_space<vmem>>
        %dma_start3A_629 = arith.constant 0 : i32
        %dma_start3A_630 = arith.constant 0 : i32
        %dma_start3A_631 = tpu.memref_slice %arg17[%dma_start3A_629, %dma_start3A_630] : memref<10000x128xf32, #tpu.memory_space<vmem_shared>> -> memref<10000x128xf32, #tpu.memory_space<vmem_shared>>
        tpu.enqueue_indirect_dma source(%arg14 : memref<100x128xf32, #tpu.memory_space<vmem>>) target(%dma_start3A_631 : memref<10000x128xf32, #tpu.memory_space<vmem_shared>>) offsets(%dma_start3A_628 : memref<100xi32, #tpu.memory_space<vmem>>) semaphore(%run_scoped3A_625 : memref<!tpu.dma_semaphore, #tpu.memory_space<semaphore_mem>>) {add = true}
        %dma_wait3A_632 = arith.constant 0 : i32
        %dma_wait3A_633 = tpu.memref_slice %arg12[%run_scoped3A_498, %dma_wait3A_632] : memref<8x100xi32, #tpu.memory_space<vmem>> -> memref<1x100xi32, #tpu.memory_space<vmem>>
        %dma_wait3A_634 = tpu.memref_squeeze %dma_wait3A_633 : memref<1x100xi32, #tpu.memory_space<vmem>> -> memref<100xi32, #tpu.memory_space<vmem>>
        %dma_wait3A_635 = arith.constant 0 : i32
        %dma_wait3A_636 = arith.constant 0 : i32
        %dma_wait3A_637 = tpu.memref_slice %arg17[%dma_wait3A_635, %dma_wait3A_636] : memref<10000x128xf32, #tpu.memory_space<vmem_shared>> -> memref<10000x128xf32, #tpu.memory_space<vmem_shared>>
        tpu.wait_indirect_dma semaphore(%run_scoped3A_625 : memref<!tpu.dma_semaphore, #tpu.memory_space<semaphore_mem>>) src(%arg14 : memref<100x128xf32, #tpu.memory_space<vmem>>) dst(%dma_wait3A_637 : memref<10000x128xf32, #tpu.memory_space<vmem_shared>>)
        tpu.yield
      }) : () -> ()
      %dma_wait3A_499 = arith.constant 0 : i32
      %dma_wait3A_500 = arith.constant 0 : i32
      %dma_wait3A_501 = tpu.memref_slice %arg8[%dma_wait3A_499, %dma_wait3A_500] : memref<8x100xi32, #tpu.memory_space<vmem>> -> memref<1x100xi32, #tpu.memory_space<vmem>>
      %dma_wait3A_502 = tpu.memref_squeeze %dma_wait3A_501 : memref<1x100xi32, #tpu.memory_space<vmem>> -> memref<100xi32, #tpu.memory_space<vmem>>
      %dma_wait3A_503 = arith.constant 0 : i32
      %dma_wait3A_504 = arith.constant 0 : i32
      %dma_wait3A_505 = tpu.memref_slice %arg2[%dma_wait3A_503, %dma_wait3A_504] : memref<10000x128xf32, #tpu.memory_space<hbm>> -> memref<10000x128xf32, #tpu.memory_space<hbm>>
      tpu.wait_indirect_dma semaphore(%arg19 : memref<!tpu.dma_semaphore, #tpu.memory_space<semaphore_mem>>) src(%dma_wait3A_505 : memref<10000x128xf32, #tpu.memory_space<hbm>>) dst(%arg15 : memref<100x128xf32, #tpu.memory_space<vmem>>)
      %dma_start3A_506 = arith.constant 2 : i32
      %dma_start3A_507 = arith.constant 0 : i32
      %dma_start3A_508 = tpu.memref_slice %arg10[%dma_start3A_506, %dma_start3A_507] : memref<8x100xi32, #tpu.memory_space<vmem>> -> memref<1x100xi32, #tpu.memory_space<vmem>>
      %dma_start3A_509 = tpu.memref_squeeze %dma_start3A_508 : memref<1x100xi32, #tpu.memory_space<vmem>> -> memref<100xi32, #tpu.memory_space<vmem>>
      %dma_start3A_510 = arith.constant 0 : i32
      %dma_start3A_511 = arith.constant 0 : i32
      %dma_start3A_512 = tpu.memref_slice %arg2[%dma_start3A_510, %dma_start3A_511] : memref<10000x128xf32, #tpu.memory_space<hbm>> -> memref<10000x128xf32, #tpu.memory_space<hbm>>
      tpu.enqueue_indirect_dma source(%dma_start3A_512 : memref<10000x128xf32, #tpu.memory_space<hbm>>) target(%arg14 : memref<100x128xf32, #tpu.memory_space<vmem>>) offsets(%dma_start3A_509 : memref<100xi32, #tpu.memory_space<vmem>>) semaphore(%arg18 : memref<!tpu.dma_semaphore, #tpu.memory_space<semaphore_mem>>)
      %run_scoped3A_513 = arith.constant 0 : i32
      "tpu.region"() ({
        %run_scoped3A_625 = tpu.sem_alloc : memref<!tpu.dma_semaphore, #tpu.memory_space<semaphore_mem>>
        %dma_start3A_626 = arith.constant 0 : i32
        %dma_start3A_627 = tpu.memref_slice %arg13[%run_scoped3A_513, %dma_start3A_626] : memref<8x100xi32, #tpu.memory_space<vmem>> -> memref<1x100xi32, #tpu.memory_space<vmem>>
        %dma_start3A_628 = tpu.memref_squeeze %dma_start3A_627 : memref<1x100xi32, #tpu.memory_space<vmem>> -> memref<100xi32, #tpu.memory_space<vmem>>
        %dma_start3A_629 = arith.constant 0 : i32
        %dma_start3A_630 = arith.constant 0 : i32
        %dma_start3A_631 = tpu.memref_slice %arg17[%dma_start3A_629, %dma_start3A_630] : memref<10000x128xf32, #tpu.memory_space<vmem_shared>> -> memref<10000x128xf32, #tpu.memory_space<vmem_shared>>
        tpu.enqueue_indirect_dma source(%arg15 : memref<100x128xf32, #tpu.memory_space<vmem>>) target(%dma_start3A_631 : memref<10000x128xf32, #tpu.memory_space<vmem_shared>>) offsets(%dma_start3A_628 : memref<100xi32, #tpu.memory_space<vmem>>) semaphore(%run_scoped3A_625 : memref<!tpu.dma_semaphore, #tpu.memory_space<semaphore_mem>>) {add = true}
        %dma_wait3A_632 = arith.constant 0 : i32
        %dma_wait3A_633 = tpu.memref_slice %arg13[%run_scoped3A_513, %dma_wait3A_632] : memref<8x100xi32, #tpu.memory_space<vmem>> -> memref<1x100xi32, #tpu.memory_space<vmem>>
        %dma_wait3A_634 = tpu.memref_squeeze %dma_wait3A_633 : memref<1x100xi32, #tpu.memory_space<vmem>> -> memref<100xi32, #tpu.memory_space<vmem>>
        %dma_wait3A_635 = arith.constant 0 : i32
        %dma_wait3A_636 = arith.constant 0 : i32
        %dma_wait3A_637 = tpu.memref_slice %arg17[%dma_wait3A_635, %dma_wait3A_636] : memref<10000x128xf32, #tpu.memory_space<vmem_shared>> -> memref<10000x128xf32, #tpu.memory_space<vmem_shared>>
        tpu.wait_indirect_dma semaphore(%run_scoped3A_625 : memref<!tpu.dma_semaphore, #tpu.memory_space<semaphore_mem>>) src(%arg15 : memref<100x128xf32, #tpu.memory_space<vmem>>) dst(%dma_wait3A_637 : memref<10000x128xf32, #tpu.memory_space<vmem_shared>>)
        tpu.yield
      }) : () -> ()
      %dma_wait3A_514 = arith.constant 0 : i32
      %dma_wait3A_515 = arith.constant 0 : i32
      %dma_wait3A_516 = tpu.memref_slice %arg8[%dma_wait3A_514, %dma_wait3A_515] : memref<8x100xi32, #tpu.memory_space<vmem>> -> memref<1x100xi32, #tpu.memory_space<vmem>>
      %dma_wait3A_517 = tpu.memref_squeeze %dma_wait3A_516 : memref<1x100xi32, #tpu.memory_space<vmem>> -> memref<100xi32, #tpu.memory_space<vmem>>
      %dma_wait3A_518 = arith.constant 0 : i32
      %dma_wait3A_519 = arith.constant 0 : i32
      %dma_wait3A_520 = tpu.memref_slice %arg2[%dma_wait3A_518, %dma_wait3A_519] : memref<10000x128xf32, #tpu.memory_space<hbm>> -> memref<10000x128xf32, #tpu.memory_space<hbm>>
      tpu.wait_indirect_dma semaphore(%arg20 : memref<!tpu.dma_semaphore, #tpu.memory_space<semaphore_mem>>) src(%dma_wait3A_520 : memref<10000x128xf32, #tpu.memory_space<hbm>>) dst(%arg16 : memref<100x128xf32, #tpu.memory_space<vmem>>)
      %dma_start3A_521 = arith.constant 3 : i32
      %dma_start3A_522 = arith.constant 0 : i32
      %dma_start3A_523 = tpu.memref_slice %arg10[%dma_start3A_521, %dma_start3A_522] : memref<8x100xi32, #tpu.memory_space<vmem>> -> memref<1x100xi32, #tpu.memory_space<vmem>>
      %dma_start3A_524 = tpu.memref_squeeze %dma_start3A_523 : memref<1x100xi32, #tpu.memory_space<vmem>> -> memref<100xi32, #tpu.memory_space<vmem>>
      %dma_start3A_525 = arith.constant 0 : i32
      %dma_start3A_526 = arith.constant 0 : i32
      %dma_start3A_527 = tpu.memref_slice %arg2[%dma_start3A_525, %dma_start3A_526] : memref<10000x128xf32, #tpu.memory_space<hbm>> -> memref<10000x128xf32, #tpu.memory_space<hbm>>
      tpu.enqueue_indirect_dma source(%dma_start3A_527 : memref<10000x128xf32, #tpu.memory_space<hbm>>) target(%arg15 : memref<100x128xf32, #tpu.memory_space<vmem>>) offsets(%dma_start3A_524 : memref<100xi32, #tpu.memory_space<vmem>>) semaphore(%arg19 : memref<!tpu.dma_semaphore, #tpu.memory_space<semaphore_mem>>)
      %run_scoped3A_528 = arith.constant 1 : i32
      "tpu.region"() ({
        %run_scoped3A_625 = tpu.sem_alloc : memref<!tpu.dma_semaphore, #tpu.memory_space<semaphore_mem>>
        %dma_start3A_626 = arith.constant 0 : i32
        %dma_start3A_627 = tpu.memref_slice %arg13[%run_scoped3A_528, %dma_start3A_626] : memref<8x100xi32, #tpu.memory_space<vmem>> -> memref<1x100xi32, #tpu.memory_space<vmem>>
        %dma_start3A_628 = tpu.memref_squeeze %dma_start3A_627 : memref<1x100xi32, #tpu.memory_space<vmem>> -> memref<100xi32, #tpu.memory_space<vmem>>
        %dma_start3A_629 = arith.constant 0 : i32
        %dma_start3A_630 = arith.constant 0 : i32
        %dma_start3A_631 = tpu.memref_slice %arg17[%dma_start3A_629, %dma_start3A_630] : memref<10000x128xf32, #tpu.memory_space<vmem_shared>> -> memref<10000x128xf32, #tpu.memory_space<vmem_shared>>
        tpu.enqueue_indirect_dma source(%arg16 : memref<100x128xf32, #tpu.memory_space<vmem>>) target(%dma_start3A_631 : memref<10000x128xf32, #tpu.memory_space<vmem_shared>>) offsets(%dma_start3A_628 : memref<100xi32, #tpu.memory_space<vmem>>) semaphore(%run_scoped3A_625 : memref<!tpu.dma_semaphore, #tpu.memory_space<semaphore_mem>>) {add = true}
        %dma_wait3A_632 = arith.constant 0 : i32
        %dma_wait3A_633 = tpu.memref_slice %arg13[%run_scoped3A_528, %dma_wait3A_632] : memref<8x100xi32, #tpu.memory_space<vmem>> -> memref<1x100xi32, #tpu.memory_space<vmem>>
        %dma_wait3A_634 = tpu.memref_squeeze %dma_wait3A_633 : memref<1x100xi32, #tpu.memory_space<vmem>> -> memref<100xi32, #tpu.memory_space<vmem>>
        %dma_wait3A_635 = arith.constant 0 : i32
        %dma_wait3A_636 = arith.constant 0 : i32
        %dma_wait3A_637 = tpu.memref_slice %arg17[%dma_wait3A_635, %dma_wait3A_636] : memref<10000x128xf32, #tpu.memory_space<vmem_shared>> -> memref<10000x128xf32, #tpu.memory_space<vmem_shared>>
        tpu.wait_indirect_dma semaphore(%run_scoped3A_625 : memref<!tpu.dma_semaphore, #tpu.memory_space<semaphore_mem>>) src(%arg16 : memref<100x128xf32, #tpu.memory_space<vmem>>) dst(%dma_wait3A_637 : memref<10000x128xf32, #tpu.memory_space<vmem_shared>>)
        tpu.yield
      }) : () -> ()
      %dma_wait3A_529 = arith.constant 0 : i32
      %dma_wait3A_530 = arith.constant 0 : i32
      %dma_wait3A_531 = tpu.memref_slice %arg8[%dma_wait3A_529, %dma_wait3A_530] : memref<8x100xi32, #tpu.memory_space<vmem>> -> memref<1x100xi32, #tpu.memory_space<vmem>>
      %dma_wait3A_532 = tpu.memref_squeeze %dma_wait3A_531 : memref<1x100xi32, #tpu.memory_space<vmem>> -> memref<100xi32, #tpu.memory_space<vmem>>
      %dma_wait3A_533 = arith.constant 0 : i32
      %dma_wait3A_534 = arith.constant 0 : i32
      %dma_wait3A_535 = tpu.memref_slice %arg2[%dma_wait3A_533, %dma_wait3A_534] : memref<10000x128xf32, #tpu.memory_space<hbm>> -> memref<10000x128xf32, #tpu.memory_space<hbm>>
      tpu.wait_indirect_dma semaphore(%arg18 : memref<!tpu.dma_semaphore, #tpu.memory_space<semaphore_mem>>) src(%dma_wait3A_535 : memref<10000x128xf32, #tpu.memory_space<hbm>>) dst(%arg14 : memref<100x128xf32, #tpu.memory_space<vmem>>)
      %dma_start3A_536 = arith.constant 4 : i32
      %dma_start3A_537 = arith.constant 0 : i32
      %dma_start3A_538 = tpu.memref_slice %arg10[%dma_start3A_536, %dma_start3A_537] : memref<8x100xi32, #tpu.memory_space<vmem>> -> memref<1x100xi32, #tpu.memory_space<vmem>>
      %dma_start3A_539 = tpu.memref_squeeze %dma_start3A_538 : memref<1x100xi32, #tpu.memory_space<vmem>> -> memref<100xi32, #tpu.memory_space<vmem>>
      %dma_start3A_540 = arith.constant 0 : i32
      %dma_start3A_541 = arith.constant 0 : i32
      %dma_start3A_542 = tpu.memref_slice %arg2[%dma_start3A_540, %dma_start3A_541] : memref<10000x128xf32, #tpu.memory_space<hbm>> -> memref<10000x128xf32, #tpu.memory_space<hbm>>
      tpu.enqueue_indirect_dma source(%dma_start3A_542 : memref<10000x128xf32, #tpu.memory_space<hbm>>) target(%arg16 : memref<100x128xf32, #tpu.memory_space<vmem>>) offsets(%dma_start3A_539 : memref<100xi32, #tpu.memory_space<vmem>>) semaphore(%arg20 : memref<!tpu.dma_semaphore, #tpu.memory_space<semaphore_mem>>)
      %run_scoped3A_543 = arith.constant 2 : i32
      "tpu.region"() ({
        %run_scoped3A_625 = tpu.sem_alloc : memref<!tpu.dma_semaphore, #tpu.memory_space<semaphore_mem>>
        %dma_start3A_626 = arith.constant 0 : i32
        %dma_start3A_627 = tpu.memref_slice %arg13[%run_scoped3A_543, %dma_start3A_626] : memref<8x100xi32, #tpu.memory_space<vmem>> -> memref<1x100xi32, #tpu.memory_space<vmem>>
        %dma_start3A_628 = tpu.memref_squeeze %dma_start3A_627 : memref<1x100xi32, #tpu.memory_space<vmem>> -> memref<100xi32, #tpu.memory_space<vmem>>
        %dma_start3A_629 = arith.constant 0 : i32
        %dma_start3A_630 = arith.constant 0 : i32
        %dma_start3A_631 = tpu.memref_slice %arg17[%dma_start3A_629, %dma_start3A_630] : memref<10000x128xf32, #tpu.memory_space<vmem_shared>> -> memref<10000x128xf32, #tpu.memory_space<vmem_shared>>
        tpu.enqueue_indirect_dma source(%arg14 : memref<100x128xf32, #tpu.memory_space<vmem>>) target(%dma_start3A_631 : memref<10000x128xf32, #tpu.memory_space<vmem_shared>>) offsets(%dma_start3A_628 : memref<100xi32, #tpu.memory_space<vmem>>) semaphore(%run_scoped3A_625 : memref<!tpu.dma_semaphore, #tpu.memory_space<semaphore_mem>>) {add = true}
        %dma_wait3A_632 = arith.constant 0 : i32
        %dma_wait3A_633 = tpu.memref_slice %arg13[%run_scoped3A_543, %dma_wait3A_632] : memref<8x100xi32, #tpu.memory_space<vmem>> -> memref<1x100xi32, #tpu.memory_space<vmem>>
        %dma_wait3A_634 = tpu.memref_squeeze %dma_wait3A_633 : memref<1x100xi32, #tpu.memory_space<vmem>> -> memref<100xi32, #tpu.memory_space<vmem>>
        %dma_wait3A_635 = arith.constant 0 : i32
        %dma_wait3A_636 = arith.constant 0 : i32
        %dma_wait3A_637 = tpu.memref_slice %arg17[%dma_wait3A_635, %dma_wait3A_636] : memref<10000x128xf32, #tpu.memory_space<vmem_shared>> -> memref<10000x128xf32, #tpu.memory_space<vmem_shared>>
        tpu.wait_indirect_dma semaphore(%run_scoped3A_625 : memref<!tpu.dma_semaphore, #tpu.memory_space<semaphore_mem>>) src(%arg14 : memref<100x128xf32, #tpu.memory_space<vmem>>) dst(%dma_wait3A_637 : memref<10000x128xf32, #tpu.memory_space<vmem_shared>>)
        tpu.yield
      }) : () -> ()
      %dma_wait3A_544 = arith.constant 0 : i32
      %dma_wait3A_545 = arith.constant 0 : i32
      %dma_wait3A_546 = tpu.memref_slice %arg8[%dma_wait3A_544, %dma_wait3A_545] : memref<8x100xi32, #tpu.memory_space<vmem>> -> memref<1x100xi32, #tpu.memory_space<vmem>>
      %dma_wait3A_547 = tpu.memref_squeeze %dma_wait3A_546 : memref<1x100xi32, #tpu.memory_space<vmem>> -> memref<100xi32, #tpu.memory_space<vmem>>
      %dma_wait3A_548 = arith.constant 0 : i32
      %dma_wait3A_549 = arith.constant 0 : i32
      %dma_wait3A_550 = tpu.memref_slice %arg2[%dma_wait3A_548, %dma_wait3A_549] : memref<10000x128xf32, #tpu.memory_space<hbm>> -> memref<10000x128xf32, #tpu.memory_space<hbm>>
      tpu.wait_indirect_dma semaphore(%arg19 : memref<!tpu.dma_semaphore, #tpu.memory_space<semaphore_mem>>) src(%dma_wait3A_550 : memref<10000x128xf32, #tpu.memory_space<hbm>>) dst(%arg15 : memref<100x128xf32, #tpu.memory_space<vmem>>)
      %dma_start3A_551 = arith.constant 5 : i32
      %dma_start3A_552 = arith.constant 0 : i32
      %dma_start3A_553 = tpu.memref_slice %arg10[%dma_start3A_551, %dma_start3A_552] : memref<8x100xi32, #tpu.memory_space<vmem>> -> memref<1x100xi32, #tpu.memory_space<vmem>>
      %dma_start3A_554 = tpu.memref_squeeze %dma_start3A_553 : memref<1x100xi32, #tpu.memory_space<vmem>> -> memref<100xi32, #tpu.memory_space<vmem>>
      %dma_start3A_555 = arith.constant 0 : i32
      %dma_start3A_556 = arith.constant 0 : i32
      %dma_start3A_557 = tpu.memref_slice %arg2[%dma_start3A_555, %dma_start3A_556] : memref<10000x128xf32, #tpu.memory_space<hbm>> -> memref<10000x128xf32, #tpu.memory_space<hbm>>
      tpu.enqueue_indirect_dma source(%dma_start3A_557 : memref<10000x128xf32, #tpu.memory_space<hbm>>) target(%arg14 : memref<100x128xf32, #tpu.memory_space<vmem>>) offsets(%dma_start3A_554 : memref<100xi32, #tpu.memory_space<vmem>>) semaphore(%arg18 : memref<!tpu.dma_semaphore, #tpu.memory_space<semaphore_mem>>)
      %run_scoped3A_558 = arith.constant 3 : i32
      "tpu.region"() ({
        %run_scoped3A_625 = tpu.sem_alloc : memref<!tpu.dma_semaphore, #tpu.memory_space<semaphore_mem>>
        %dma_start3A_626 = arith.constant 0 : i32
        %dma_start3A_627 = tpu.memref_slice %arg13[%run_scoped3A_558, %dma_start3A_626] : memref<8x100xi32, #tpu.memory_space<vmem>> -> memref<1x100xi32, #tpu.memory_space<vmem>>
        %dma_start3A_628 = tpu.memref_squeeze %dma_start3A_627 : memref<1x100xi32, #tpu.memory_space<vmem>> -> memref<100xi32, #tpu.memory_space<vmem>>
        %dma_start3A_629 = arith.constant 0 : i32
        %dma_start3A_630 = arith.constant 0 : i32
        %dma_start3A_631 = tpu.memref_slice %arg17[%dma_start3A_629, %dma_start3A_630] : memref<10000x128xf32, #tpu.memory_space<vmem_shared>> -> memref<10000x128xf32, #tpu.memory_space<vmem_shared>>
        tpu.enqueue_indirect_dma source(%arg15 : memref<100x128xf32, #tpu.memory_space<vmem>>) target(%dma_start3A_631 : memref<10000x128xf32, #tpu.memory_space<vmem_shared>>) offsets(%dma_start3A_628 : memref<100xi32, #tpu.memory_space<vmem>>) semaphore(%run_scoped3A_625 : memref<!tpu.dma_semaphore, #tpu.memory_space<semaphore_mem>>) {add = true}
        %dma_wait3A_632 = arith.constant 0 : i32
        %dma_wait3A_633 = tpu.memref_slice %arg13[%run_scoped3A_558, %dma_wait3A_632] : memref<8x100xi32, #tpu.memory_space<vmem>> -> memref<1x100xi32, #tpu.memory_space<vmem>>
        %dma_wait3A_634 = tpu.memref_squeeze %dma_wait3A_633 : memref<1x100xi32, #tpu.memory_space<vmem>> -> memref<100xi32, #tpu.memory_space<vmem>>
        %dma_wait3A_635 = arith.constant 0 : i32
        %dma_wait3A_636 = arith.constant 0 : i32
        %dma_wait3A_637 = tpu.memref_slice %arg17[%dma_wait3A_635, %dma_wait3A_636] : memref<10000x128xf32, #tpu.memory_space<vmem_shared>> -> memref<10000x128xf32, #tpu.memory_space<vmem_shared>>
        tpu.wait_indirect_dma semaphore(%run_scoped3A_625 : memref<!tpu.dma_semaphore, #tpu.memory_space<semaphore_mem>>) src(%arg15 : memref<100x128xf32, #tpu.memory_space<vmem>>) dst(%dma_wait3A_637 : memref<10000x128xf32, #tpu.memory_space<vmem_shared>>)
        tpu.yield
      }) : () -> ()
      %dma_wait3A_559 = arith.constant 0 : i32
      %dma_wait3A_560 = arith.constant 0 : i32
      %dma_wait3A_561 = tpu.memref_slice %arg8[%dma_wait3A_559, %dma_wait3A_560] : memref<8x100xi32, #tpu.memory_space<vmem>> -> memref<1x100xi32, #tpu.memory_space<vmem>>
      %dma_wait3A_562 = tpu.memref_squeeze %dma_wait3A_561 : memref<1x100xi32, #tpu.memory_space<vmem>> -> memref<100xi32, #tpu.memory_space<vmem>>
      %dma_wait3A_563 = arith.constant 0 : i32
      %dma_wait3A_564 = arith.constant 0 : i32
      %dma_wait3A_565 = tpu.memref_slice %arg2[%dma_wait3A_563, %dma_wait3A_564] : memref<10000x128xf32, #tpu.memory_space<hbm>> -> memref<10000x128xf32, #tpu.memory_space<hbm>>
      tpu.wait_indirect_dma semaphore(%arg20 : memref<!tpu.dma_semaphore, #tpu.memory_space<semaphore_mem>>) src(%dma_wait3A_565 : memref<10000x128xf32, #tpu.memory_space<hbm>>) dst(%arg16 : memref<100x128xf32, #tpu.memory_space<vmem>>)
      %dma_start3A_566 = arith.constant 6 : i32
      %dma_start3A_567 = arith.constant 0 : i32
      %dma_start3A_568 = tpu.memref_slice %arg10[%dma_start3A_566, %dma_start3A_567] : memref<8x100xi32, #tpu.memory_space<vmem>> -> memref<1x100xi32, #tpu.memory_space<vmem>>
      %dma_start3A_569 = tpu.memref_squeeze %dma_start3A_568 : memref<1x100xi32, #tpu.memory_space<vmem>> -> memref<100xi32, #tpu.memory_space<vmem>>
      %dma_start3A_570 = arith.constant 0 : i32
      %dma_start3A_571 = arith.constant 0 : i32
      %dma_start3A_572 = tpu.memref_slice %arg2[%dma_start3A_570, %dma_start3A_571] : memref<10000x128xf32, #tpu.memory_space<hbm>> -> memref<10000x128xf32, #tpu.memory_space<hbm>>
      tpu.enqueue_indirect_dma source(%dma_start3A_572 : memref<10000x128xf32, #tpu.memory_space<hbm>>) target(%arg15 : memref<100x128xf32, #tpu.memory_space<vmem>>) offsets(%dma_start3A_569 : memref<100xi32, #tpu.memory_space<vmem>>) semaphore(%arg19 : memref<!tpu.dma_semaphore, #tpu.memory_space<semaphore_mem>>)
      %run_scoped3A_573 = arith.constant 4 : i32
      "tpu.region"() ({
        %run_scoped3A_625 = tpu.sem_alloc : memref<!tpu.dma_semaphore, #tpu.memory_space<semaphore_mem>>
        %dma_start3A_626 = arith.constant 0 : i32
        %dma_start3A_627 = tpu.memref_slice %arg13[%run_scoped3A_573, %dma_start3A_626] : memref<8x100xi32, #tpu.memory_space<vmem>> -> memref<1x100xi32, #tpu.memory_space<vmem>>
        %dma_start3A_628 = tpu.memref_squeeze %dma_start3A_627 : memref<1x100xi32, #tpu.memory_space<vmem>> -> memref<100xi32, #tpu.memory_space<vmem>>
        %dma_start3A_629 = arith.constant 0 : i32
        %dma_start3A_630 = arith.constant 0 : i32
        %dma_start3A_631 = tpu.memref_slice %arg17[%dma_start3A_629, %dma_start3A_630] : memref<10000x128xf32, #tpu.memory_space<vmem_shared>> -> memref<10000x128xf32, #tpu.memory_space<vmem_shared>>
        tpu.enqueue_indirect_dma source(%arg16 : memref<100x128xf32, #tpu.memory_space<vmem>>) target(%dma_start3A_631 : memref<10000x128xf32, #tpu.memory_space<vmem_shared>>) offsets(%dma_start3A_628 : memref<100xi32, #tpu.memory_space<vmem>>) semaphore(%run_scoped3A_625 : memref<!tpu.dma_semaphore, #tpu.memory_space<semaphore_mem>>) {add = true}
        %dma_wait3A_632 = arith.constant 0 : i32
        %dma_wait3A_633 = tpu.memref_slice %arg13[%run_scoped3A_573, %dma_wait3A_632] : memref<8x100xi32, #tpu.memory_space<vmem>> -> memref<1x100xi32, #tpu.memory_space<vmem>>
        %dma_wait3A_634 = tpu.memref_squeeze %dma_wait3A_633 : memref<1x100xi32, #tpu.memory_space<vmem>> -> memref<100xi32, #tpu.memory_space<vmem>>
        %dma_wait3A_635 = arith.constant 0 : i32
        %dma_wait3A_636 = arith.constant 0 : i32
        %dma_wait3A_637 = tpu.memref_slice %arg17[%dma_wait3A_635, %dma_wait3A_636] : memref<10000x128xf32, #tpu.memory_space<vmem_shared>> -> memref<10000x128xf32, #tpu.memory_space<vmem_shared>>
        tpu.wait_indirect_dma semaphore(%run_scoped3A_625 : memref<!tpu.dma_semaphore, #tpu.memory_space<semaphore_mem>>) src(%arg16 : memref<100x128xf32, #tpu.memory_space<vmem>>) dst(%dma_wait3A_637 : memref<10000x128xf32, #tpu.memory_space<vmem_shared>>)
        tpu.yield
      }) : () -> ()
      %dma_wait3A_574 = arith.constant 0 : i32
      %dma_wait3A_575 = arith.constant 0 : i32
      %dma_wait3A_576 = tpu.memref_slice %arg8[%dma_wait3A_574, %dma_wait3A_575] : memref<8x100xi32, #tpu.memory_space<vmem>> -> memref<1x100xi32, #tpu.memory_space<vmem>>
      %dma_wait3A_577 = tpu.memref_squeeze %dma_wait3A_576 : memref<1x100xi32, #tpu.memory_space<vmem>> -> memref<100xi32, #tpu.memory_space<vmem>>
      %dma_wait3A_578 = arith.constant 0 : i32
      %dma_wait3A_579 = arith.constant 0 : i32
      %dma_wait3A_580 = tpu.memref_slice %arg2[%dma_wait3A_578, %dma_wait3A_579] : memref<10000x128xf32, #tpu.memory_space<hbm>> -> memref<10000x128xf32, #tpu.memory_space<hbm>>
      tpu.wait_indirect_dma semaphore(%arg18 : memref<!tpu.dma_semaphore, #tpu.memory_space<semaphore_mem>>) src(%dma_wait3A_580 : memref<10000x128xf32, #tpu.memory_space<hbm>>) dst(%arg14 : memref<100x128xf32, #tpu.memory_space<vmem>>)
      %dma_start3A_581 = arith.constant 7 : i32
      %dma_start3A_582 = arith.constant 0 : i32
      %dma_start3A_583 = tpu.memref_slice %arg10[%dma_start3A_581, %dma_start3A_582] : memref<8x100xi32, #tpu.memory_space<vmem>> -> memref<1x100xi32, #tpu.memory_space<vmem>>
      %dma_start3A_584 = tpu.memref_squeeze %dma_start3A_583 : memref<1x100xi32, #tpu.memory_space<vmem>> -> memref<100xi32, #tpu.memory_space<vmem>>
      %dma_start3A_585 = arith.constant 0 : i32
      %dma_start3A_586 = arith.constant 0 : i32
      %dma_start3A_587 = tpu.memref_slice %arg2[%dma_start3A_585, %dma_start3A_586] : memref<10000x128xf32, #tpu.memory_space<hbm>> -> memref<10000x128xf32, #tpu.memory_space<hbm>>
      tpu.enqueue_indirect_dma source(%dma_start3A_587 : memref<10000x128xf32, #tpu.memory_space<hbm>>) target(%arg16 : memref<100x128xf32, #tpu.memory_space<vmem>>) offsets(%dma_start3A_584 : memref<100xi32, #tpu.memory_space<vmem>>) semaphore(%arg20 : memref<!tpu.dma_semaphore, #tpu.memory_space<semaphore_mem>>)
      %run_scoped3A_588 = arith.constant 5 : i32
      "tpu.region"() ({
        %run_scoped3A_625 = tpu.sem_alloc : memref<!tpu.dma_semaphore, #tpu.memory_space<semaphore_mem>>
        %dma_start3A_626 = arith.constant 0 : i32
        %dma_start3A_627 = tpu.memref_slice %arg13[%run_scoped3A_588, %dma_start3A_626] : memref<8x100xi32, #tpu.memory_space<vmem>> -> memref<1x100xi32, #tpu.memory_space<vmem>>
        %dma_start3A_628 = tpu.memref_squeeze %dma_start3A_627 : memref<1x100xi32, #tpu.memory_space<vmem>> -> memref<100xi32, #tpu.memory_space<vmem>>
        %dma_start3A_629 = arith.constant 0 : i32
        %dma_start3A_630 = arith.constant 0 : i32
        %dma_start3A_631 = tpu.memref_slice %arg17[%dma_start3A_629, %dma_start3A_630] : memref<10000x128xf32, #tpu.memory_space<vmem_shared>> -> memref<10000x128xf32, #tpu.memory_space<vmem_shared>>
        tpu.enqueue_indirect_dma source(%arg14 : memref<100x128xf32, #tpu.memory_space<vmem>>) target(%dma_start3A_631 : memref<10000x128xf32, #tpu.memory_space<vmem_shared>>) offsets(%dma_start3A_628 : memref<100xi32, #tpu.memory_space<vmem>>) semaphore(%run_scoped3A_625 : memref<!tpu.dma_semaphore, #tpu.memory_space<semaphore_mem>>) {add = true}
        %dma_wait3A_632 = arith.constant 0 : i32
        %dma_wait3A_633 = tpu.memref_slice %arg13[%run_scoped3A_588, %dma_wait3A_632] : memref<8x100xi32, #tpu.memory_space<vmem>> -> memref<1x100xi32, #tpu.memory_space<vmem>>
        %dma_wait3A_634 = tpu.memref_squeeze %dma_wait3A_633 : memref<1x100xi32, #tpu.memory_space<vmem>> -> memref<100xi32, #tpu.memory_space<vmem>>
        %dma_wait3A_635 = arith.constant 0 : i32
        %dma_wait3A_636 = arith.constant 0 : i32
        %dma_wait3A_637 = tpu.memref_slice %arg17[%dma_wait3A_635, %dma_wait3A_636] : memref<10000x128xf32, #tpu.memory_space<vmem_shared>> -> memref<10000x128xf32, #tpu.memory_space<vmem_shared>>
        tpu.wait_indirect_dma semaphore(%run_scoped3A_625 : memref<!tpu.dma_semaphore, #tpu.memory_space<semaphore_mem>>) src(%arg14 : memref<100x128xf32, #tpu.memory_space<vmem>>) dst(%dma_wait3A_637 : memref<10000x128xf32, #tpu.memory_space<vmem_shared>>)
        tpu.yield
      }) : () -> ()
      %dma_wait3A_589 = arith.constant 0 : i32
      %dma_wait3A_590 = arith.constant 0 : i32
      %dma_wait3A_591 = tpu.memref_slice %arg8[%dma_wait3A_589, %dma_wait3A_590] : memref<8x100xi32, #tpu.memory_space<vmem>> -> memref<1x100xi32, #tpu.memory_space<vmem>>
      %dma_wait3A_592 = tpu.memref_squeeze %dma_wait3A_591 : memref<1x100xi32, #tpu.memory_space<vmem>> -> memref<100xi32, #tpu.memory_space<vmem>>
      %dma_wait3A_593 = arith.constant 0 : i32
      %dma_wait3A_594 = arith.constant 0 : i32
      %dma_wait3A_595 = tpu.memref_slice %arg2[%dma_wait3A_593, %dma_wait3A_594] : memref<10000x128xf32, #tpu.memory_space<hbm>> -> memref<10000x128xf32, #tpu.memory_space<hbm>>
      tpu.wait_indirect_dma semaphore(%arg19 : memref<!tpu.dma_semaphore, #tpu.memory_space<semaphore_mem>>) src(%dma_wait3A_595 : memref<10000x128xf32, #tpu.memory_space<hbm>>) dst(%arg15 : memref<100x128xf32, #tpu.memory_space<vmem>>)
      %run_scoped3A_596 = arith.constant 6 : i32
      "tpu.region"() ({
        %run_scoped3A_625 = tpu.sem_alloc : memref<!tpu.dma_semaphore, #tpu.memory_space<semaphore_mem>>
        %dma_start3A_626 = arith.constant 0 : i32
        %dma_start3A_627 = tpu.memref_slice %arg13[%run_scoped3A_596, %dma_start3A_626] : memref<8x100xi32, #tpu.memory_space<vmem>> -> memref<1x100xi32, #tpu.memory_space<vmem>>
        %dma_start3A_628 = tpu.memref_squeeze %dma_start3A_627 : memref<1x100xi32, #tpu.memory_space<vmem>> -> memref<100xi32, #tpu.memory_space<vmem>>
        %dma_start3A_629 = arith.constant 0 : i32
        %dma_start3A_630 = arith.constant 0 : i32
        %dma_start3A_631 = tpu.memref_slice %arg17[%dma_start3A_629, %dma_start3A_630] : memref<10000x128xf32, #tpu.memory_space<vmem_shared>> -> memref<10000x128xf32, #tpu.memory_space<vmem_shared>>
        tpu.enqueue_indirect_dma source(%arg15 : memref<100x128xf32, #tpu.memory_space<vmem>>) target(%dma_start3A_631 : memref<10000x128xf32, #tpu.memory_space<vmem_shared>>) offsets(%dma_start3A_628 : memref<100xi32, #tpu.memory_space<vmem>>) semaphore(%run_scoped3A_625 : memref<!tpu.dma_semaphore, #tpu.memory_space<semaphore_mem>>) {add = true}
        %dma_wait3A_632 = arith.constant 0 : i32
        %dma_wait3A_633 = tpu.memref_slice %arg13[%run_scoped3A_596, %dma_wait3A_632] : memref<8x100xi32, #tpu.memory_space<vmem>> -> memref<1x100xi32, #tpu.memory_space<vmem>>
        %dma_wait3A_634 = tpu.memref_squeeze %dma_wait3A_633 : memref<1x100xi32, #tpu.memory_space<vmem>> -> memref<100xi32, #tpu.memory_space<vmem>>
        %dma_wait3A_635 = arith.constant 0 : i32
        %dma_wait3A_636 = arith.constant 0 : i32
        %dma_wait3A_637 = tpu.memref_slice %arg17[%dma_wait3A_635, %dma_wait3A_636] : memref<10000x128xf32, #tpu.memory_space<vmem_shared>> -> memref<10000x128xf32, #tpu.memory_space<vmem_shared>>
        tpu.wait_indirect_dma semaphore(%run_scoped3A_625 : memref<!tpu.dma_semaphore, #tpu.memory_space<semaphore_mem>>) src(%arg15 : memref<100x128xf32, #tpu.memory_space<vmem>>) dst(%dma_wait3A_637 : memref<10000x128xf32, #tpu.memory_space<vmem_shared>>)
        tpu.yield
      }) : () -> ()
      %dma_wait3A_597 = arith.constant 0 : i32
      %dma_wait3A_598 = arith.constant 0 : i32
      %dma_wait3A_599 = tpu.memref_slice %arg8[%dma_wait3A_597, %dma_wait3A_598] : memref<8x100xi32, #tpu.memory_space<vmem>> -> memref<1x100xi32, #tpu.memory_space<vmem>>
      %dma_wait3A_600 = tpu.memref_squeeze %dma_wait3A_599 : memref<1x100xi32, #tpu.memory_space<vmem>> -> memref<100xi32, #tpu.memory_space<vmem>>
      %dma_wait3A_601 = arith.constant 0 : i32
      %dma_wait3A_602 = arith.constant 0 : i32
      %dma_wait3A_603 = tpu.memref_slice %arg2[%dma_wait3A_601, %dma_wait3A_602] : memref<10000x128xf32, #tpu.memory_space<hbm>> -> memref<10000x128xf32, #tpu.memory_space<hbm>>
      tpu.wait_indirect_dma semaphore(%arg20 : memref<!tpu.dma_semaphore, #tpu.memory_space<semaphore_mem>>) src(%dma_wait3A_603 : memref<10000x128xf32, #tpu.memory_space<hbm>>) dst(%arg16 : memref<100x128xf32, #tpu.memory_space<vmem>>)
      %run_scoped3A_604 = arith.constant 7 : i32
      "tpu.region"() ({
        %run_scoped3A_625 = tpu.sem_alloc : memref<!tpu.dma_semaphore, #tpu.memory_space<semaphore_mem>>
        %dma_start3A_626 = arith.constant 0 : i32
        %dma_start3A_627 = tpu.memref_slice %arg13[%run_scoped3A_604, %dma_start3A_626] : memref<8x100xi32, #tpu.memory_space<vmem>> -> memref<1x100xi32, #tpu.memory_space<vmem>>
        %dma_start3A_628 = tpu.memref_squeeze %dma_start3A_627 : memref<1x100xi32, #tpu.memory_space<vmem>> -> memref<100xi32, #tpu.memory_space<vmem>>
        %dma_start3A_629 = arith.constant 0 : i32
        %dma_start3A_630 = arith.constant 0 : i32
        %dma_start3A_631 = tpu.memref_slice %arg17[%dma_start3A_629, %dma_start3A_630] : memref<10000x128xf32, #tpu.memory_space<vmem_shared>> -> memref<10000x128xf32, #tpu.memory_space<vmem_shared>>
        tpu.enqueue_indirect_dma source(%arg16 : memref<100x128xf32, #tpu.memory_space<vmem>>) target(%dma_start3A_631 : memref<10000x128xf32, #tpu.memory_space<vmem_shared>>) offsets(%dma_start3A_628 : memref<100xi32, #tpu.memory_space<vmem>>) semaphore(%run_scoped3A_625 : memref<!tpu.dma_semaphore, #tpu.memory_space<semaphore_mem>>) {add = true}
        %dma_wait3A_632 = arith.constant 0 : i32
        %dma_wait3A_633 = tpu.memref_slice %arg13[%run_scoped3A_604, %dma_wait3A_632] : memref<8x100xi32, #tpu.memory_space<vmem>> -> memref<1x100xi32, #tpu.memory_space<vmem>>
        %dma_wait3A_634 = tpu.memref_squeeze %dma_wait3A_633 : memref<1x100xi32, #tpu.memory_space<vmem>> -> memref<100xi32, #tpu.memory_space<vmem>>
        %dma_wait3A_635 = arith.constant 0 : i32
        %dma_wait3A_636 = arith.constant 0 : i32
        %dma_wait3A_637 = tpu.memref_slice %arg17[%dma_wait3A_635, %dma_wait3A_636] : memref<10000x128xf32, #tpu.memory_space<vmem_shared>> -> memref<10000x128xf32, #tpu.memory_space<vmem_shared>>
        tpu.wait_indirect_dma semaphore(%run_scoped3A_625 : memref<!tpu.dma_semaphore, #tpu.memory_space<semaphore_mem>>) src(%arg16 : memref<100x128xf32, #tpu.memory_space<vmem>>) dst(%dma_wait3A_637 : memref<10000x128xf32, #tpu.memory_space<vmem_shared>>)
        tpu.yield
      }) : () -> ()
      %add3A = arith.constant 3 : i32
      %add3A_605 = arith.addi %mul3A_196, %add3A : i32
      %mul3A_606 = arith.constant 8 : i32
      %mul3A_607 = arith.muli %add3A_605, %mul3A_606 : i32
      %multiple_of3A_608 = tpu.assume_multiple %mul3A_607, 8 : i32
      %dma_start3A_609 = arith.constant 0 : i32
      %dma_start3A_610 = tpu.memref_slice %arg3[%arg0, %arg1, %multiple_of3A_608, %dma_start3A_609] : memref<2x16x200x100xi32, #tpu.memory_space<hbm>> -> memref<1x1x8x100xi32, #tpu.memory_space<hbm>>
      %dma_start3A_611 = tpu.memref_squeeze %dma_start3A_610 : memref<1x1x8x100xi32, #tpu.memory_space<hbm>> -> memref<8x100xi32, #tpu.memory_space<hbm>>
      %dma_start3A_612 = arith.constant 0 : i32
      %dma_start3A_613 = tpu.memref_slice %arg3[%arg0, %arg1, %multiple_of3A_608, %dma_start3A_612] : memref<2x16x200x100xi32, #tpu.memory_space<hbm>> -> memref<1x1x8x100xi32, #tpu.memory_space<hbm>>
      %dma_start3A_614 = tpu.memref_squeeze %dma_start3A_613 : memref<1x1x8x100xi32, #tpu.memory_space<hbm>> -> memref<8x100xi32, #tpu.memory_space<hbm>>
      tpu.enqueue_dma source(%dma_start3A_614 : memref<8x100xi32, #tpu.memory_space<hbm>>) target(%arg8 : memref<8x100xi32, #tpu.memory_space<vmem>>) target_semaphore(%arg21 : memref<!tpu.dma_semaphore, #tpu.memory_space<semaphore_mem>>)
      %dma_start3A_615 = arith.constant 0 : i32
      %dma_start3A_616 = tpu.memref_slice %arg4[%arg0, %arg1, %multiple_of3A_608, %dma_start3A_615] : memref<2x16x200x100xi32, #tpu.memory_space<hbm>> -> memref<1x1x8x100xi32, #tpu.memory_space<hbm>>
      %dma_start3A_617 = tpu.memref_squeeze %dma_start3A_616 : memref<1x1x8x100xi32, #tpu.memory_space<hbm>> -> memref<8x100xi32, #tpu.memory_space<hbm>>
      %dma_start3A_618 = arith.constant 0 : i32
      %dma_start3A_619 = tpu.memref_slice %arg4[%arg0, %arg1, %multiple_of3A_608, %dma_start3A_618] : memref<2x16x200x100xi32, #tpu.memory_space<hbm>> -> memref<1x1x8x100xi32, #tpu.memory_space<hbm>>
      %dma_start3A_620 = tpu.memref_squeeze %dma_start3A_619 : memref<1x1x8x100xi32, #tpu.memory_space<hbm>> -> memref<8x100xi32, #tpu.memory_space<hbm>>
      tpu.enqueue_dma source(%dma_start3A_620 : memref<8x100xi32, #tpu.memory_space<hbm>>) target(%arg11 : memref<8x100xi32, #tpu.memory_space<vmem>>) target_semaphore(%arg24 : memref<!tpu.dma_semaphore, #tpu.memory_space<semaphore_mem>>)
      %lt3A = arith.constant 7 : i32
      %lt3A_621 = arith.cmpi slt, %scan3A_194, %lt3A : i32
      %convert_element_type3A_622 = arith.extui %lt3A_621 : i1 to i32
      %cond3A_623 = arith.constant 0 : i32
      %cond3A_624 = arith.cmpi ne, %convert_element_type3A_622, %cond3A_623 : i32
      scf.if %cond3A_624 {
        %add3A_625 = arith.constant 3 : i32
        %add3A_626 = arith.addi %mul3A_196, %add3A_625 : i32
        %add3A_627 = arith.constant 1 : i32
        %add3A_628 = arith.addi %add3A_626, %add3A_627 : i32
        %mul3A_629 = arith.constant 8 : i32
        %mul3A_630 = arith.muli %add3A_628, %mul3A_629 : i32
        %multiple_of3A_631 = tpu.assume_multiple %mul3A_630, 8 : i32
        %dma_start3A_632 = arith.constant 0 : i32
        %dma_start3A_633 = tpu.memref_slice %arg3[%arg0, %arg1, %multiple_of3A_631, %dma_start3A_632] : memref<2x16x200x100xi32, #tpu.memory_space<hbm>> -> memref<1x1x8x100xi32, #tpu.memory_space<hbm>>
        %dma_start3A_634 = tpu.memref_squeeze %dma_start3A_633 : memref<1x1x8x100xi32, #tpu.memory_space<hbm>> -> memref<8x100xi32, #tpu.memory_space<hbm>>
        %dma_start3A_635 = arith.constant 0 : i32
        %dma_start3A_636 = tpu.memref_slice %arg3[%arg0, %arg1, %multiple_of3A_631, %dma_start3A_635] : memref<2x16x200x100xi32, #tpu.memory_space<hbm>> -> memref<1x1x8x100xi32, #tpu.memory_space<hbm>>
        %dma_start3A_637 = tpu.memref_squeeze %dma_start3A_636 : memref<1x1x8x100xi32, #tpu.memory_space<hbm>> -> memref<8x100xi32, #tpu.memory_space<hbm>>
        tpu.enqueue_dma source(%dma_start3A_637 : memref<8x100xi32, #tpu.memory_space<hbm>>) target(%arg9 : memref<8x100xi32, #tpu.memory_space<vmem>>) target_semaphore(%arg22 : memref<!tpu.dma_semaphore, #tpu.memory_space<semaphore_mem>>)
        %dma_start3A_638 = arith.constant 0 : i32
        %dma_start3A_639 = tpu.memref_slice %arg4[%arg0, %arg1, %multiple_of3A_631, %dma_start3A_638] : memref<2x16x200x100xi32, #tpu.memory_space<hbm>> -> memref<1x1x8x100xi32, #tpu.memory_space<hbm>>
        %dma_start3A_640 = tpu.memref_squeeze %dma_start3A_639 : memref<1x1x8x100xi32, #tpu.memory_space<hbm>> -> memref<8x100xi32, #tpu.memory_space<hbm>>
        %dma_start3A_641 = arith.constant 0 : i32
        %dma_start3A_642 = tpu.memref_slice %arg4[%arg0, %arg1, %multiple_of3A_631, %dma_start3A_641] : memref<2x16x200x100xi32, #tpu.memory_space<hbm>> -> memref<1x1x8x100xi32, #tpu.memory_space<hbm>>
        %dma_start3A_643 = tpu.memref_squeeze %dma_start3A_642 : memref<1x1x8x100xi32, #tpu.memory_space<hbm>> -> memref<8x100xi32, #tpu.memory_space<hbm>>
        tpu.enqueue_dma source(%dma_start3A_643 : memref<8x100xi32, #tpu.memory_space<hbm>>) target(%arg12 : memref<8x100xi32, #tpu.memory_space<vmem>>) target_semaphore(%arg25 : memref<!tpu.dma_semaphore, #tpu.memory_space<semaphore_mem>>)
        %add3A_644 = arith.constant 3 : i32
        %add3A_645 = arith.addi %mul3A_196, %add3A_644 : i32
        %add3A_646 = arith.constant 2 : i32
        %add3A_647 = arith.addi %add3A_645, %add3A_646 : i32
        %mul3A_648 = arith.constant 8 : i32
        %mul3A_649 = arith.muli %add3A_647, %mul3A_648 : i32
        %multiple_of3A_650 = tpu.assume_multiple %mul3A_649, 8 : i32
        %dma_start3A_651 = arith.constant 0 : i32
        %dma_start3A_652 = tpu.memref_slice %arg3[%arg0, %arg1, %multiple_of3A_650, %dma_start3A_651] : memref<2x16x200x100xi32, #tpu.memory_space<hbm>> -> memref<1x1x8x100xi32, #tpu.memory_space<hbm>>
        %dma_start3A_653 = tpu.memref_squeeze %dma_start3A_652 : memref<1x1x8x100xi32, #tpu.memory_space<hbm>> -> memref<8x100xi32, #tpu.memory_space<hbm>>
        %dma_start3A_654 = arith.constant 0 : i32
        %dma_start3A_655 = tpu.memref_slice %arg3[%arg0, %arg1, %multiple_of3A_650, %dma_start3A_654] : memref<2x16x200x100xi32, #tpu.memory_space<hbm>> -> memref<1x1x8x100xi32, #tpu.memory_space<hbm>>
        %dma_start3A_656 = tpu.memref_squeeze %dma_start3A_655 : memref<1x1x8x100xi32, #tpu.memory_space<hbm>> -> memref<8x100xi32, #tpu.memory_space<hbm>>
        tpu.enqueue_dma source(%dma_start3A_656 : memref<8x100xi32, #tpu.memory_space<hbm>>) target(%arg10 : memref<8x100xi32, #tpu.memory_space<vmem>>) target_semaphore(%arg23 : memref<!tpu.dma_semaphore, #tpu.memory_space<semaphore_mem>>)
        %dma_start3A_657 = arith.constant 0 : i32
        %dma_start3A_658 = tpu.memref_slice %arg4[%arg0, %arg1, %multiple_of3A_650, %dma_start3A_657] : memref<2x16x200x100xi32, #tpu.memory_space<hbm>> -> memref<1x1x8x100xi32, #tpu.memory_space<hbm>>
        %dma_start3A_659 = tpu.memref_squeeze %dma_start3A_658 : memref<1x1x8x100xi32, #tpu.memory_space<hbm>> -> memref<8x100xi32, #tpu.memory_space<hbm>>
        %dma_start3A_660 = arith.constant 0 : i32
        %dma_start3A_661 = tpu.memref_slice %arg4[%arg0, %arg1, %multiple_of3A_650, %dma_start3A_660] : memref<2x16x200x100xi32, #tpu.memory_space<hbm>> -> memref<1x1x8x100xi32, #tpu.memory_space<hbm>>
        %dma_start3A_662 = tpu.memref_squeeze %dma_start3A_661 : memref<1x1x8x100xi32, #tpu.memory_space<hbm>> -> memref<8x100xi32, #tpu.memory_space<hbm>>
        tpu.enqueue_dma source(%dma_start3A_662 : memref<8x100xi32, #tpu.memory_space<hbm>>) target(%arg13 : memref<8x100xi32, #tpu.memory_space<vmem>>) target_semaphore(%arg26 : memref<!tpu.dma_semaphore, #tpu.memory_space<semaphore_mem>>)
      } else {
      }
    }
    %scan3A_48 = arith.constant 8 : i32
    %dma_wait3A = arith.constant 0 : i32
    %dma_wait3A_49 = arith.constant 0 : i32
    %dma_wait3A_50 = tpu.memref_slice %arg3[%arg0, %arg1, %dma_wait3A, %dma_wait3A_49] : memref<2x16x200x100xi32, #tpu.memory_space<hbm>> -> memref<1x1x8x100xi32, #tpu.memory_space<hbm>>
    %dma_wait3A_51 = tpu.memref_squeeze %dma_wait3A_50 : memref<1x1x8x100xi32, #tpu.memory_space<hbm>> -> memref<8x100xi32, #tpu.memory_space<hbm>>
    %dma_wait3A_52 = arith.constant 0 : i32
    %dma_wait3A_53 = arith.constant 0 : i32
    %dma_wait3A_54 = tpu.memref_slice %arg3[%arg0, %arg1, %dma_wait3A_52, %dma_wait3A_53] : memref<2x16x200x100xi32, #tpu.memory_space<hbm>> -> memref<1x1x8x100xi32, #tpu.memory_space<hbm>>
    %dma_wait3A_55 = tpu.memref_squeeze %dma_wait3A_54 : memref<1x1x8x100xi32, #tpu.memory_space<hbm>> -> memref<8x100xi32, #tpu.memory_space<hbm>>
    tpu.wait_dma2 semaphore(%arg21 : memref<!tpu.dma_semaphore, #tpu.memory_space<semaphore_mem>>) src(%dma_wait3A_55 : memref<8x100xi32, #tpu.memory_space<hbm>>) dst(%arg8 : memref<8x100xi32, #tpu.memory_space<vmem>>)
    %dma_wait3A_56 = arith.constant 0 : i32
    %dma_wait3A_57 = arith.constant 0 : i32
    %dma_wait3A_58 = tpu.memref_slice %arg4[%arg0, %arg1, %dma_wait3A_56, %dma_wait3A_57] : memref<2x16x200x100xi32, #tpu.memory_space<hbm>> -> memref<1x1x8x100xi32, #tpu.memory_space<hbm>>
    %dma_wait3A_59 = tpu.memref_squeeze %dma_wait3A_58 : memref<1x1x8x100xi32, #tpu.memory_space<hbm>> -> memref<8x100xi32, #tpu.memory_space<hbm>>
    %dma_wait3A_60 = arith.constant 0 : i32
    %dma_wait3A_61 = arith.constant 0 : i32
    %dma_wait3A_62 = tpu.memref_slice %arg4[%arg0, %arg1, %dma_wait3A_60, %dma_wait3A_61] : memref<2x16x200x100xi32, #tpu.memory_space<hbm>> -> memref<1x1x8x100xi32, #tpu.memory_space<hbm>>
    %dma_wait3A_63 = tpu.memref_squeeze %dma_wait3A_62 : memref<1x1x8x100xi32, #tpu.memory_space<hbm>> -> memref<8x100xi32, #tpu.memory_space<hbm>>
    tpu.wait_dma2 semaphore(%arg24 : memref<!tpu.dma_semaphore, #tpu.memory_space<semaphore_mem>>) src(%dma_wait3A_63 : memref<8x100xi32, #tpu.memory_space<hbm>>) dst(%arg11 : memref<8x100xi32, #tpu.memory_space<vmem>>)
    %dma_start3A_64 = arith.constant 0 : i32
    %dma_start3A_65 = arith.constant 0 : i32
    %dma_start3A_66 = tpu.memref_slice %arg8[%dma_start3A_64, %dma_start3A_65] : memref<8x100xi32, #tpu.memory_space<vmem>> -> memref<1x100xi32, #tpu.memory_space<vmem>>
    %dma_start3A_67 = tpu.memref_squeeze %dma_start3A_66 : memref<1x100xi32, #tpu.memory_space<vmem>> -> memref<100xi32, #tpu.memory_space<vmem>>
    %dma_start3A_68 = arith.constant 0 : i32
    %dma_start3A_69 = arith.constant 0 : i32
    %dma_start3A_70 = tpu.memref_slice %arg2[%dma_start3A_68, %dma_start3A_69] : memref<10000x128xf32, #tpu.memory_space<hbm>> -> memref<10000x128xf32, #tpu.memory_space<hbm>>
    tpu.enqueue_indirect_dma source(%dma_start3A_70 : memref<10000x128xf32, #tpu.memory_space<hbm>>) target(%arg14 : memref<100x128xf32, #tpu.memory_space<vmem>>) offsets(%dma_start3A_67 : memref<100xi32, #tpu.memory_space<vmem>>) semaphore(%arg18 : memref<!tpu.dma_semaphore, #tpu.memory_space<semaphore_mem>>)
    %dma_start3A_71 = arith.constant 1 : i32
    %dma_start3A_72 = arith.constant 0 : i32
    %dma_start3A_73 = tpu.memref_slice %arg8[%dma_start3A_71, %dma_start3A_72] : memref<8x100xi32, #tpu.memory_space<vmem>> -> memref<1x100xi32, #tpu.memory_space<vmem>>
    %dma_start3A_74 = tpu.memref_squeeze %dma_start3A_73 : memref<1x100xi32, #tpu.memory_space<vmem>> -> memref<100xi32, #tpu.memory_space<vmem>>
    %dma_start3A_75 = arith.constant 0 : i32
    %dma_start3A_76 = arith.constant 0 : i32
    %dma_start3A_77 = tpu.memref_slice %arg2[%dma_start3A_75, %dma_start3A_76] : memref<10000x128xf32, #tpu.memory_space<hbm>> -> memref<10000x128xf32, #tpu.memory_space<hbm>>
    tpu.enqueue_indirect_dma source(%dma_start3A_77 : memref<10000x128xf32, #tpu.memory_space<hbm>>) target(%arg15 : memref<100x128xf32, #tpu.memory_space<vmem>>) offsets(%dma_start3A_74 : memref<100xi32, #tpu.memory_space<vmem>>) semaphore(%arg19 : memref<!tpu.dma_semaphore, #tpu.memory_space<semaphore_mem>>)
    %dma_wait3A_78 = arith.constant 0 : i32
    %dma_wait3A_79 = arith.constant 0 : i32
    %dma_wait3A_80 = tpu.memref_slice %arg8[%dma_wait3A_78, %dma_wait3A_79] : memref<8x100xi32, #tpu.memory_space<vmem>> -> memref<1x100xi32, #tpu.memory_space<vmem>>
    %dma_wait3A_81 = tpu.memref_squeeze %dma_wait3A_80 : memref<1x100xi32, #tpu.memory_space<vmem>> -> memref<100xi32, #tpu.memory_space<vmem>>
    %dma_wait3A_82 = arith.constant 0 : i32
    %dma_wait3A_83 = arith.constant 0 : i32
    %dma_wait3A_84 = tpu.memref_slice %arg2[%dma_wait3A_82, %dma_wait3A_83] : memref<10000x128xf32, #tpu.memory_space<hbm>> -> memref<10000x128xf32, #tpu.memory_space<hbm>>
    tpu.wait_indirect_dma semaphore(%arg18 : memref<!tpu.dma_semaphore, #tpu.memory_space<semaphore_mem>>) src(%dma_wait3A_84 : memref<10000x128xf32, #tpu.memory_space<hbm>>) dst(%arg14 : memref<100x128xf32, #tpu.memory_space<vmem>>)
    %dma_start3A_85 = arith.constant 2 : i32
    %dma_start3A_86 = arith.constant 0 : i32
    %dma_start3A_87 = tpu.memref_slice %arg8[%dma_start3A_85, %dma_start3A_86] : memref<8x100xi32, #tpu.memory_space<vmem>> -> memref<1x100xi32, #tpu.memory_space<vmem>>
    %dma_start3A_88 = tpu.memref_squeeze %dma_start3A_87 : memref<1x100xi32, #tpu.memory_space<vmem>> -> memref<100xi32, #tpu.memory_space<vmem>>
    %dma_start3A_89 = arith.constant 0 : i32
    %dma_start3A_90 = arith.constant 0 : i32
    %dma_start3A_91 = tpu.memref_slice %arg2[%dma_start3A_89, %dma_start3A_90] : memref<10000x128xf32, #tpu.memory_space<hbm>> -> memref<10000x128xf32, #tpu.memory_space<hbm>>
    tpu.enqueue_indirect_dma source(%dma_start3A_91 : memref<10000x128xf32, #tpu.memory_space<hbm>>) target(%arg16 : memref<100x128xf32, #tpu.memory_space<vmem>>) offsets(%dma_start3A_88 : memref<100xi32, #tpu.memory_space<vmem>>) semaphore(%arg20 : memref<!tpu.dma_semaphore, #tpu.memory_space<semaphore_mem>>)
    %run_scoped3A = arith.constant 0 : i32
    "tpu.region"() ({
      %run_scoped3A_194 = tpu.sem_alloc : memref<!tpu.dma_semaphore, #tpu.memory_space<semaphore_mem>>
      %dma_start3A_195 = arith.constant 0 : i32
      %dma_start3A_196 = tpu.memref_slice %arg11[%run_scoped3A, %dma_start3A_195] : memref<8x100xi32, #tpu.memory_space<vmem>> -> memref<1x100xi32, #tpu.memory_space<vmem>>
      %dma_start3A_197 = tpu.memref_squeeze %dma_start3A_196 : memref<1x100xi32, #tpu.memory_space<vmem>> -> memref<100xi32, #tpu.memory_space<vmem>>
      %dma_start3A_198 = arith.constant 0 : i32
      %dma_start3A_199 = arith.constant 0 : i32
      %dma_start3A_200 = tpu.memref_slice %arg17[%dma_start3A_198, %dma_start3A_199] : memref<10000x128xf32, #tpu.memory_space<vmem_shared>> -> memref<10000x128xf32, #tpu.memory_space<vmem_shared>>
      tpu.enqueue_indirect_dma source(%arg14 : memref<100x128xf32, #tpu.memory_space<vmem>>) target(%dma_start3A_200 : memref<10000x128xf32, #tpu.memory_space<vmem_shared>>) offsets(%dma_start3A_197 : memref<100xi32, #tpu.memory_space<vmem>>) semaphore(%run_scoped3A_194 : memref<!tpu.dma_semaphore, #tpu.memory_space<semaphore_mem>>) {add = true}
      %dma_wait3A_201 = arith.constant 0 : i32
      %dma_wait3A_202 = tpu.memref_slice %arg11[%run_scoped3A, %dma_wait3A_201] : memref<8x100xi32, #tpu.memory_space<vmem>> -> memref<1x100xi32, #tpu.memory_space<vmem>>
      %dma_wait3A_203 = tpu.memref_squeeze %dma_wait3A_202 : memref<1x100xi32, #tpu.memory_space<vmem>> -> memref<100xi32, #tpu.memory_space<vmem>>
      %dma_wait3A_204 = arith.constant 0 : i32
      %dma_wait3A_205 = arith.constant 0 : i32
      %dma_wait3A_206 = tpu.memref_slice %arg17[%dma_wait3A_204, %dma_wait3A_205] : memref<10000x128xf32, #tpu.memory_space<vmem_shared>> -> memref<10000x128xf32, #tpu.memory_space<vmem_shared>>
      tpu.wait_indirect_dma semaphore(%run_scoped3A_194 : memref<!tpu.dma_semaphore, #tpu.memory_space<semaphore_mem>>) src(%arg14 : memref<100x128xf32, #tpu.memory_space<vmem>>) dst(%dma_wait3A_206 : memref<10000x128xf32, #tpu.memory_space<vmem_shared>>)
      tpu.yield
    }) : () -> ()
    %dma_wait3A_92 = arith.constant 0 : i32
    %dma_wait3A_93 = arith.constant 0 : i32
    %dma_wait3A_94 = tpu.memref_slice %arg8[%dma_wait3A_92, %dma_wait3A_93] : memref<8x100xi32, #tpu.memory_space<vmem>> -> memref<1x100xi32, #tpu.memory_space<vmem>>
    %dma_wait3A_95 = tpu.memref_squeeze %dma_wait3A_94 : memref<1x100xi32, #tpu.memory_space<vmem>> -> memref<100xi32, #tpu.memory_space<vmem>>
    %dma_wait3A_96 = arith.constant 0 : i32
    %dma_wait3A_97 = arith.constant 0 : i32
    %dma_wait3A_98 = tpu.memref_slice %arg2[%dma_wait3A_96, %dma_wait3A_97] : memref<10000x128xf32, #tpu.memory_space<hbm>> -> memref<10000x128xf32, #tpu.memory_space<hbm>>
    tpu.wait_indirect_dma semaphore(%arg19 : memref<!tpu.dma_semaphore, #tpu.memory_space<semaphore_mem>>) src(%dma_wait3A_98 : memref<10000x128xf32, #tpu.memory_space<hbm>>) dst(%arg15 : memref<100x128xf32, #tpu.memory_space<vmem>>)
    %dma_start3A_99 = arith.constant 3 : i32
    %dma_start3A_100 = arith.constant 0 : i32
    %dma_start3A_101 = tpu.memref_slice %arg8[%dma_start3A_99, %dma_start3A_100] : memref<8x100xi32, #tpu.memory_space<vmem>> -> memref<1x100xi32, #tpu.memory_space<vmem>>
    %dma_start3A_102 = tpu.memref_squeeze %dma_start3A_101 : memref<1x100xi32, #tpu.memory_space<vmem>> -> memref<100xi32, #tpu.memory_space<vmem>>
    %dma_start3A_103 = arith.constant 0 : i32
    %dma_start3A_104 = arith.constant 0 : i32
    %dma_start3A_105 = tpu.memref_slice %arg2[%dma_start3A_103, %dma_start3A_104] : memref<10000x128xf32, #tpu.memory_space<hbm>> -> memref<10000x128xf32, #tpu.memory_space<hbm>>
    tpu.enqueue_indirect_dma source(%dma_start3A_105 : memref<10000x128xf32, #tpu.memory_space<hbm>>) target(%arg14 : memref<100x128xf32, #tpu.memory_space<vmem>>) offsets(%dma_start3A_102 : memref<100xi32, #tpu.memory_space<vmem>>) semaphore(%arg18 : memref<!tpu.dma_semaphore, #tpu.memory_space<semaphore_mem>>)
    %run_scoped3A_106 = arith.constant 1 : i32
    "tpu.region"() ({
      %run_scoped3A_194 = tpu.sem_alloc : memref<!tpu.dma_semaphore, #tpu.memory_space<semaphore_mem>>
      %dma_start3A_195 = arith.constant 0 : i32
      %dma_start3A_196 = tpu.memref_slice %arg11[%run_scoped3A_106, %dma_start3A_195] : memref<8x100xi32, #tpu.memory_space<vmem>> -> memref<1x100xi32, #tpu.memory_space<vmem>>
      %dma_start3A_197 = tpu.memref_squeeze %dma_start3A_196 : memref<1x100xi32, #tpu.memory_space<vmem>> -> memref<100xi32, #tpu.memory_space<vmem>>
      %dma_start3A_198 = arith.constant 0 : i32
      %dma_start3A_199 = arith.constant 0 : i32
      %dma_start3A_200 = tpu.memref_slice %arg17[%dma_start3A_198, %dma_start3A_199] : memref<10000x128xf32, #tpu.memory_space<vmem_shared>> -> memref<10000x128xf32, #tpu.memory_space<vmem_shared>>
      tpu.enqueue_indirect_dma source(%arg15 : memref<100x128xf32, #tpu.memory_space<vmem>>) target(%dma_start3A_200 : memref<10000x128xf32, #tpu.memory_space<vmem_shared>>) offsets(%dma_start3A_197 : memref<100xi32, #tpu.memory_space<vmem>>) semaphore(%run_scoped3A_194 : memref<!tpu.dma_semaphore, #tpu.memory_space<semaphore_mem>>) {add = true}
      %dma_wait3A_201 = arith.constant 0 : i32
      %dma_wait3A_202 = tpu.memref_slice %arg11[%run_scoped3A_106, %dma_wait3A_201] : memref<8x100xi32, #tpu.memory_space<vmem>> -> memref<1x100xi32, #tpu.memory_space<vmem>>
      %dma_wait3A_203 = tpu.memref_squeeze %dma_wait3A_202 : memref<1x100xi32, #tpu.memory_space<vmem>> -> memref<100xi32, #tpu.memory_space<vmem>>
      %dma_wait3A_204 = arith.constant 0 : i32
      %dma_wait3A_205 = arith.constant 0 : i32
      %dma_wait3A_206 = tpu.memref_slice %arg17[%dma_wait3A_204, %dma_wait3A_205] : memref<10000x128xf32, #tpu.memory_space<vmem_shared>> -> memref<10000x128xf32, #tpu.memory_space<vmem_shared>>
      tpu.wait_indirect_dma semaphore(%run_scoped3A_194 : memref<!tpu.dma_semaphore, #tpu.memory_space<semaphore_mem>>) src(%arg15 : memref<100x128xf32, #tpu.memory_space<vmem>>) dst(%dma_wait3A_206 : memref<10000x128xf32, #tpu.memory_space<vmem_shared>>)
      tpu.yield
    }) : () -> ()
    %dma_wait3A_107 = arith.constant 0 : i32
    %dma_wait3A_108 = arith.constant 0 : i32
    %dma_wait3A_109 = tpu.memref_slice %arg8[%dma_wait3A_107, %dma_wait3A_108] : memref<8x100xi32, #tpu.memory_space<vmem>> -> memref<1x100xi32, #tpu.memory_space<vmem>>
    %dma_wait3A_110 = tpu.memref_squeeze %dma_wait3A_109 : memref<1x100xi32, #tpu.memory_space<vmem>> -> memref<100xi32, #tpu.memory_space<vmem>>
    %dma_wait3A_111 = arith.constant 0 : i32
    %dma_wait3A_112 = arith.constant 0 : i32
    %dma_wait3A_113 = tpu.memref_slice %arg2[%dma_wait3A_111, %dma_wait3A_112] : memref<10000x128xf32, #tpu.memory_space<hbm>> -> memref<10000x128xf32, #tpu.memory_space<hbm>>
    tpu.wait_indirect_dma semaphore(%arg20 : memref<!tpu.dma_semaphore, #tpu.memory_space<semaphore_mem>>) src(%dma_wait3A_113 : memref<10000x128xf32, #tpu.memory_space<hbm>>) dst(%arg16 : memref<100x128xf32, #tpu.memory_space<vmem>>)
    %dma_start3A_114 = arith.constant 4 : i32
    %dma_start3A_115 = arith.constant 0 : i32
    %dma_start3A_116 = tpu.memref_slice %arg8[%dma_start3A_114, %dma_start3A_115] : memref<8x100xi32, #tpu.memory_space<vmem>> -> memref<1x100xi32, #tpu.memory_space<vmem>>
    %dma_start3A_117 = tpu.memref_squeeze %dma_start3A_116 : memref<1x100xi32, #tpu.memory_space<vmem>> -> memref<100xi32, #tpu.memory_space<vmem>>
    %dma_start3A_118 = arith.constant 0 : i32
    %dma_start3A_119 = arith.constant 0 : i32
    %dma_start3A_120 = tpu.memref_slice %arg2[%dma_start3A_118, %dma_start3A_119] : memref<10000x128xf32, #tpu.memory_space<hbm>> -> memref<10000x128xf32, #tpu.memory_space<hbm>>
    tpu.enqueue_indirect_dma source(%dma_start3A_120 : memref<10000x128xf32, #tpu.memory_space<hbm>>) target(%arg15 : memref<100x128xf32, #tpu.memory_space<vmem>>) offsets(%dma_start3A_117 : memref<100xi32, #tpu.memory_space<vmem>>) semaphore(%arg19 : memref<!tpu.dma_semaphore, #tpu.memory_space<semaphore_mem>>)
    %run_scoped3A_121 = arith.constant 2 : i32
    "tpu.region"() ({
      %run_scoped3A_194 = tpu.sem_alloc : memref<!tpu.dma_semaphore, #tpu.memory_space<semaphore_mem>>
      %dma_start3A_195 = arith.constant 0 : i32
      %dma_start3A_196 = tpu.memref_slice %arg11[%run_scoped3A_121, %dma_start3A_195] : memref<8x100xi32, #tpu.memory_space<vmem>> -> memref<1x100xi32, #tpu.memory_space<vmem>>
      %dma_start3A_197 = tpu.memref_squeeze %dma_start3A_196 : memref<1x100xi32, #tpu.memory_space<vmem>> -> memref<100xi32, #tpu.memory_space<vmem>>
      %dma_start3A_198 = arith.constant 0 : i32
      %dma_start3A_199 = arith.constant 0 : i32
      %dma_start3A_200 = tpu.memref_slice %arg17[%dma_start3A_198, %dma_start3A_199] : memref<10000x128xf32, #tpu.memory_space<vmem_shared>> -> memref<10000x128xf32, #tpu.memory_space<vmem_shared>>
      tpu.enqueue_indirect_dma source(%arg16 : memref<100x128xf32, #tpu.memory_space<vmem>>) target(%dma_start3A_200 : memref<10000x128xf32, #tpu.memory_space<vmem_shared>>) offsets(%dma_start3A_197 : memref<100xi32, #tpu.memory_space<vmem>>) semaphore(%run_scoped3A_194 : memref<!tpu.dma_semaphore, #tpu.memory_space<semaphore_mem>>) {add = true}
      %dma_wait3A_201 = arith.constant 0 : i32
      %dma_wait3A_202 = tpu.memref_slice %arg11[%run_scoped3A_121, %dma_wait3A_201] : memref<8x100xi32, #tpu.memory_space<vmem>> -> memref<1x100xi32, #tpu.memory_space<vmem>>
      %dma_wait3A_203 = tpu.memref_squeeze %dma_wait3A_202 : memref<1x100xi32, #tpu.memory_space<vmem>> -> memref<100xi32, #tpu.memory_space<vmem>>
      %dma_wait3A_204 = arith.constant 0 : i32
      %dma_wait3A_205 = arith.constant 0 : i32
      %dma_wait3A_206 = tpu.memref_slice %arg17[%dma_wait3A_204, %dma_wait3A_205] : memref<10000x128xf32, #tpu.memory_space<vmem_shared>> -> memref<10000x128xf32, #tpu.memory_space<vmem_shared>>
      tpu.wait_indirect_dma semaphore(%run_scoped3A_194 : memref<!tpu.dma_semaphore, #tpu.memory_space<semaphore_mem>>) src(%arg16 : memref<100x128xf32, #tpu.memory_space<vmem>>) dst(%dma_wait3A_206 : memref<10000x128xf32, #tpu.memory_space<vmem_shared>>)
      tpu.yield
    }) : () -> ()
    %dma_wait3A_122 = arith.constant 0 : i32
    %dma_wait3A_123 = arith.constant 0 : i32
    %dma_wait3A_124 = tpu.memref_slice %arg8[%dma_wait3A_122, %dma_wait3A_123] : memref<8x100xi32, #tpu.memory_space<vmem>> -> memref<1x100xi32, #tpu.memory_space<vmem>>
    %dma_wait3A_125 = tpu.memref_squeeze %dma_wait3A_124 : memref<1x100xi32, #tpu.memory_space<vmem>> -> memref<100xi32, #tpu.memory_space<vmem>>
    %dma_wait3A_126 = arith.constant 0 : i32
    %dma_wait3A_127 = arith.constant 0 : i32
    %dma_wait3A_128 = tpu.memref_slice %arg2[%dma_wait3A_126, %dma_wait3A_127] : memref<10000x128xf32, #tpu.memory_space<hbm>> -> memref<10000x128xf32, #tpu.memory_space<hbm>>
    tpu.wait_indirect_dma semaphore(%arg18 : memref<!tpu.dma_semaphore, #tpu.memory_space<semaphore_mem>>) src(%dma_wait3A_128 : memref<10000x128xf32, #tpu.memory_space<hbm>>) dst(%arg14 : memref<100x128xf32, #tpu.memory_space<vmem>>)
    %dma_start3A_129 = arith.constant 5 : i32
    %dma_start3A_130 = arith.constant 0 : i32
    %dma_start3A_131 = tpu.memref_slice %arg8[%dma_start3A_129, %dma_start3A_130] : memref<8x100xi32, #tpu.memory_space<vmem>> -> memref<1x100xi32, #tpu.memory_space<vmem>>
    %dma_start3A_132 = tpu.memref_squeeze %dma_start3A_131 : memref<1x100xi32, #tpu.memory_space<vmem>> -> memref<100xi32, #tpu.memory_space<vmem>>
    %dma_start3A_133 = arith.constant 0 : i32
    %dma_start3A_134 = arith.constant 0 : i32
    %dma_start3A_135 = tpu.memref_slice %arg2[%dma_start3A_133, %dma_start3A_134] : memref<10000x128xf32, #tpu.memory_space<hbm>> -> memref<10000x128xf32, #tpu.memory_space<hbm>>
    tpu.enqueue_indirect_dma source(%dma_start3A_135 : memref<10000x128xf32, #tpu.memory_space<hbm>>) target(%arg16 : memref<100x128xf32, #tpu.memory_space<vmem>>) offsets(%dma_start3A_132 : memref<100xi32, #tpu.memory_space<vmem>>) semaphore(%arg20 : memref<!tpu.dma_semaphore, #tpu.memory_space<semaphore_mem>>)
    %run_scoped3A_136 = arith.constant 3 : i32
    "tpu.region"() ({
      %run_scoped3A_194 = tpu.sem_alloc : memref<!tpu.dma_semaphore, #tpu.memory_space<semaphore_mem>>
      %dma_start3A_195 = arith.constant 0 : i32
      %dma_start3A_196 = tpu.memref_slice %arg11[%run_scoped3A_136, %dma_start3A_195] : memref<8x100xi32, #tpu.memory_space<vmem>> -> memref<1x100xi32, #tpu.memory_space<vmem>>
      %dma_start3A_197 = tpu.memref_squeeze %dma_start3A_196 : memref<1x100xi32, #tpu.memory_space<vmem>> -> memref<100xi32, #tpu.memory_space<vmem>>
      %dma_start3A_198 = arith.constant 0 : i32
      %dma_start3A_199 = arith.constant 0 : i32
      %dma_start3A_200 = tpu.memref_slice %arg17[%dma_start3A_198, %dma_start3A_199] : memref<10000x128xf32, #tpu.memory_space<vmem_shared>> -> memref<10000x128xf32, #tpu.memory_space<vmem_shared>>
      tpu.enqueue_indirect_dma source(%arg14 : memref<100x128xf32, #tpu.memory_space<vmem>>) target(%dma_start3A_200 : memref<10000x128xf32, #tpu.memory_space<vmem_shared>>) offsets(%dma_start3A_197 : memref<100xi32, #tpu.memory_space<vmem>>) semaphore(%run_scoped3A_194 : memref<!tpu.dma_semaphore, #tpu.memory_space<semaphore_mem>>) {add = true}
      %dma_wait3A_201 = arith.constant 0 : i32
      %dma_wait3A_202 = tpu.memref_slice %arg11[%run_scoped3A_136, %dma_wait3A_201] : memref<8x100xi32, #tpu.memory_space<vmem>> -> memref<1x100xi32, #tpu.memory_space<vmem>>
      %dma_wait3A_203 = tpu.memref_squeeze %dma_wait3A_202 : memref<1x100xi32, #tpu.memory_space<vmem>> -> memref<100xi32, #tpu.memory_space<vmem>>
      %dma_wait3A_204 = arith.constant 0 : i32
      %dma_wait3A_205 = arith.constant 0 : i32
      %dma_wait3A_206 = tpu.memref_slice %arg17[%dma_wait3A_204, %dma_wait3A_205] : memref<10000x128xf32, #tpu.memory_space<vmem_shared>> -> memref<10000x128xf32, #tpu.memory_space<vmem_shared>>
      tpu.wait_indirect_dma semaphore(%run_scoped3A_194 : memref<!tpu.dma_semaphore, #tpu.memory_space<semaphore_mem>>) src(%arg14 : memref<100x128xf32, #tpu.memory_space<vmem>>) dst(%dma_wait3A_206 : memref<10000x128xf32, #tpu.memory_space<vmem_shared>>)
      tpu.yield
    }) : () -> ()
    %dma_wait3A_137 = arith.constant 0 : i32
    %dma_wait3A_138 = arith.constant 0 : i32
    %dma_wait3A_139 = tpu.memref_slice %arg8[%dma_wait3A_137, %dma_wait3A_138] : memref<8x100xi32, #tpu.memory_space<vmem>> -> memref<1x100xi32, #tpu.memory_space<vmem>>
    %dma_wait3A_140 = tpu.memref_squeeze %dma_wait3A_139 : memref<1x100xi32, #tpu.memory_space<vmem>> -> memref<100xi32, #tpu.memory_space<vmem>>
    %dma_wait3A_141 = arith.constant 0 : i32
    %dma_wait3A_142 = arith.constant 0 : i32
    %dma_wait3A_143 = tpu.memref_slice %arg2[%dma_wait3A_141, %dma_wait3A_142] : memref<10000x128xf32, #tpu.memory_space<hbm>> -> memref<10000x128xf32, #tpu.memory_space<hbm>>
    tpu.wait_indirect_dma semaphore(%arg19 : memref<!tpu.dma_semaphore, #tpu.memory_space<semaphore_mem>>) src(%dma_wait3A_143 : memref<10000x128xf32, #tpu.memory_space<hbm>>) dst(%arg15 : memref<100x128xf32, #tpu.memory_space<vmem>>)
    %dma_start3A_144 = arith.constant 6 : i32
    %dma_start3A_145 = arith.constant 0 : i32
    %dma_start3A_146 = tpu.memref_slice %arg8[%dma_start3A_144, %dma_start3A_145] : memref<8x100xi32, #tpu.memory_space<vmem>> -> memref<1x100xi32, #tpu.memory_space<vmem>>
    %dma_start3A_147 = tpu.memref_squeeze %dma_start3A_146 : memref<1x100xi32, #tpu.memory_space<vmem>> -> memref<100xi32, #tpu.memory_space<vmem>>
    %dma_start3A_148 = arith.constant 0 : i32
    %dma_start3A_149 = arith.constant 0 : i32
    %dma_start3A_150 = tpu.memref_slice %arg2[%dma_start3A_148, %dma_start3A_149] : memref<10000x128xf32, #tpu.memory_space<hbm>> -> memref<10000x128xf32, #tpu.memory_space<hbm>>
    tpu.enqueue_indirect_dma source(%dma_start3A_150 : memref<10000x128xf32, #tpu.memory_space<hbm>>) target(%arg14 : memref<100x128xf32, #tpu.memory_space<vmem>>) offsets(%dma_start3A_147 : memref<100xi32, #tpu.memory_space<vmem>>) semaphore(%arg18 : memref<!tpu.dma_semaphore, #tpu.memory_space<semaphore_mem>>)
    %run_scoped3A_151 = arith.constant 4 : i32
    "tpu.region"() ({
      %run_scoped3A_194 = tpu.sem_alloc : memref<!tpu.dma_semaphore, #tpu.memory_space<semaphore_mem>>
      %dma_start3A_195 = arith.constant 0 : i32
      %dma_start3A_196 = tpu.memref_slice %arg11[%run_scoped3A_151, %dma_start3A_195] : memref<8x100xi32, #tpu.memory_space<vmem>> -> memref<1x100xi32, #tpu.memory_space<vmem>>
      %dma_start3A_197 = tpu.memref_squeeze %dma_start3A_196 : memref<1x100xi32, #tpu.memory_space<vmem>> -> memref<100xi32, #tpu.memory_space<vmem>>
      %dma_start3A_198 = arith.constant 0 : i32
      %dma_start3A_199 = arith.constant 0 : i32
      %dma_start3A_200 = tpu.memref_slice %arg17[%dma_start3A_198, %dma_start3A_199] : memref<10000x128xf32, #tpu.memory_space<vmem_shared>> -> memref<10000x128xf32, #tpu.memory_space<vmem_shared>>
      tpu.enqueue_indirect_dma source(%arg15 : memref<100x128xf32, #tpu.memory_space<vmem>>) target(%dma_start3A_200 : memref<10000x128xf32, #tpu.memory_space<vmem_shared>>) offsets(%dma_start3A_197 : memref<100xi32, #tpu.memory_space<vmem>>) semaphore(%run_scoped3A_194 : memref<!tpu.dma_semaphore, #tpu.memory_space<semaphore_mem>>) {add = true}
      %dma_wait3A_201 = arith.constant 0 : i32
      %dma_wait3A_202 = tpu.memref_slice %arg11[%run_scoped3A_151, %dma_wait3A_201] : memref<8x100xi32, #tpu.memory_space<vmem>> -> memref<1x100xi32, #tpu.memory_space<vmem>>
      %dma_wait3A_203 = tpu.memref_squeeze %dma_wait3A_202 : memref<1x100xi32, #tpu.memory_space<vmem>> -> memref<100xi32, #tpu.memory_space<vmem>>
      %dma_wait3A_204 = arith.constant 0 : i32
      %dma_wait3A_205 = arith.constant 0 : i32
      %dma_wait3A_206 = tpu.memref_slice %arg17[%dma_wait3A_204, %dma_wait3A_205] : memref<10000x128xf32, #tpu.memory_space<vmem_shared>> -> memref<10000x128xf32, #tpu.memory_space<vmem_shared>>
      tpu.wait_indirect_dma semaphore(%run_scoped3A_194 : memref<!tpu.dma_semaphore, #tpu.memory_space<semaphore_mem>>) src(%arg15 : memref<100x128xf32, #tpu.memory_space<vmem>>) dst(%dma_wait3A_206 : memref<10000x128xf32, #tpu.memory_space<vmem_shared>>)
      tpu.yield
    }) : () -> ()
    %dma_wait3A_152 = arith.constant 0 : i32
    %dma_wait3A_153 = arith.constant 0 : i32
    %dma_wait3A_154 = tpu.memref_slice %arg8[%dma_wait3A_152, %dma_wait3A_153] : memref<8x100xi32, #tpu.memory_space<vmem>> -> memref<1x100xi32, #tpu.memory_space<vmem>>
    %dma_wait3A_155 = tpu.memref_squeeze %dma_wait3A_154 : memref<1x100xi32, #tpu.memory_space<vmem>> -> memref<100xi32, #tpu.memory_space<vmem>>
    %dma_wait3A_156 = arith.constant 0 : i32
    %dma_wait3A_157 = arith.constant 0 : i32
    %dma_wait3A_158 = tpu.memref_slice %arg2[%dma_wait3A_156, %dma_wait3A_157] : memref<10000x128xf32, #tpu.memory_space<hbm>> -> memref<10000x128xf32, #tpu.memory_space<hbm>>
    tpu.wait_indirect_dma semaphore(%arg20 : memref<!tpu.dma_semaphore, #tpu.memory_space<semaphore_mem>>) src(%dma_wait3A_158 : memref<10000x128xf32, #tpu.memory_space<hbm>>) dst(%arg16 : memref<100x128xf32, #tpu.memory_space<vmem>>)
    %dma_start3A_159 = arith.constant 7 : i32
    %dma_start3A_160 = arith.constant 0 : i32
    %dma_start3A_161 = tpu.memref_slice %arg8[%dma_start3A_159, %dma_start3A_160] : memref<8x100xi32, #tpu.memory_space<vmem>> -> memref<1x100xi32, #tpu.memory_space<vmem>>
    %dma_start3A_162 = tpu.memref_squeeze %dma_start3A_161 : memref<1x100xi32, #tpu.memory_space<vmem>> -> memref<100xi32, #tpu.memory_space<vmem>>
    %dma_start3A_163 = arith.constant 0 : i32
    %dma_start3A_164 = arith.constant 0 : i32
    %dma_start3A_165 = tpu.memref_slice %arg2[%dma_start3A_163, %dma_start3A_164] : memref<10000x128xf32, #tpu.memory_space<hbm>> -> memref<10000x128xf32, #tpu.memory_space<hbm>>
    tpu.enqueue_indirect_dma source(%dma_start3A_165 : memref<10000x128xf32, #tpu.memory_space<hbm>>) target(%arg15 : memref<100x128xf32, #tpu.memory_space<vmem>>) offsets(%dma_start3A_162 : memref<100xi32, #tpu.memory_space<vmem>>) semaphore(%arg19 : memref<!tpu.dma_semaphore, #tpu.memory_space<semaphore_mem>>)
    %run_scoped3A_166 = arith.constant 5 : i32
    "tpu.region"() ({
      %run_scoped3A_194 = tpu.sem_alloc : memref<!tpu.dma_semaphore, #tpu.memory_space<semaphore_mem>>
      %dma_start3A_195 = arith.constant 0 : i32
      %dma_start3A_196 = tpu.memref_slice %arg11[%run_scoped3A_166, %dma_start3A_195] : memref<8x100xi32, #tpu.memory_space<vmem>> -> memref<1x100xi32, #tpu.memory_space<vmem>>
      %dma_start3A_197 = tpu.memref_squeeze %dma_start3A_196 : memref<1x100xi32, #tpu.memory_space<vmem>> -> memref<100xi32, #tpu.memory_space<vmem>>
      %dma_start3A_198 = arith.constant 0 : i32
      %dma_start3A_199 = arith.constant 0 : i32
      %dma_start3A_200 = tpu.memref_slice %arg17[%dma_start3A_198, %dma_start3A_199] : memref<10000x128xf32, #tpu.memory_space<vmem_shared>> -> memref<10000x128xf32, #tpu.memory_space<vmem_shared>>
      tpu.enqueue_indirect_dma source(%arg16 : memref<100x128xf32, #tpu.memory_space<vmem>>) target(%dma_start3A_200 : memref<10000x128xf32, #tpu.memory_space<vmem_shared>>) offsets(%dma_start3A_197 : memref<100xi32, #tpu.memory_space<vmem>>) semaphore(%run_scoped3A_194 : memref<!tpu.dma_semaphore, #tpu.memory_space<semaphore_mem>>) {add = true}
      %dma_wait3A_201 = arith.constant 0 : i32
      %dma_wait3A_202 = tpu.memref_slice %arg11[%run_scoped3A_166, %dma_wait3A_201] : memref<8x100xi32, #tpu.memory_space<vmem>> -> memref<1x100xi32, #tpu.memory_space<vmem>>
      %dma_wait3A_203 = tpu.memref_squeeze %dma_wait3A_202 : memref<1x100xi32, #tpu.memory_space<vmem>> -> memref<100xi32, #tpu.memory_space<vmem>>
      %dma_wait3A_204 = arith.constant 0 : i32
      %dma_wait3A_205 = arith.constant 0 : i32
      %dma_wait3A_206 = tpu.memref_slice %arg17[%dma_wait3A_204, %dma_wait3A_205] : memref<10000x128xf32, #tpu.memory_space<vmem_shared>> -> memref<10000x128xf32, #tpu.memory_space<vmem_shared>>
      tpu.wait_indirect_dma semaphore(%run_scoped3A_194 : memref<!tpu.dma_semaphore, #tpu.memory_space<semaphore_mem>>) src(%arg16 : memref<100x128xf32, #tpu.memory_space<vmem>>) dst(%dma_wait3A_206 : memref<10000x128xf32, #tpu.memory_space<vmem_shared>>)
      tpu.yield
    }) : () -> ()
    %dma_wait3A_167 = arith.constant 0 : i32
    %dma_wait3A_168 = arith.constant 0 : i32
    %dma_wait3A_169 = tpu.memref_slice %arg8[%dma_wait3A_167, %dma_wait3A_168] : memref<8x100xi32, #tpu.memory_space<vmem>> -> memref<1x100xi32, #tpu.memory_space<vmem>>
    %dma_wait3A_170 = tpu.memref_squeeze %dma_wait3A_169 : memref<1x100xi32, #tpu.memory_space<vmem>> -> memref<100xi32, #tpu.memory_space<vmem>>
    %dma_wait3A_171 = arith.constant 0 : i32
    %dma_wait3A_172 = arith.constant 0 : i32
    %dma_wait3A_173 = tpu.memref_slice %arg2[%dma_wait3A_171, %dma_wait3A_172] : memref<10000x128xf32, #tpu.memory_space<hbm>> -> memref<10000x128xf32, #tpu.memory_space<hbm>>
    tpu.wait_indirect_dma semaphore(%arg18 : memref<!tpu.dma_semaphore, #tpu.memory_space<semaphore_mem>>) src(%dma_wait3A_173 : memref<10000x128xf32, #tpu.memory_space<hbm>>) dst(%arg14 : memref<100x128xf32, #tpu.memory_space<vmem>>)
    %run_scoped3A_174 = arith.constant 6 : i32
    "tpu.region"() ({
      %run_scoped3A_194 = tpu.sem_alloc : memref<!tpu.dma_semaphore, #tpu.memory_space<semaphore_mem>>
      %dma_start3A_195 = arith.constant 0 : i32
      %dma_start3A_196 = tpu.memref_slice %arg11[%run_scoped3A_174, %dma_start3A_195] : memref<8x100xi32, #tpu.memory_space<vmem>> -> memref<1x100xi32, #tpu.memory_space<vmem>>
      %dma_start3A_197 = tpu.memref_squeeze %dma_start3A_196 : memref<1x100xi32, #tpu.memory_space<vmem>> -> memref<100xi32, #tpu.memory_space<vmem>>
      %dma_start3A_198 = arith.constant 0 : i32
      %dma_start3A_199 = arith.constant 0 : i32
      %dma_start3A_200 = tpu.memref_slice %arg17[%dma_start3A_198, %dma_start3A_199] : memref<10000x128xf32, #tpu.memory_space<vmem_shared>> -> memref<10000x128xf32, #tpu.memory_space<vmem_shared>>
      tpu.enqueue_indirect_dma source(%arg14 : memref<100x128xf32, #tpu.memory_space<vmem>>) target(%dma_start3A_200 : memref<10000x128xf32, #tpu.memory_space<vmem_shared>>) offsets(%dma_start3A_197 : memref<100xi32, #tpu.memory_space<vmem>>) semaphore(%run_scoped3A_194 : memref<!tpu.dma_semaphore, #tpu.memory_space<semaphore_mem>>) {add = true}
      %dma_wait3A_201 = arith.constant 0 : i32
      %dma_wait3A_202 = tpu.memref_slice %arg11[%run_scoped3A_174, %dma_wait3A_201] : memref<8x100xi32, #tpu.memory_space<vmem>> -> memref<1x100xi32, #tpu.memory_space<vmem>>
      %dma_wait3A_203 = tpu.memref_squeeze %dma_wait3A_202 : memref<1x100xi32, #tpu.memory_space<vmem>> -> memref<100xi32, #tpu.memory_space<vmem>>
      %dma_wait3A_204 = arith.constant 0 : i32
      %dma_wait3A_205 = arith.constant 0 : i32
      %dma_wait3A_206 = tpu.memref_slice %arg17[%dma_wait3A_204, %dma_wait3A_205] : memref<10000x128xf32, #tpu.memory_space<vmem_shared>> -> memref<10000x128xf32, #tpu.memory_space<vmem_shared>>
      tpu.wait_indirect_dma semaphore(%run_scoped3A_194 : memref<!tpu.dma_semaphore, #tpu.memory_space<semaphore_mem>>) src(%arg14 : memref<100x128xf32, #tpu.memory_space<vmem>>) dst(%dma_wait3A_206 : memref<10000x128xf32, #tpu.memory_space<vmem_shared>>)
      tpu.yield
    }) : () -> ()
    %dma_wait3A_175 = arith.constant 0 : i32
    %dma_wait3A_176 = arith.constant 0 : i32
    %dma_wait3A_177 = tpu.memref_slice %arg8[%dma_wait3A_175, %dma_wait3A_176] : memref<8x100xi32, #tpu.memory_space<vmem>> -> memref<1x100xi32, #tpu.memory_space<vmem>>
    %dma_wait3A_178 = tpu.memref_squeeze %dma_wait3A_177 : memref<1x100xi32, #tpu.memory_space<vmem>> -> memref<100xi32, #tpu.memory_space<vmem>>
    %dma_wait3A_179 = arith.constant 0 : i32
    %dma_wait3A_180 = arith.constant 0 : i32
    %dma_wait3A_181 = tpu.memref_slice %arg2[%dma_wait3A_179, %dma_wait3A_180] : memref<10000x128xf32, #tpu.memory_space<hbm>> -> memref<10000x128xf32, #tpu.memory_space<hbm>>
    tpu.wait_indirect_dma semaphore(%arg19 : memref<!tpu.dma_semaphore, #tpu.memory_space<semaphore_mem>>) src(%dma_wait3A_181 : memref<10000x128xf32, #tpu.memory_space<hbm>>) dst(%arg15 : memref<100x128xf32, #tpu.memory_space<vmem>>)
    %run_scoped3A_182 = arith.constant 7 : i32
    "tpu.region"() ({
      %run_scoped3A_194 = tpu.sem_alloc : memref<!tpu.dma_semaphore, #tpu.memory_space<semaphore_mem>>
      %dma_start3A_195 = arith.constant 0 : i32
      %dma_start3A_196 = tpu.memref_slice %arg11[%run_scoped3A_182, %dma_start3A_195] : memref<8x100xi32, #tpu.memory_space<vmem>> -> memref<1x100xi32, #tpu.memory_space<vmem>>
      %dma_start3A_197 = tpu.memref_squeeze %dma_start3A_196 : memref<1x100xi32, #tpu.memory_space<vmem>> -> memref<100xi32, #tpu.memory_space<vmem>>
      %dma_start3A_198 = arith.constant 0 : i32
      %dma_start3A_199 = arith.constant 0 : i32
      %dma_start3A_200 = tpu.memref_slice %arg17[%dma_start3A_198, %dma_start3A_199] : memref<10000x128xf32, #tpu.memory_space<vmem_shared>> -> memref<10000x128xf32, #tpu.memory_space<vmem_shared>>
      tpu.enqueue_indirect_dma source(%arg15 : memref<100x128xf32, #tpu.memory_space<vmem>>) target(%dma_start3A_200 : memref<10000x128xf32, #tpu.memory_space<vmem_shared>>) offsets(%dma_start3A_197 : memref<100xi32, #tpu.memory_space<vmem>>) semaphore(%run_scoped3A_194 : memref<!tpu.dma_semaphore, #tpu.memory_space<semaphore_mem>>) {add = true}
      %dma_wait3A_201 = arith.constant 0 : i32
      %dma_wait3A_202 = tpu.memref_slice %arg11[%run_scoped3A_182, %dma_wait3A_201] : memref<8x100xi32, #tpu.memory_space<vmem>> -> memref<1x100xi32, #tpu.memory_space<vmem>>
      %dma_wait3A_203 = tpu.memref_squeeze %dma_wait3A_202 : memref<1x100xi32, #tpu.memory_space<vmem>> -> memref<100xi32, #tpu.memory_space<vmem>>
      %dma_wait3A_204 = arith.constant 0 : i32
      %dma_wait3A_205 = arith.constant 0 : i32
      %dma_wait3A_206 = tpu.memref_slice %arg17[%dma_wait3A_204, %dma_wait3A_205] : memref<10000x128xf32, #tpu.memory_space<vmem_shared>> -> memref<10000x128xf32, #tpu.memory_space<vmem_shared>>
      tpu.wait_indirect_dma semaphore(%run_scoped3A_194 : memref<!tpu.dma_semaphore, #tpu.memory_space<semaphore_mem>>) src(%arg15 : memref<100x128xf32, #tpu.memory_space<vmem>>) dst(%dma_wait3A_206 : memref<10000x128xf32, #tpu.memory_space<vmem_shared>>)
      tpu.yield
    }) : () -> ()
    %barrier3A_183 = arith.constant 0 : index
    tpu.barrier barrier_id(%barrier3A_183)
    %eq3A_184 = arith.constant 0 : i32
    %eq3A_185 = arith.cmpi eq, %arg0, %eq3A_184 : i32
    %convert_element_type3A_186 = arith.extui %eq3A_185 : i1 to i32
    %cond3A_187 = arith.constant 0 : i32
    %cond3A_188 = arith.cmpi ne, %convert_element_type3A_186, %cond3A_187 : i32
    scf.if %cond3A_188 {
      "tpu.region"() ({
        %run_scoped3A_199 = tpu.sem_alloc : memref<!tpu.dma_semaphore, #tpu.memory_space<semaphore_mem>>
        %dma_start3A_200 = arith.constant 0 : i32
        %dma_start3A_201 = tpu.memref_slice %arg6[%multiple_of3A, %dma_start3A_200] : memref<10000x128xf32, #tpu.memory_space<hbm>> -> memref<624x128xf32, #tpu.memory_space<hbm>>
        %dma_start3A_202 = arith.constant 0 : i32
        %dma_start3A_203 = tpu.memref_slice %arg17[%multiple_of3A, %dma_start3A_202] : memref<10000x128xf32, #tpu.memory_space<vmem_shared>> -> memref<624x128xf32, #tpu.memory_space<vmem_shared>>
        tpu.enqueue_dma source(%dma_start3A_203 : memref<624x128xf32, #tpu.memory_space<vmem_shared>>) target(%dma_start3A_201 : memref<624x128xf32, #tpu.memory_space<hbm>>) target_semaphore(%run_scoped3A_199 : memref<!tpu.dma_semaphore, #tpu.memory_space<semaphore_mem>>)
        %dma_wait3A_204 = arith.constant 0 : i32
        %dma_wait3A_205 = tpu.memref_slice %arg6[%multiple_of3A, %dma_wait3A_204] : memref<10000x128xf32, #tpu.memory_space<hbm>> -> memref<624x128xf32, #tpu.memory_space<hbm>>
        %dma_wait3A_206 = arith.constant 0 : i32
        %dma_wait3A_207 = tpu.memref_slice %arg17[%multiple_of3A, %dma_wait3A_206] : memref<10000x128xf32, #tpu.memory_space<vmem_shared>> -> memref<624x128xf32, #tpu.memory_space<vmem_shared>>
        tpu.wait_dma2 semaphore(%run_scoped3A_199 : memref<!tpu.dma_semaphore, #tpu.memory_space<semaphore_mem>>) src(%dma_wait3A_207 : memref<624x128xf32, #tpu.memory_space<vmem_shared>>) dst(%dma_wait3A_205 : memref<624x128xf32, #tpu.memory_space<hbm>>)
        tpu.yield
      }) : () -> ()
      %eq3A_194 = arith.constant 15 : i32
      %eq3A_195 = arith.cmpi eq, %arg1, %eq3A_194 : i32
      %convert_element_type3A_196 = arith.extui %eq3A_195 : i1 to i32
      %cond3A_197 = arith.constant 0 : i32
      %cond3A_198 = arith.cmpi ne, %convert_element_type3A_196, %cond3A_197 : i32
      scf.if %cond3A_198 {
        "tpu.region"() ({
          %run_scoped3A_199 = tpu.sem_alloc : memref<!tpu.dma_semaphore, #tpu.memory_space<semaphore_mem>>
          %dma_start3A_200 = arith.constant 9984 : i32
          %dma_start3A_201 = arith.constant 0 : i32
          %dma_start3A_202 = tpu.memref_slice %arg6[%dma_start3A_200, %dma_start3A_201] : memref<10000x128xf32, #tpu.memory_space<hbm>> -> memref<16x128xf32, #tpu.memory_space<hbm>>
          %dma_start3A_203 = arith.constant 9984 : i32
          %dma_start3A_204 = arith.constant 0 : i32
          %dma_start3A_205 = tpu.memref_slice %arg17[%dma_start3A_203, %dma_start3A_204] : memref<10000x128xf32, #tpu.memory_space<vmem_shared>> -> memref<16x128xf32, #tpu.memory_space<vmem_shared>>
          tpu.enqueue_dma source(%dma_start3A_205 : memref<16x128xf32, #tpu.memory_space<vmem_shared>>) target(%dma_start3A_202 : memref<16x128xf32, #tpu.memory_space<hbm>>) target_semaphore(%run_scoped3A_199 : memref<!tpu.dma_semaphore, #tpu.memory_space<semaphore_mem>>)
          %dma_wait3A_206 = arith.constant 9984 : i32
          %dma_wait3A_207 = arith.constant 0 : i32
          %dma_wait3A_208 = tpu.memref_slice %arg6[%dma_wait3A_206, %dma_wait3A_207] : memref<10000x128xf32, #tpu.memory_space<hbm>> -> memref<16x128xf32, #tpu.memory_space<hbm>>
          %dma_wait3A_209 = arith.constant 9984 : i32
          %dma_wait3A_210 = arith.constant 0 : i32
          %dma_wait3A_211 = tpu.memref_slice %arg17[%dma_wait3A_209, %dma_wait3A_210] : memref<10000x128xf32, #tpu.memory_space<vmem_shared>> -> memref<16x128xf32, #tpu.memory_space<vmem_shared>>
          tpu.wait_dma2 semaphore(%run_scoped3A_199 : memref<!tpu.dma_semaphore, #tpu.memory_space<semaphore_mem>>) src(%dma_wait3A_211 : memref<16x128xf32, #tpu.memory_space<vmem_shared>>) dst(%dma_wait3A_208 : memref<16x128xf32, #tpu.memory_space<hbm>>)
          tpu.yield
        }) : () -> ()
      } else {
      }
    } else {
    }
    %eq3A_189 = arith.constant 1 : i32
    %eq3A_190 = arith.cmpi eq, %arg0, %eq3A_189 : i32
    %convert_element_type3A_191 = arith.extui %eq3A_190 : i1 to i32
    %cond3A_192 = arith.constant 0 : i32
    %cond3A_193 = arith.cmpi ne, %convert_element_type3A_191, %cond3A_192 : i32
    scf.if %cond3A_193 {
      "tpu.region"() ({
        %run_scoped3A_199 = tpu.sem_alloc : memref<!tpu.dma_semaphore, #tpu.memory_space<semaphore_mem>>
        %dma_start3A_200 = arith.constant 0 : i32
        %dma_start3A_201 = tpu.memref_slice %arg7[%multiple_of3A, %dma_start3A_200] : memref<10000x128xf32, #tpu.memory_space<hbm>> -> memref<624x128xf32, #tpu.memory_space<hbm>>
        %dma_start3A_202 = arith.constant 0 : i32
        %dma_start3A_203 = tpu.memref_slice %arg17[%multiple_of3A, %dma_start3A_202] : memref<10000x128xf32, #tpu.memory_space<vmem_shared>> -> memref<624x128xf32, #tpu.memory_space<vmem_shared>>
        tpu.enqueue_dma source(%dma_start3A_203 : memref<624x128xf32, #tpu.memory_space<vmem_shared>>) target(%dma_start3A_201 : memref<624x128xf32, #tpu.memory_space<hbm>>) target_semaphore(%run_scoped3A_199 : memref<!tpu.dma_semaphore, #tpu.memory_space<semaphore_mem>>)
        %dma_wait3A_204 = arith.constant 0 : i32
        %dma_wait3A_205 = tpu.memref_slice %arg7[%multiple_of3A, %dma_wait3A_204] : memref<10000x128xf32, #tpu.memory_space<hbm>> -> memref<624x128xf32, #tpu.memory_space<hbm>>
        %dma_wait3A_206 = arith.constant 0 : i32
        %dma_wait3A_207 = tpu.memref_slice %arg17[%multiple_of3A, %dma_wait3A_206] : memref<10000x128xf32, #tpu.memory_space<vmem_shared>> -> memref<624x128xf32, #tpu.memory_space<vmem_shared>>
        tpu.wait_dma2 semaphore(%run_scoped3A_199 : memref<!tpu.dma_semaphore, #tpu.memory_space<semaphore_mem>>) src(%dma_wait3A_207 : memref<624x128xf32, #tpu.memory_space<vmem_shared>>) dst(%dma_wait3A_205 : memref<624x128xf32, #tpu.memory_space<hbm>>)
        tpu.yield
      }) : () -> ()
      %eq3A_194 = arith.constant 15 : i32
      %eq3A_195 = arith.cmpi eq, %arg1, %eq3A_194 : i32
      %convert_element_type3A_196 = arith.extui %eq3A_195 : i1 to i32
      %cond3A_197 = arith.constant 0 : i32
      %cond3A_198 = arith.cmpi ne, %convert_element_type3A_196, %cond3A_197 : i32
      scf.if %cond3A_198 {
        "tpu.region"() ({
          %run_scoped3A_199 = tpu.sem_alloc : memref<!tpu.dma_semaphore, #tpu.memory_space<semaphore_mem>>
          %dma_start3A_200 = arith.constant 9984 : i32
          %dma_start3A_201 = arith.constant 0 : i32
          %dma_start3A_202 = tpu.memref_slice %arg7[%dma_start3A_200, %dma_start3A_201] : memref<10000x128xf32, #tpu.memory_space<hbm>> -> memref<16x128xf32, #tpu.memory_space<hbm>>
          %dma_start3A_203 = arith.constant 9984 : i32
          %dma_start3A_204 = arith.constant 0 : i32
          %dma_start3A_205 = tpu.memref_slice %arg17[%dma_start3A_203, %dma_start3A_204] : memref<10000x128xf32, #tpu.memory_space<vmem_shared>> -> memref<16x128xf32, #tpu.memory_space<vmem_shared>>
          tpu.enqueue_dma source(%dma_start3A_205 : memref<16x128xf32, #tpu.memory_space<vmem_shared>>) target(%dma_start3A_202 : memref<16x128xf32, #tpu.memory_space<hbm>>) target_semaphore(%run_scoped3A_199 : memref<!tpu.dma_semaphore, #tpu.memory_space<semaphore_mem>>)
          %dma_wait3A_206 = arith.constant 9984 : i32
          %dma_wait3A_207 = arith.constant 0 : i32
          %dma_wait3A_208 = tpu.memref_slice %arg7[%dma_wait3A_206, %dma_wait3A_207] : memref<10000x128xf32, #tpu.memory_space<hbm>> -> memref<16x128xf32, #tpu.memory_space<hbm>>
          %dma_wait3A_209 = arith.constant 9984 : i32
          %dma_wait3A_210 = arith.constant 0 : i32
          %dma_wait3A_211 = tpu.memref_slice %arg17[%dma_wait3A_209, %dma_wait3A_210] : memref<10000x128xf32, #tpu.memory_space<vmem_shared>> -> memref<16x128xf32, #tpu.memory_space<vmem_shared>>
          tpu.wait_dma2 semaphore(%run_scoped3A_199 : memref<!tpu.dma_semaphore, #tpu.memory_space<semaphore_mem>>) src(%dma_wait3A_211 : memref<16x128xf32, #tpu.memory_space<vmem_shared>>) dst(%dma_wait3A_208 : memref<16x128xf32, #tpu.memory_space<hbm>>)
          tpu.yield
        }) : () -> ()
      } else {
      }
    } else {
    }
    return
  }
}

module attributes {stable_mosaic.version = 14 : i64} {
  func.func @_mm_kernel(%arg0: i32, %arg1: memref<2000x128xf32, #tpu.memory_space<vmem>>, %arg2: memref<2000x128xf32, #tpu.memory_space<vmem>>, %arg3: memref<2000x128xf32, #tpu.memory_space<vmem>>, %arg4: memref<128x128xf32, #tpu.memory_space<vmem>>, %arg5: memref<128x128xf32, #tpu.memory_space<vmem>>, %arg6: memref<128x128xf32, #tpu.memory_space<vmem>>, %arg7: memref<128x128xf32, #tpu.memory_space<vmem>>, %arg8: memref<2000x128xf32, #tpu.memory_space<vmem>>) attributes {dimension_semantics = [#tpu.dimension_semantics<arbitrary>], iteration_bounds = array<i64: 5>, scalar_prefetch = 0 : i64, scratch_operands = 0 : i64, tpu.core_type = #tpu.core_type<tc>, window_params = [{transform_indices = @transform_0, window_bounds = array<i64: 2000, 128>}, {transform_indices = @transform_1, window_bounds = array<i64: 2000, 128>}, {transform_indices = @transform_2, window_bounds = array<i64: 2000, 128>}, {pipeline_mode = #tpu.pipeline_mode<synchronous>, transform_indices = @transform_3, window_bounds = array<i64: 128, 128>}, {pipeline_mode = #tpu.pipeline_mode<synchronous>, transform_indices = @transform_4, window_bounds = array<i64: 128, 128>}, {pipeline_mode = #tpu.pipeline_mode<synchronous>, transform_indices = @transform_5, window_bounds = array<i64: 128, 128>}, {pipeline_mode = #tpu.pipeline_mode<synchronous>, transform_indices = @transform_6, window_bounds = array<i64: 128, 128>}, {transform_indices = @transform_7, window_bounds = array<i64: 2000, 128>}]} {
    %get3A = arith.constant 0 : index
    %get3A_0 = arith.constant 0 : index
    %get3A_1 = vector.load %arg5[%get3A, %get3A_0] : memref<128x128xf32, #tpu.memory_space<vmem>>, vector<128x128xf32>
    %get3A_2 = arith.constant 0 : index
    %get3A_3 = arith.constant 0 : index
    %get3A_4 = vector.load %arg7[%get3A_2, %get3A_3] : memref<128x128xf32, #tpu.memory_space<vmem>>, vector<128x128xf32>
    %add3A = arith.addf %get3A_1, %get3A_4 : vector<128x128xf32>
    %get3A_5 = arith.constant 0 : index
    %get3A_6 = arith.constant 0 : index
    %get3A_7 = vector.load %arg2[%get3A_5, %get3A_6] : memref<2000x128xf32, #tpu.memory_space<vmem>>, vector<2000x128xf32>
    %get3A_8 = arith.constant 0 : index
    %get3A_9 = arith.constant 0 : index
    %get3A_10 = vector.load %arg4[%get3A_8, %get3A_9] : memref<128x128xf32, #tpu.memory_space<vmem>>, vector<128x128xf32>
    %dot_general3A = arith.constant dense<0.000000e+00> : vector<2000x128xf32>
    %dot_general3A_11 = tpu.matmul %get3A_7, %get3A_10, %dot_general3A {dimension_numbers = #tpu.dot_dimension_numbers<[1], [0], [0], [1], [0, 0, 1, 1], [], []>, transpose_lhs_hint = false} : vector<2000x128xf32>, vector<128x128xf32>, vector<2000x128xf32> -> vector<2000x128xf32>
    %get3A_12 = arith.constant 0 : index
    %get3A_13 = arith.constant 0 : index
    %get3A_14 = vector.load %arg3[%get3A_12, %get3A_13] : memref<2000x128xf32, #tpu.memory_space<vmem>>, vector<2000x128xf32>
    %get3A_15 = arith.constant 0 : index
    %get3A_16 = arith.constant 0 : index
    %get3A_17 = vector.load %arg6[%get3A_15, %get3A_16] : memref<128x128xf32, #tpu.memory_space<vmem>>, vector<128x128xf32>
    %dot_general3A_18 = arith.constant dense<0.000000e+00> : vector<2000x128xf32>
    %dot_general3A_19 = tpu.matmul %get3A_14, %get3A_17, %dot_general3A_18 {dimension_numbers = #tpu.dot_dimension_numbers<[1], [0], [0], [1], [0, 0, 1, 1], [], []>, transpose_lhs_hint = false} : vector<2000x128xf32>, vector<128x128xf32>, vector<2000x128xf32> -> vector<2000x128xf32>
    %add3A_20 = arith.addf %dot_general3A_11, %dot_general3A_19 : vector<2000x128xf32>
    %get3A_21 = arith.constant 0 : index
    %get3A_22 = arith.constant 0 : index
    %get3A_23 = vector.load %arg1[%get3A_21, %get3A_22] : memref<2000x128xf32, #tpu.memory_space<vmem>>, vector<2000x128xf32>
    %dot_general3A_24 = arith.constant dense<0.000000e+00> : vector<2000x128xf32>
    %dot_general3A_25 = tpu.matmul %get3A_23, %add3A, %dot_general3A_24 {dimension_numbers = #tpu.dot_dimension_numbers<[1], [0], [0], [1], [0, 0, 1, 1], [], []>, transpose_lhs_hint = false} : vector<2000x128xf32>, vector<128x128xf32>, vector<2000x128xf32> -> vector<2000x128xf32>
    %add3A_26 = arith.addf %add3A_20, %dot_general3A_25 : vector<2000x128xf32>
    %swap3A = arith.constant 0 : index
    %swap3A_27 = arith.constant 0 : index
    %swap3A_28 = vector.load %arg8[%swap3A, %swap3A_27] : memref<2000x128xf32, #tpu.memory_space<vmem>>, vector<2000x128xf32>
    tpu.vector_store %arg8[%swap3A, %swap3A_27], %add3A_26 {strides = array<i32>} : memref<2000x128xf32, #tpu.memory_space<vmem>>, vector<2000x128xf32>,
    return
  }
  func.func @transform_0(%arg0: i32) -> (i32, i32) {
    %c0_i32 = arith.constant 0 : i32
    %c0_i32_0 = arith.constant 0 : i32
    return %arg0, %c0_i32 : i32, i32
  }
  func.func @transform_1(%arg0: i32) -> (i32, i32) {
    %c0_i32 = arith.constant 0 : i32
    %c0_i32_0 = arith.constant 0 : i32
    return %arg0, %c0_i32 : i32, i32
  }
  func.func @transform_2(%arg0: i32) -> (i32, i32) {
    %c0_i32 = arith.constant 0 : i32
    %c0_i32_0 = arith.constant 0 : i32
    return %arg0, %c0_i32 : i32, i32
  }
  func.func @transform_3(%arg0: i32) -> (i32, i32) {
    %c0_i32 = arith.constant 0 : i32
    %c0_i32_0 = arith.constant 0 : i32
    %c0_i32_1 = arith.constant 0 : i32
    return %c0_i32, %c0_i32_0 : i32, i32
  }
  func.func @transform_4(%arg0: i32) -> (i32, i32) {
    %c0_i32 = arith.constant 0 : i32
    %c0_i32_0 = arith.constant 0 : i32
    %c0_i32_1 = arith.constant 0 : i32
    return %c0_i32, %c0_i32_0 : i32, i32
  }
  func.func @transform_5(%arg0: i32) -> (i32, i32) {
    %c0_i32 = arith.constant 0 : i32
    %c0_i32_0 = arith.constant 0 : i32
    %c0_i32_1 = arith.constant 0 : i32
    return %c0_i32, %c0_i32_0 : i32, i32
  }
  func.func @transform_6(%arg0: i32) -> (i32, i32) {
    %c0_i32 = arith.constant 0 : i32
    %c0_i32_0 = arith.constant 0 : i32
    %c0_i32_1 = arith.constant 0 : i32
    return %c0_i32, %c0_i32_0 : i32, i32
  }
  func.func @transform_7(%arg0: i32) -> (i32, i32) {
    %c0_i32 = arith.constant 0 : i32
    %c0_i32_0 = arith.constant 0 : i32
    return %arg0, %c0_i32 : i32, i32
  }
}

</mosaic_0001>

<sc_bundles>
// kernel: kernel.4.cloned.1.call-start
scs
__scs_entry_jumppad:
0x0: {  	(pc) =	sbr.rel $0x88, $3  }
0x1: {  	(tag) =	ssettag $0x0;
	lr =	simm.s32 $0x1  }
0x2: {  	[smem:$0x3F9A] =	sst lr;
	_ =	strace $0xD0000000  }
0x3: {  	_ = 	snop  }
0x4: {  	_ = 	snop  }
0x5: {  	_ = 	snop  }
0x6: {  	_ = 	snop  }
0x7: {  	_ = 	snop  }
__scs_overlays_trampoline_lowered:
0x8: {  	[smem:$0x3FA9] =	sst s0  }
0x9: {  	[smem:$0x3FAA] =	sst s1  }
0xa: {  	[smem:$0x3FAB] =	sst s2  }
0xb: {  	[smem:$0x3FAC] =	sst s3  }
0xc: {  	[smem:$0x3FAD] =	sst s4  }
0xd: {  	[smem:$0x3FAE] =	sst s5  }
0xe: {  	[smem:$0x3FAF] =	sst s6  }
0xf: {  	[smem:$0x3FB0] =	sst s7  }
0x10: {  	[smem:$0x3FB1] =	sst s8  }
0x11: {  	[smem:$0x3FB2] =	sst s9;
	s0 =	simm.s32 @!p0 $0x0  }
0x12: {  	s1 =	sld [smem:$0x3F98];
	s0 =	simm.s32 @p0 $0x1  }
0x13: {  	[smem:$0x3FB3] =	sst s0;
	s0 =	simm.s32 @!p1 $0x0  }
0x14: {  	s2 =	sld [smem:$0x3F97];
	s0 =	simm.s32 @p1 $0x1  }
0x15: {  	[smem:$0x3FB4] =	sst s0;
	s0 =	simm.s32 @!p2 $0x0  }
0x16: {  	s3 =	sld [smem:$0x3FDB];
	s0 =	simm.s32 @p2 $0x1  }
0x17: {  	s4 =	simm.s32 $0x1BF5;
	[smem:$0x3FB6] =	sst s0  }
0x18: {  	s0 =	sld [smem:$0x3F99];
	_ =	swait.ge [sflag:s4], $0x0  }
0x19: {  	s7 =	sld [smem:$0x3F9A]  }
0x1a: {  	s8 =	sadd.s32 $0xFFFFE003, lr  }
0x1b: {  	s9 =	sadd.s32 $0xFFFFFEF7, lr;
	s5 =	simm.s32 $0xFFFFFFFF;
	p2 =	slt.u32 s8, $0xFFFFF086  }
0x1c: {  	p1 =	slt.u32 s9, $0xF7A;
	s5 =	simm.s32 @!p2 $0x0  }
0x1d: {  	s5 =	simm.s32 @p1 $0x1;
	p0 =	seq.s32 s7, s2  }
0x1e: {  	s7 =	smul.u32 @!p0 $0xF7A, s2;
	p2 =	seq.s32 @!p0 s5, $0x0  }
0x1f: {  	s9 =	smul.u32 $0xF7A, s1;
	s8 =	simm.s32 @!p0 $0x1BF5;
	p2 =	por !p2, p0  }
0x20: {  	[sflag:s8] =	ssyncset.s32 @!p0 $0xFFFFF086;
	s6 =	sadd.s32 @!p0 s3, s7;
	s7 =	simm.s32 @!p0 $0x108  }
0x21: {  	s3 =	sadd.s32 s3, s9;
	s6 =	sadd.s32 @!p0 $0x88, s6;
	s7 =	simm.s32 @p2 $0x1082  }
0x22: {  	[simem:s7], [sflag:s8] =	dma.local @!p0 [hbm:s6], $0xF7A  }
0x23: {  	s9 =	sor.u32 $0xD0000000, s2;
	s6 =	simm.s32 $0x108;
	_ =	swait.ge @!p0 [sflag:s8], $0x0  }
0x24: {  	s3 =	sadd.s32 $0x88, s3;
	s6 =	simm.s32 @!p1 $0x1082;
	[sflag:s4] =	ssyncset.s32 $0xFFFFF086  }
0x25: {  	[simem:s6], [sflag:s4] =	dma.local [hbm:s3], $0xF7A  }
0x26: {  	[smem:$0x3F9A] =	sst s1;
	(tag) =	ssettag s2;
	_ =	strace s9  }
0x27: {  	s1 =	sld [smem:$0x3FAA]  }
0x28: {  	s2 =	sld [smem:$0x3FAB]  }
0x29: {  	s4 =	sld [smem:$0x3FAD]  }
0x2a: {  	p0 =	seq.s32 s5, $0x0;
	s5 =	sld [smem:$0x3FAE]  }
0x2b: {  	s6 =	sld [smem:$0x3FAF]  }
0x2c: {  	s7 =	sld [smem:$0x3FB0]  }
0x2d: {  	s3 =	simm.s32 $0x108;
	s8 =	sld [smem:$0x3FB1]  }
0x2e: {  	s3 =	simm.s32 @!p0 $0x1082;
	s9 =	sld [smem:$0x3FB2]  }
0x2f: {  	lr =	sadd.s32 s0, s3;
	s0 =	sld [smem:$0x3FA9]  }
0x30: {  	s3 =	sld [smem:$0x3FAC]  }
0x31: {  	[smem:$0x3FB5] =	sst s10  }
0x32: {  	s10 =	sld [smem:$0x3FB3];
	_ =	sdelay $0x3  }
0x33: {  	p0 =	seq.s32 s10, $0x1;
	s10 =	sld [smem:$0x3FB5];
	_ =	sdelay $0x3  }
0x34: {  	[smem:$0x3FB5] =	sst s10  }
0x35: {  	s10 =	sld [smem:$0x3FB4];
	_ =	sdelay $0x3  }
0x36: {  	p1 =	seq.s32 s10, $0x1;
	s10 =	sld [smem:$0x3FB5];
	_ =	sdelay $0x3  }
0x37: {  	[smem:$0x3FB5] =	sst s10  }
0x38: {  	s10 =	sld [smem:$0x3FB6]  }
0x39: {  	_ = 	snop;
	(pc) =	sbr.ind lr, $3  }
0x3a: {  	_ = 	snop  }
0x3b: {  	_ = 	snop  }
0x3c: {  	p2 =	seq.s32 s10, $0x1;
	s10 =	sld [smem:$0x3FB5]  }
0x3d: {  	_ =	shalt  }
0x3e: {  	_ =	shalt  }
0x3f: {  	_ =	shalt  }
0x40: {  	_ =	shalt  }
0x41: {  	_ =	shalt  }
0x42: {  	_ =	shalt  }
0x43: {  	_ =	shalt  }
0x44: {  	_ =	shalt  }
0x45: {  	_ =	shalt  }
0x46: {  	_ =	shalt  }
0x47: {  	_ =	shalt  }
0x48: {  	_ =	shalt  }
0x49: {  	_ =	shalt  }
0x4a: {  	_ =	shalt  }
0x4b: {  	_ =	shalt  }
0x4c: {  	_ =	shalt  }
0x4d: {  	_ =	shalt  }
0x4e: {  	_ =	shalt  }
0x4f: {  	_ =	shalt  }
0x50: {  	_ =	shalt  }
0x51: {  	_ =	shalt  }
0x52: {  	_ =	shalt  }
0x53: {  	_ =	shalt  }
0x54: {  	_ =	shalt  }
0x55: {  	_ =	shalt  }
0x56: {  	_ =	shalt  }
0x57: {  	_ =	shalt  }
0x58: {  	_ =	shalt  }
0x59: {  	_ =	shalt  }
0x5a: {  	_ =	shalt  }
0x5b: {  	_ =	shalt  }
0x5c: {  	_ =	shalt  }
0x5d: {  	_ =	shalt  }
0x5e: {  	_ =	shalt  }
0x5f: {  	_ =	shalt  }
0x60: {  	_ =	shalt  }
0x61: {  	_ =	shalt  }
0x62: {  	_ =	shalt  }
0x63: {  	_ =	shalt  }
0x64: {  	_ =	shalt  }
0x65: {  	_ =	shalt  }
0x66: {  	_ =	shalt  }
0x67: {  	_ =	shalt  }
0x68: {  	_ =	shalt  }
0x69: {  	_ =	shalt  }
0x6a: {  	_ =	shalt  }
0x6b: {  	_ =	shalt  }
0x6c: {  	_ =	shalt  }
0x6d: {  	_ =	shalt  }
0x6e: {  	_ =	shalt  }
0x6f: {  	_ =	shalt  }
0x70: {  	_ =	shalt  }
0x71: {  	_ =	shalt  }
0x72: {  	_ =	shalt  }
0x73: {  	_ =	shalt  }
0x74: {  	_ =	shalt  }
0x75: {  	_ =	shalt  }
0x76: {  	_ =	shalt  }
0x77: {  	_ =	shalt  }
0x78: {  	_ =	shalt  }
0x79: {  	_ =	shalt  }
0x7a: {  	_ =	shalt  }
0x7b: {  	_ =	shalt  }
0x7c: {  	_ =	shalt  }
0x7d: {  	_ =	shalt  }
0x7e: {  	_ =	shalt  }
0x7f: {  	_ =	shalt  }
0x80: {  	_ =	shalt  }
0x81: {  	_ =	shalt  }
0x82: {  	_ =	shalt  }
0x83: {  	_ =	shalt  }
0x84: {  	_ =	shalt  }
0x85: {  	_ =	shalt  }
0x86: {  	_ =	shalt  }
0x87: {  	_ =	shalt  }
.Lfunc_end0:
.L_simem_size_0:
called_computation_lowered:
.L_overlay_start_0:
0x88: {  	s2 =	sld [smem:$0x3FD9]  }
0x89: {  	s3 =	sld [smem:$0x3FFE];
	_ =	sdelay $0x1  }
0x8a: {  	s1 =	srdreg.scid  }
0x8b: {  	s0 =	sand.u32 $0x1, s1  }
0x8c: {  	s17 =	sshll.u32 s0, $0xA;
	s2 =	sadd.s32 s3, s2  }
0x8d: {  	s2 =	sadd.s32 s2, s17  }
0x8e: {  	[smem:$0x3FC1] =	sst s2  }
0x8f: {  	_ = 	snop  }
0x90: {  	s2 =	sld [smem:$0x3FC9]  }
0x91: {  	s18 =	sld [smem:$0x3FD0];
	(tm) =	ssettm $0x1  }
0x92: {  	s4 =	sld [smem:$0x3FFB];
	_ =	sdelay $0x3  }
0x93: {  	_ =	strace s4  }
0x94: {  	s4 =	sld [smem:$0x3FFC];
	_ =	sdelay $0x3  }
0x95: {  	_ =	strace s4  }
0x96: {  	s4 =	sld [smem:$0x3FFD];
	_ =	sdelay $0x3  }
0x97: {  	_ =	strace s4  }
0x98: {  	_ =	strace $0x8FFFFFFF  }
0x99: {  	s19 =	sld [smem:$0x3FDB];
	_ =	sdelay $0x1  }
0x9a: {  	s5 =	simm.s32 $_scs_section_size  }
0x9b: {  	s6 =	simm.s32 $_size__tile_overlayer_lowered;
	s7 =	simm.s32 $_tile_overlayer_lowered  }
0x9c: {  	s22 =	simm.s32 $0x1BFF;
	s21 =	sshll.u32 s7, $0x1;
	s4 =	sadd.s32 s5, s19  }
0x9d: {  	s8 =	simm.s32 $0x0;
	s20 =	sshll.u32 s6, $0x1;
	s6 =	sadd.s32 s21, s4  }
0x9e: {  	[timem:s8], [sflag:s22] =	dma.local [hbm:s6], s20  }
0x9f: {  	_ =	swait.ge [sflag:s22], s20  }
0xa0: {  	s5 =	ssub.s32 $0x0, s20;
	[sflag:s22] =	ssyncset.done $0x0  }
0xa1: {  	[sflag:s22] =	ssyncadd.s32 s5;
	_ =	sdelay $0x1  }
0xa2: {  	s23 =	simm.s32 $0x1B8B  }
0xa3: {  	_ =	swait.ge [sflag:s23], $0x1  }
0xa4: {  	[sflag:s23] =	ssyncset.done $0x0  }
0xa5: {  	s25 =	simm.s32 $0x1B8E;
	s24 =	sld [smem:$0x3FFE];
	[sflag:s23] =	ssyncadd.s32 $0xFFFFFFFF  }
0xa6: {  	s26 =	simm.s32 $execute0_lowered;
	[smem:$0x3FD2] =	sst s25  }
0xa7: {  	s6 =	sshll.u32 s26, $0x1;
	_ =	strace $0x80000046;
	[dreg:$0x1] =	wrdreg $0xFFFFFFFF  }
0xa8: {  	s28 =	simm.s32 $_size_execute0_lowered;
	s4 =	sadd.s32 s4, s6;
	[dreg:$0x0] =	wrdreg $0x0  }
0xa9: {  	s6 =	sshll.u32 s28, $0x1;
	[dreg:$0x2] =	wrdreg s4  }
0xaa: {  	[dreg:$0x3] =	wrdreg s6  }
0xab: {  	[dreg:$0x4] =	wrdreg $0xC0  }
0xac: {  	_ =	task [dreg:s8], $0x5FFFF  }
0xad: {  	[dreg:$0x1] =	wrdreg $0xFFFFFFFF  }
0xae: {  	[dreg:$0x0] =	wrdreg $0x60  }
0xaf: {  	[dreg:$0x2] =	wrdreg s2  }
0xb0: {  	[dreg:$0x3] =	wrdreg s24  }
0xb1: {  	[dreg:$0x4] =	wrdreg s18  }
0xb2: {  	[dreg:$0x5] =	wrdreg $0xB4000  }
0xb3: {  	[dreg:$0x6] =	wrdreg $0x9  }
0xb4: {  	_ =	task.clear_ibuf [dreg:s8], $0x7FFFF;
	_ =	strace $0x90000046  }
0xb5: {  	s29 =	simm.s32 $0x9;
	_ =	strace $0x80000048  }
0xb6: {  	_ =	swait.ge [sflag:s29], $0x1  }
0xb7: {  	[sflag:s29] =	ssyncadd.s32 $0xFFFFFFFF  }
0xb8: {  	_ =	strace $0x90000048  }
0xb9: {  	_ =	sfence  }
0xba: {  	s30 =	sld [smem:$0x0];
	_ =	sdelay $0x2  }
0xbb: {  	s31 =	sshll.u32 s1, $0xD;
	s1 =	sshrl.u32 s1, $0x2  }
0xbc: {  	s3 =	sand.u32 $0x4000, s31;
	s1 =	sadd.s32 s1, s30  }
0xbd: {  	s0 =	sor.u32 s3, s0;
	s1 =	sshll.u32 s1, $0x11  }
0xbe: {  	s0 =	sor.u32 s1, s0  }
0xbf: {  	s0 =	sadd.s32 $0x8F2B, s0  }
0xc0: {  	[sflag:s0] =	ssyncadd.remote.s32 $0x1  }
0xc1: {  	_ =	sfence.sel $0xFFFF  }
0xc2: {  	[dreg:$0x0] =	wrdreg $0xFFFFFFFF;
	(pc) =	sbr.abs _section_cstart, $3  }
0xc3: {  	[dreg:$0x1] =	wrdreg $0xFFFFFFFF  }
0xc4: {  	_ =	task.clear_ibuf [dreg:s8], $0x2FFFF;
	_ =	strace $0x9FFFFFFF  }
0xc5: {  	(tm) =	ssettm $0x7FFFFFFF  }
tec
execute0_lowered:
.L_overlay_start_1:
0x0: {  	(tag) =	ssettag $0x1  }
0x1: {  	s1 =	rddreg [dreg:$0x0]  }
0x2: {  	s0 =	rddreg [dreg:$0x1]  }
0x3: {  	s4 =	rddreg [dreg:$0x2]  }
0x4: {  	s2 =	rddreg [dreg:$0x3]  }
0x5: {  	s3 =	simm.s32 $0x0;
	s7 =	srdreg.scid;
	s5 =	stileid.u32  }
0x6: {  	s29 =	simm.s32 $0xA;
	s30 =	simm.s32 $0xC00;
	s31 =	simm.s32 $0x400  }
0x7: {  	s28 =	simm.s32 $0x5;
	[smem:$0x7FF] =	sst s3;
	s12 =	sadd.s32 $0x2400, s0  }
0x8: {  	s6 =	sadd.s32 $0x1B400, s0;
	s7 =	sand.u32 $0x1, s7;
	s8 =	smul.u32 $0x4E000, s5  }
0x9: {  	s13 =	sadd.s32 $0x34400, s0;
	s14 =	sadd.s32 $0x5B600, s0;
	s11 =	smul.u32 $0x6400, s5  }
0xa: {  	s18 =	smul.u32 $0x2700, s5;
	s19 =	sshll.u32 s5, $0x6;
	p1 =	sne.s32 s5, $0xF  }
0xb: {  	p2 =	seq.s32 s5, $0xF;
	_ =	strace $0x80000047;
	s9 =	ssub.s32 $0x2, s7  }
0xc: {  	s10 =	smul.u32 $0x64000, s7;
	p0 =	seq.s32 s7, $0x1;
	[dreg:$0x5] =	wrdreg s13  }
0xd: {  	[dreg:$0x6] =	wrdreg s14;
	s7 =	simm.s32 $0x7;
	s17 =	sshrl.u32 s9, $0x1  }
0xe: {  	s8 =	sshrl.u32 s8, $0x2;
	s20 =	sadd.s32 s4, s18;
	s4 =	sadd.s32 $0x27000, s4  }
0xf: {  	s15 =	sadd.s32 s13, s18;
	s13 =	simm.s32 $0x1;
	[dreg:$0x8] =	wrdreg s20  }
0x10: {  	s0 =	ssub.s32 s9, s17;
	s8 =	sadd.s32 s8, s2;
	[dreg:$0xa] =	wrdreg s4  }
0x11: {  	s10 =	sadd.s32 s11, s10;
	[dreg:$0x11] =	wrdreg s15;
	s17 =	sadd.s32 s14, s18  }
0x12: {  	s9 =	simm.s32 $0x1800;
	s15 =	simm.s32 $0x8000;
	[dreg:$0x7] =	wrdreg s8  }
0x13: {  	s8 =	sor.u32 $0x1C0A, s19;
	s21 =	sshrl.u32 s10, $0x3;
	s16 =	sadd.s32 $0x1400, s10  }
0x14: {  	[dreg:$0x12] =	wrdreg s17;
	s18 =	sadd.s32 $0x1000, s10;
	s0 =	smax.u32 s0, $0x1  }
0x15: {  	s17 =	simm.s32 $0x6;
	[dreg:$0x9] =	wrdreg s8;
	s22 =	sadd.s32 s12, s21  }
0x16: {  	s23 =	sadd.s32 $0x80, s21;
	s24 =	sadd.s32 s6, s21;
	[dreg:$0x13] =	wrdreg s0  }
0x17: {  	s8 =	sadd.s32 $0x100, s21;
	s20 =	sshrl.u32 s18, $0x3;
	[dreg:$0xb] =	wrdreg s22  }
0x18: {  	s21 =	sadd.s32 $0xC00, s10;
	s0 =	simm.s32 $0x1000;
	[dreg:$0xc] =	wrdreg s24  }
0x19: {  	s18 =	simm.s32 $0x0;
	s25 =	sadd.s32 s12, s23;
	[dreg:$0x15] =	wrdreg s21  }
0x1a: {  	s4 =	sadd.s32 s6, s23;
	s26 =	sadd.s32 s12, s8;
	[dreg:$0xd] =	wrdreg s25  }
0x1b: {  	s11 =	sadd.s32 s6, s8;
	s22 =	smov.u32 s6;
	[dreg:$0xe] =	wrdreg s4  }
0x1c: {  	s24 =	sadd.s32 s20, s6;
	s8 =	simm.s32 $0x64;
	[dreg:$0xf] =	wrdreg s26  }
0x1d: {  	s21 =	simm.s32 $0x3;
	[dreg:$0x10] =	wrdreg s11;
	s4 =	sshrl.u32 s16, $0x3  }
.Ltmp0:
0x1e: {  	s25 =	sadd.s32 s20, s12;
	s26 =	sadd.s32 $0x138000, s2;
	(pc) =	sbr.rel .LBB2_1-.Ltmp0, $4  }
0x1f: {  	s20 =	simm.s32 $0x4;
	s16 =	simm.s32 $0x2;
	s11 =	simm.s32 $0x8  }
0x20: {  	s19 =	sadd.s32 s4, s6;
	s23 =	sadd.s32 s4, s12;
	s6 =	smov.u32 s12  }
0x21: {  	[dreg:$0x16] =	wrdreg s26;
	s4 =	simm.s32 $0x800;
	s12 =	simm.s32 $0x4C00  }
0x22: {  	s26 =	simm.s32 $0x9;
	[dreg:$0x14] =	wrdreg s19;
	s19 =	simm.s32 $0x1400  }
.LBB2_7:
0x23: {  	s10 =	rddreg [dreg:$0x16]  }
0x24: {  	s5 =	sadd.s32 $0x27000, s14;
	s14 =	rddreg [dreg:$0x9];
	s10 =	sshrl.u32 s10, $0x3  }
0x25: {  	[hbm:s5], [sflag:s14] =	dma.local [spmem:s10], $0x100  }
0x26: {  	_ =	swait.ge [sflag:s29], $0x100  }
0x27: {  	[sflag:s29] =	ssyncset.done $0x0  }
0x28: {  	[sflag:s29] =	ssyncadd.s32 $0xFFFFFF00  }
.LBB2_8:
0x29: {  	s18 =	sadd.s32 $0x1, s18;
	s5 =	rddreg [dreg:$0x13]  }
0x2a: {  	p3 =	sne.s32 s18, s5  }
.Ltmp1:
0x2b: {  	_ = 	snop;
	(pc) =	sbr.rel @!p3 .LBB2_9-.Ltmp1, $1  }
0x2c: {  	_ =	sdelay $0x3  }
.LBB2_1:
0x2d: {  	[dreg:$0x17] =	wrdreg s18  }
0x2e: {  	s5 =	rddreg [dreg:$0x7]  }
0x2f: {  	s14 =	rddreg [dreg:$0x8]  }
0x30: {  	s18 =	rddreg [dreg:$0x9];
	s10 =	sshrl.u32 s5, $0x3  }
0x31: {  	[dreg:$0x18] =	wrdreg s10  }
0x32: {  	[spmem:s10], [sflag:s18] =	dma.local [hbm:s14], $0x2700  }
0x33: {  	_ =	swait.ge [sflag:s29], $0x2700  }
0x34: {  	[sflag:s29] =	ssyncset.done $0x0;
	s5 =	rddreg [dreg:$0x16]  }
0x35: {  	[sflag:s29] =	ssyncadd.s32 $0xFFFFD900;
	s14 =	sshrl.u32 @!p1 s5, $0x3;
	s5 =	rddreg [dreg:$0xa]  }
0x36: {  	[spmem:s14], [sflag:s18] =	dma.local @!p1 [hbm:s5], $0x100  }
0x37: {  	s14 =	simm.s32 @!p1 $0xA  }
0x38: {  	_ =	swait.ge @!p1 [sflag:s14], $0x100  }
0x39: {  	[sflag:s14] =	ssyncset.done @!p1 $0x0  }
0x3a: {  	[sflag:s14] =	ssyncadd.s32 @!p1 $0xFFFFFF00  }
0x3b: {  	[bflag:$0x0] =	sbarrier.arrive $0xFFFF  }
0x3c: {  	s10 =	rddreg [dreg:$0xb]  }
0x3d: {  	[tilespmem:s3], [sflag:$0x4] =	stream.linear.gather [hbm4b:s10+s3], $0x400, $0x38;
	[tilespmem:$0x1EC80] =	vst v63  }
0x3e: {  	s14 =	rddreg [dreg:$0xc]  }
0x3f: {  	[tilespmem:s30], [sflag:$0x7] =	stream.linear.gather [hbm4b:s14+s3], $0x400, $0x38;
	[tilespmem:$0x1EC80] =	vst v63  }
0x40: {  	s18 =	rddreg [dreg:$0xd]  }
0x41: {  	[tilespmem:s31], [sflag:$0x5] =	stream.linear.gather [hbm4b:s18+s3], $0x400, $0x38;
	[tilespmem:$0x1EC80] =	vst v63  }
0x42: {  	s10 =	rddreg [dreg:$0xe]  }
0x43: {  	[tilespmem:s0], [sflag:$0x8] =	stream.linear.gather [hbm4b:s10+s3], $0x400, $0x38;
	[tilespmem:$0x1EC80] =	vst v63  }
0x44: {  	s14 =	rddreg [dreg:$0xf]  }
0x45: {  	[tilespmem:s4], [sflag:$0x6] =	stream.linear.gather [hbm4b:s14+s3], $0x400, $0x38;
	[tilespmem:$0x1EC80] =	vst v63  }
0x46: {  	s18 =	rddreg [dreg:$0x10]  }
0x47: {  	[tilespmem:s19], [sflag:$0x9] =	stream.linear.gather [hbm4b:s18+s3], $0x400, $0x38;
	[tilespmem:$0x1EC80] =	vst v63  }
0x48: {  	s14 =	simm.s32 $0x0;
	s18 =	rddreg [dreg:$0x15]  }
.LBB2_2:
0x49: {  	_ =	swait.ge [sflag:s20], $0x400  }
0x4a: {  	[sflag:s20] =	ssyncset.done $0x0  }
0x4b: {  	[sflag:s20] =	ssyncadd.s32 $0xFFFFFC00  }
0x4c: {  	_ =	swait.ge [sflag:s7], $0x400  }
0x4d: {  	[sflag:s7] =	ssyncset.done $0x0  }
0x4e: {  	[sflag:s7] =	ssyncadd.s32 $0xFFFFFC00  }
0x4f: {  	[tilespmem:s9], [sflag:$0x1] =	stream.indirect.gather [hbm4b:s1+s8], $0x80, s3, s8, $0xb8;
	[tilespmem:$0x1EC80] =	vst v63  }
0x50: {  	s5 =	simm.s32 $0x80  }
0x51: {  	[tilespmem:s12], [sflag:$0x2] =	stream.indirect.gather [hbm4b:s1+s8], $0x80, s5, s8, $0xb8;
	[tilespmem:$0x1EC80] =	vst v63  }
0x52: {  	_ =	swait.ge [sflag:s13], $0x3200  }
0x53: {  	[sflag:s13] =	ssyncset.done $0x0  }
0x54: {  	s10 =	simm.s32 $0x100;
	[sflag:s13] =	ssyncadd.s32 $0xFFFFCE00  }
0x55: {  	[tilespmem:s15], [sflag:$0x3] =	stream.indirect.gather [hbm4b:s1+s8], $0x80, s10, s8, $0xb8;
	[tilespmem:$0x1EC80] =	vst v63  }
0x56: {  	_ = 	snop  }
0x57: {  	[spmem:s2] =	stream.indirect.scatter.add.f32 [tilespmem:s9], [sflag:$0xA], $0x80, s30, s8, $0xb8;
	[tilespmem:$0x1EC80] =	vst v63  }
0x58: {  	_ =	swait.ge [sflag:s29], $0x3200  }
0x59: {  	[sflag:s29] =	ssyncset.done $0x0  }
0x5a: {  	[sflag:s29] =	ssyncadd.s32 $0xFFFFCE00  }
0x5b: {  	_ =	swait.ge [sflag:s16], $0x3200  }
0x5c: {  	[sflag:s16] =	ssyncset.done $0x0  }
0x5d: {  	s10 =	simm.s32 $0x180;
	[sflag:s16] =	ssyncadd.s32 $0xFFFFCE00  }
0x5e: {  	[tilespmem:s9], [sflag:$0x1] =	stream.indirect.gather [hbm4b:s1+s8], $0x80, s10, s8, $0xb8;
	[tilespmem:$0x1EC80] =	vst v63  }
0x5f: {  	s10 =	simm.s32 $0xC80  }
0x60: {  	[spmem:s2] =	stream.indirect.scatter.add.f32 [tilespmem:s12], [sflag:$0xA], $0x80, s10, s8, $0xb8;
	[tilespmem:$0x1EC80] =	vst v63  }
0x61: {  	_ =	swait.ge [sflag:s29], $0x3200  }
0x62: {  	[sflag:s29] =	ssyncset.done $0x0  }
0x63: {  	[sflag:s29] =	ssyncadd.s32 $0xFFFFCE00  }
0x64: {  	_ =	swait.ge [sflag:s21], $0x3200  }
0x65: {  	[sflag:s21] =	ssyncset.done $0x0  }
0x66: {  	s10 =	simm.s32 $0x200;
	[sflag:s21] =	ssyncadd.s32 $0xFFFFCE00  }
0x67: {  	[tilespmem:s12], [sflag:$0x2] =	stream.indirect.gather [hbm4b:s1+s8], $0x80, s10, s8, $0xb8;
	[tilespmem:$0x1EC80] =	vst v63  }
0x68: {  	s10 =	simm.s32 $0xD00  }
0x69: {  	[spmem:s2] =	stream.indirect.scatter.add.f32 [tilespmem:s15], [sflag:$0xA], $0x80, s10, s8, $0xb8;
	[tilespmem:$0x1EC80] =	vst v63  }
0x6a: {  	_ =	swait.ge [sflag:s29], $0x3200  }
0x6b: {  	[sflag:s29] =	ssyncset.done $0x0  }
0x6c: {  	[sflag:s29] =	ssyncadd.s32 $0xFFFFCE00  }
0x6d: {  	_ =	swait.ge [sflag:s13], $0x3200  }
0x6e: {  	[sflag:s13] =	ssyncset.done $0x0  }
0x6f: {  	s10 =	simm.s32 $0x280;
	[sflag:s13] =	ssyncadd.s32 $0xFFFFCE00  }
0x70: {  	[tilespmem:s15], [sflag:$0x3] =	stream.indirect.gather [hbm4b:s1+s8], $0x80, s10, s8, $0xb8;
	[tilespmem:$0x1EC80] =	vst v63  }
0x71: {  	s10 =	simm.s32 $0xD80  }
0x72: {  	[spmem:s2] =	stream.indirect.scatter.add.f32 [tilespmem:s9], [sflag:$0xA], $0x80, s10, s8, $0xb8;
	[tilespmem:$0x1EC80] =	vst v63  }
0x73: {  	_ =	swait.ge [sflag:s29], $0x3200  }
0x74: {  	[sflag:s29] =	ssyncset.done $0x0  }
0x75: {  	[sflag:s29] =	ssyncadd.s32 $0xFFFFCE00  }
0x76: {  	_ =	swait.ge [sflag:s16], $0x3200  }
0x77: {  	[sflag:s16] =	ssyncset.done $0x0  }
0x78: {  	s10 =	simm.s32 $0x300;
	[sflag:s16] =	ssyncadd.s32 $0xFFFFCE00  }
0x79: {  	[tilespmem:s9], [sflag:$0x1] =	stream.indirect.gather [hbm4b:s1+s8], $0x80, s10, s8, $0xb8;
	[tilespmem:$0x1EC80] =	vst v63  }
0x7a: {  	s10 =	simm.s32 $0xE00  }
0x7b: {  	[spmem:s2] =	stream.indirect.scatter.add.f32 [tilespmem:s12], [sflag:$0xA], $0x80, s10, s8, $0xb8;
	[tilespmem:$0x1EC80] =	vst v63  }
0x7c: {  	_ =	swait.ge [sflag:s29], $0x3200  }
0x7d: {  	[sflag:s29] =	ssyncset.done $0x0  }
0x7e: {  	[sflag:s29] =	ssyncadd.s32 $0xFFFFCE00  }
0x7f: {  	_ =	swait.ge [sflag:s21], $0x3200  }
0x80: {  	[sflag:s21] =	ssyncset.done $0x0  }
0x81: {  	s10 =	simm.s32 $0x380;
	[sflag:s21] =	ssyncadd.s32 $0xFFFFCE00  }
0x82: {  	[tilespmem:s12], [sflag:$0x2] =	stream.indirect.gather [hbm4b:s1+s8], $0x80, s10, s8, $0xb8;
	[tilespmem:$0x1EC80] =	vst v63  }
0x83: {  	s10 =	simm.s32 $0xE80  }
0x84: {  	[spmem:s2] =	stream.indirect.scatter.add.f32 [tilespmem:s15], [sflag:$0xA], $0x80, s10, s8, $0xb8;
	[tilespmem:$0x1EC80] =	vst v63  }
0x85: {  	_ =	swait.ge [sflag:s29], $0x3200  }
0x86: {  	[sflag:s29] =	ssyncset.done $0x0  }
0x87: {  	[sflag:s29] =	ssyncadd.s32 $0xFFFFCE00  }
0x88: {  	_ =	swait.ge [sflag:s13], $0x3200  }
0x89: {  	[sflag:s13] =	ssyncset.done $0x0  }
0x8a: {  	[sflag:s13] =	ssyncadd.s32 $0xFFFFCE00  }
0x8b: {  	_ =	swait.ge [sflag:s28], $0x400  }
0x8c: {  	[sflag:s28] =	ssyncset.done $0x0  }
0x8d: {  	[sflag:s28] =	ssyncadd.s32 $0xFFFFFC00  }
0x8e: {  	_ =	swait.ge [sflag:s11], $0x400  }
0x8f: {  	[sflag:s11] =	ssyncset.done $0x0  }
0x90: {  	[sflag:s11] =	ssyncadd.s32 $0xFFFFFC00  }
0x91: {  	[tilespmem:s15], [sflag:$0x3] =	stream.indirect.gather [hbm4b:s1+s8], $0x80, s31, s8, $0xb8;
	[tilespmem:$0x1EC80] =	vst v63  }
0x92: {  	s10 =	simm.s32 $0xF00  }
0x93: {  	[spmem:s2] =	stream.indirect.scatter.add.f32 [tilespmem:s9], [sflag:$0xA], $0x80, s10, s8, $0xb8;
	[tilespmem:$0x1EC80] =	vst v63  }
0x94: {  	_ =	swait.ge [sflag:s29], $0x3200  }
0x95: {  	[sflag:s29] =	ssyncset.done $0x0  }
0x96: {  	[sflag:s29] =	ssyncadd.s32 $0xFFFFCE00  }
0x97: {  	_ =	swait.ge [sflag:s16], $0x3200  }
0x98: {  	[sflag:s16] =	ssyncset.done $0x0  }
0x99: {  	s10 =	simm.s32 $0x480;
	[sflag:s16] =	ssyncadd.s32 $0xFFFFCE00  }
0x9a: {  	[tilespmem:s9], [sflag:$0x1] =	stream.indirect.gather [hbm4b:s1+s8], $0x80, s10, s8, $0xb8;
	[tilespmem:$0x1EC80] =	vst v63  }
0x9b: {  	s10 =	simm.s32 $0xF80  }
0x9c: {  	[spmem:s2] =	stream.indirect.scatter.add.f32 [tilespmem:s12], [sflag:$0xA], $0x80, s10, s8, $0xb8;
	[tilespmem:$0x1EC80] =	vst v63  }
0x9d: {  	_ =	swait.ge [sflag:s29], $0x3200  }
0x9e: {  	[sflag:s29] =	ssyncset.done $0x0  }
0x9f: {  	[sflag:s29] =	ssyncadd.s32 $0xFFFFCE00  }
0xa0: {  	_ =	swait.ge [sflag:s21], $0x3200  }
0xa1: {  	[sflag:s21] =	ssyncset.done $0x0  }
0xa2: {  	s10 =	simm.s32 $0x500;
	[sflag:s21] =	ssyncadd.s32 $0xFFFFCE00  }
0xa3: {  	[tilespmem:s12], [sflag:$0x2] =	stream.indirect.gather [hbm4b:s1+s8], $0x80, s10, s8, $0xb8;
	[tilespmem:$0x1EC80] =	vst v63  }
0xa4: {  	_ = 	snop  }
0xa5: {  	[spmem:s2] =	stream.indirect.scatter.add.f32 [tilespmem:s15], [sflag:$0xA], $0x80, s0, s8, $0xb8;
	[tilespmem:$0x1EC80] =	vst v63  }
0xa6: {  	_ =	swait.ge [sflag:s29], $0x3200  }
0xa7: {  	[sflag:s29] =	ssyncset.done $0x0  }
0xa8: {  	[sflag:s29] =	ssyncadd.s32 $0xFFFFCE00  }
0xa9: {  	_ =	swait.ge [sflag:s13], $0x3200  }
0xaa: {  	[sflag:s13] =	ssyncset.done $0x0  }
0xab: {  	s10 =	simm.s32 $0x580;
	[sflag:s13] =	ssyncadd.s32 $0xFFFFCE00  }
0xac: {  	[tilespmem:s15], [sflag:$0x3] =	stream.indirect.gather [hbm4b:s1+s8], $0x80, s10, s8, $0xb8;
	[tilespmem:$0x1EC80] =	vst v63  }
0xad: {  	s10 =	simm.s32 $0x1080  }
0xae: {  	[spmem:s2] =	stream.indirect.scatter.add.f32 [tilespmem:s9], [sflag:$0xA], $0x80, s10, s8, $0xb8;
	[tilespmem:$0x1EC80] =	vst v63  }
0xaf: {  	_ =	swait.ge [sflag:s29], $0x3200  }
0xb0: {  	[sflag:s29] =	ssyncset.done $0x0  }
0xb1: {  	[sflag:s29] =	ssyncadd.s32 $0xFFFFCE00  }
0xb2: {  	_ =	swait.ge [sflag:s16], $0x3200  }
0xb3: {  	[sflag:s16] =	ssyncset.done $0x0  }
0xb4: {  	s10 =	simm.s32 $0x600;
	[sflag:s16] =	ssyncadd.s32 $0xFFFFCE00  }
0xb5: {  	[tilespmem:s9], [sflag:$0x1] =	stream.indirect.gather [hbm4b:s1+s8], $0x80, s10, s8, $0xb8;
	[tilespmem:$0x1EC80] =	vst v63  }
0xb6: {  	s10 =	simm.s32 $0x1100  }
0xb7: {  	[spmem:s2] =	stream.indirect.scatter.add.f32 [tilespmem:s12], [sflag:$0xA], $0x80, s10, s8, $0xb8;
	[tilespmem:$0x1EC80] =	vst v63  }
0xb8: {  	_ =	swait.ge [sflag:s29], $0x3200  }
0xb9: {  	[sflag:s29] =	ssyncset.done $0x0  }
0xba: {  	[sflag:s29] =	ssyncadd.s32 $0xFFFFCE00  }
0xbb: {  	_ =	swait.ge [sflag:s21], $0x3200  }
0xbc: {  	[sflag:s21] =	ssyncset.done $0x0  }
0xbd: {  	s10 =	simm.s32 $0x680;
	[sflag:s21] =	ssyncadd.s32 $0xFFFFCE00  }
0xbe: {  	[tilespmem:s12], [sflag:$0x2] =	stream.indirect.gather [hbm4b:s1+s8], $0x80, s10, s8, $0xb8;
	[tilespmem:$0x1EC80] =	vst v63  }
0xbf: {  	s10 =	simm.s32 $0x1180  }
0xc0: {  	[spmem:s2] =	stream.indirect.scatter.add.f32 [tilespmem:s15], [sflag:$0xA], $0x80, s10, s8, $0xb8;
	[tilespmem:$0x1EC80] =	vst v63  }
0xc1: {  	_ =	swait.ge [sflag:s29], $0x3200  }
0xc2: {  	[sflag:s29] =	ssyncset.done $0x0  }
0xc3: {  	[sflag:s29] =	ssyncadd.s32 $0xFFFFCE00  }
0xc4: {  	_ =	swait.ge [sflag:s13], $0x3200  }
0xc5: {  	[sflag:s13] =	ssyncset.done $0x0  }
0xc6: {  	s10 =	simm.s32 $0x700;
	[sflag:s13] =	ssyncadd.s32 $0xFFFFCE00  }
0xc7: {  	[tilespmem:s15], [sflag:$0x3] =	stream.indirect.gather [hbm4b:s1+s8], $0x80, s10, s8, $0xb8;
	[tilespmem:$0x1EC80] =	vst v63  }
0xc8: {  	s10 =	simm.s32 $0x1200  }
0xc9: {  	[spmem:s2] =	stream.indirect.scatter.add.f32 [tilespmem:s9], [sflag:$0xA], $0x80, s10, s8, $0xb8;
	[tilespmem:$0x1EC80] =	vst v63  }
0xca: {  	_ =	swait.ge [sflag:s29], $0x3200  }
0xcb: {  	[sflag:s29] =	ssyncset.done $0x0  }
0xcc: {  	[sflag:s29] =	ssyncadd.s32 $0xFFFFCE00  }
0xcd: {  	_ =	swait.ge [sflag:s16], $0x3200  }
0xce: {  	[sflag:s16] =	ssyncset.done $0x0  }
0xcf: {  	s10 =	simm.s32 $0x780;
	[sflag:s16] =	ssyncadd.s32 $0xFFFFCE00  }
0xd0: {  	[tilespmem:s9], [sflag:$0x1] =	stream.indirect.gather [hbm4b:s1+s8], $0x80, s10, s8, $0xb8;
	[tilespmem:$0x1EC80] =	vst v63  }
0xd1: {  	s10 =	simm.s32 $0x1280  }
0xd2: {  	[spmem:s2] =	stream.indirect.scatter.add.f32 [tilespmem:s12], [sflag:$0xA], $0x80, s10, s8, $0xb8;
	[tilespmem:$0x1EC80] =	vst v63  }
0xd3: {  	_ =	swait.ge [sflag:s29], $0x3200  }
0xd4: {  	[sflag:s29] =	ssyncset.done $0x0  }
0xd5: {  	[sflag:s29] =	ssyncadd.s32 $0xFFFFCE00  }
0xd6: {  	_ =	swait.ge [sflag:s21], $0x3200  }
0xd7: {  	[sflag:s21] =	ssyncset.done $0x0  }
0xd8: {  	[sflag:s21] =	ssyncadd.s32 $0xFFFFCE00  }
0xd9: {  	_ =	swait.ge [sflag:s17], $0x400  }
0xda: {  	[sflag:s17] =	ssyncset.done $0x0  }
0xdb: {  	[sflag:s17] =	ssyncadd.s32 $0xFFFFFC00  }
0xdc: {  	_ =	swait.ge [sflag:s26], $0x400  }
0xdd: {  	[sflag:s26] =	ssyncset.done $0x0  }
0xde: {  	[sflag:s26] =	ssyncadd.s32 $0xFFFFFC00  }
0xdf: {  	[tilespmem:s12], [sflag:$0x2] =	stream.indirect.gather [hbm4b:s1+s8], $0x80, s4, s8, $0xb8;
	[tilespmem:$0x1EC80] =	vst v63  }
0xe0: {  	s10 =	simm.s32 $0x1300  }
0xe1: {  	[spmem:s2] =	stream.indirect.scatter.add.f32 [tilespmem:s15], [sflag:$0xA], $0x80, s10, s8, $0xb8;
	[tilespmem:$0x1EC80] =	vst v63  }
0xe2: {  	_ =	swait.ge [sflag:s29], $0x3200  }
0xe3: {  	[sflag:s29] =	ssyncset.done $0x0  }
0xe4: {  	[sflag:s29] =	ssyncadd.s32 $0xFFFFCE00  }
0xe5: {  	_ =	swait.ge [sflag:s13], $0x3200  }
0xe6: {  	[sflag:s13] =	ssyncset.done $0x0  }
0xe7: {  	s10 =	simm.s32 $0x880;
	[sflag:s13] =	ssyncadd.s32 $0xFFFFCE00  }
0xe8: {  	[tilespmem:s15], [sflag:$0x3] =	stream.indirect.gather [hbm4b:s1+s8], $0x80, s10, s8, $0xb8;
	[tilespmem:$0x1EC80] =	vst v63  }
0xe9: {  	s10 =	simm.s32 $0x1380  }
0xea: {  	[spmem:s2] =	stream.indirect.scatter.add.f32 [tilespmem:s9], [sflag:$0xA], $0x80, s10, s8, $0xb8;
	[tilespmem:$0x1EC80] =	vst v63  }
0xeb: {  	_ =	swait.ge [sflag:s29], $0x3200  }
0xec: {  	[sflag:s29] =	ssyncset.done $0x0  }
0xed: {  	[sflag:s29] =	ssyncadd.s32 $0xFFFFCE00  }
0xee: {  	_ =	swait.ge [sflag:s16], $0x3200  }
0xef: {  	[sflag:s16] =	ssyncset.done $0x0  }
0xf0: {  	s10 =	simm.s32 $0x900;
	[sflag:s16] =	ssyncadd.s32 $0xFFFFCE00  }
0xf1: {  	[tilespmem:s9], [sflag:$0x1] =	stream.indirect.gather [hbm4b:s1+s8], $0x80, s10, s8, $0xb8;
	[tilespmem:$0x1EC80] =	vst v63  }
0xf2: {  	_ = 	snop  }
0xf3: {  	[spmem:s2] =	stream.indirect.scatter.add.f32 [tilespmem:s12], [sflag:$0xA], $0x80, s19, s8, $0xb8;
	[tilespmem:$0x1EC80] =	vst v63  }
0xf4: {  	_ =	swait.ge [sflag:s29], $0x3200  }
0xf5: {  	[sflag:s29] =	ssyncset.done $0x0  }
0xf6: {  	[sflag:s29] =	ssyncadd.s32 $0xFFFFCE00  }
0xf7: {  	_ =	swait.ge [sflag:s21], $0x3200  }
0xf8: {  	[sflag:s21] =	ssyncset.done $0x0  }
0xf9: {  	s10 =	simm.s32 $0x980;
	[sflag:s21] =	ssyncadd.s32 $0xFFFFCE00  }
0xfa: {  	[tilespmem:s12], [sflag:$0x2] =	stream.indirect.gather [hbm4b:s1+s8], $0x80, s10, s8, $0xb8;
	[tilespmem:$0x1EC80] =	vst v63  }
0xfb: {  	s10 =	simm.s32 $0x1480  }
0xfc: {  	[spmem:s2] =	stream.indirect.scatter.add.f32 [tilespmem:s15], [sflag:$0xA], $0x80, s10, s8, $0xb8;
	[tilespmem:$0x1EC80] =	vst v63  }
0xfd: {  	_ =	swait.ge [sflag:s29], $0x3200  }
0xfe: {  	[sflag:s29] =	ssyncset.done $0x0  }
0xff: {  	[sflag:s29] =	ssyncadd.s32 $0xFFFFCE00  }
0x100: {  	_ =	swait.ge [sflag:s13], $0x3200  }
0x101: {  	[sflag:s13] =	ssyncset.done $0x0  }
0x102: {  	s10 =	simm.s32 $0xA00;
	[sflag:s13] =	ssyncadd.s32 $0xFFFFCE00  }
0x103: {  	[tilespmem:s15], [sflag:$0x3] =	stream.indirect.gather [hbm4b:s1+s8], $0x80, s10, s8, $0xb8;
	[tilespmem:$0x1EC80] =	vst v63  }
0x104: {  	s10 =	simm.s32 $0x1500  }
0x105: {  	[spmem:s2] =	stream.indirect.scatter.add.f32 [tilespmem:s9], [sflag:$0xA], $0x80, s10, s8, $0xb8;
	[tilespmem:$0x1EC80] =	vst v63  }
0x106: {  	_ =	swait.ge [sflag:s29], $0x3200  }
0x107: {  	[sflag:s29] =	ssyncset.done $0x0  }
0x108: {  	[sflag:s29] =	ssyncadd.s32 $0xFFFFCE00  }
0x109: {  	_ =	swait.ge [sflag:s16], $0x3200  }
0x10a: {  	[sflag:s16] =	ssyncset.done $0x0  }
0x10b: {  	s10 =	simm.s32 $0xA80;
	[sflag:s16] =	ssyncadd.s32 $0xFFFFCE00  }
0x10c: {  	[tilespmem:s9], [sflag:$0x1] =	stream.indirect.gather [hbm4b:s1+s8], $0x80, s10, s8, $0xb8;
	[tilespmem:$0x1EC80] =	vst v63  }
0x10d: {  	s10 =	simm.s32 $0x1580  }
0x10e: {  	[spmem:s2] =	stream.indirect.scatter.add.f32 [tilespmem:s12], [sflag:$0xA], $0x80, s10, s8, $0xb8;
	[tilespmem:$0x1EC80] =	vst v63  }
0x10f: {  	_ =	swait.ge [sflag:s29], $0x3200  }
0x110: {  	[sflag:s29] =	ssyncset.done $0x0  }
0x111: {  	[sflag:s29] =	ssyncadd.s32 $0xFFFFCE00  }
0x112: {  	_ =	swait.ge [sflag:s21], $0x3200  }
0x113: {  	[sflag:s21] =	ssyncset.done $0x0  }
0x114: {  	s10 =	simm.s32 $0xB00;
	[sflag:s21] =	ssyncadd.s32 $0xFFFFCE00  }
0x115: {  	[tilespmem:s12], [sflag:$0x2] =	stream.indirect.gather [hbm4b:s1+s8], $0x80, s10, s8, $0xb8;
	[tilespmem:$0x1EC80] =	vst v63  }
0x116: {  	s10 =	simm.s32 $0x1600  }
0x117: {  	[spmem:s2] =	stream.indirect.scatter.add.f32 [tilespmem:s15], [sflag:$0xA], $0x80, s10, s8, $0xb8;
	[tilespmem:$0x1EC80] =	vst v63  }
0x118: {  	_ =	swait.ge [sflag:s29], $0x3200  }
0x119: {  	[sflag:s29] =	ssyncset.done $0x0  }
0x11a: {  	[sflag:s29] =	ssyncadd.s32 $0xFFFFCE00  }
0x11b: {  	_ =	swait.ge [sflag:s13], $0x3200  }
0x11c: {  	[sflag:s13] =	ssyncset.done $0x0  }
0x11d: {  	s10 =	simm.s32 $0xB80;
	[sflag:s13] =	ssyncadd.s32 $0xFFFFCE00  }
0x11e: {  	[tilespmem:s15], [sflag:$0x3] =	stream.indirect.gather [hbm4b:s1+s8], $0x80, s10, s8, $0xb8;
	[tilespmem:$0x1EC80] =	vst v63  }
0x11f: {  	s10 =	simm.s32 $0x1680  }
0x120: {  	[spmem:s2] =	stream.indirect.scatter.add.f32 [tilespmem:s9], [sflag:$0xA], $0x80, s10, s8, $0xb8;
	[tilespmem:$0x1EC80] =	vst v63  }
0x121: {  	_ =	swait.ge [sflag:s29], $0x3200  }
0x122: {  	[sflag:s29] =	ssyncset.done $0x0  }
0x123: {  	[sflag:s29] =	ssyncadd.s32 $0xFFFFCE00  }
0x124: {  	_ =	swait.ge [sflag:s16], $0x3200  }
0x125: {  	[sflag:s16] =	ssyncset.done $0x0  }
0x126: {  	s10 =	simm.s32 $0x1700;
	[sflag:s16] =	ssyncadd.s32 $0xFFFFCE00  }
0x127: {  	[spmem:s2] =	stream.indirect.scatter.add.f32 [tilespmem:s12], [sflag:$0xA], $0x80, s10, s8, $0xb8;
	[tilespmem:$0x1EC80] =	vst v63  }
0x128: {  	_ =	swait.ge [sflag:s29], $0x3200  }
0x129: {  	[sflag:s29] =	ssyncset.done $0x0  }
0x12a: {  	[sflag:s29] =	ssyncadd.s32 $0xFFFFCE00  }
0x12b: {  	_ =	swait.ge [sflag:s21], $0x3200  }
0x12c: {  	[sflag:s21] =	ssyncset.done $0x0  }
0x12d: {  	s10 =	simm.s32 $0x1780;
	[sflag:s21] =	ssyncadd.s32 $0xFFFFCE00  }
0x12e: {  	[spmem:s2] =	stream.indirect.scatter.add.f32 [tilespmem:s15], [sflag:$0xA], $0x80, s10, s8, $0xb8;
	[tilespmem:$0x1EC80] =	vst v63  }
0x12f: {  	p3 =	seq.s32 s14, $0xA80;
	_ =	swait.ge [sflag:s29], $0x3200  }
.Ltmp2:
0x130: {  	s10 =	sshrl.u32 s18, $0x3;
	[sflag:s29] =	ssyncset.done $0x0;
	(pc) =	sbr.rel @p3 .LBB2_4-.Ltmp2, $4  }
0x131: {  	s5 =	sadd.s32 s6, s10;
	[sflag:s29] =	ssyncadd.s32 $0xFFFFCE00  }
0x132: {  	[tilespmem:s3], [sflag:$0x4] =	stream.linear.gather [hbm4b:s5+s3], $0x400, $0x38;
	[tilespmem:$0x1EC80] =	vst v63  }
0x133: {  	s10 =	sadd.s32 s22, s10  }
0x134: {  	[tilespmem:s30], [sflag:$0x7] =	stream.linear.gather [hbm4b:s10+s3], $0x400, $0x38;
	[tilespmem:$0x1EC80] =	vst v63  }
0x135: {  	s5 =	sadd.s32 s14, s25  }
0x136: {  	[tilespmem:s31], [sflag:$0x5] =	stream.linear.gather [hbm4b:s5+s3], $0x400, $0x38;
	[tilespmem:$0x1EC80] =	vst v63  }
0x137: {  	s10 =	sadd.s32 s14, s24  }
0x138: {  	[tilespmem:s0], [sflag:$0x8] =	stream.linear.gather [hbm4b:s10+s3], $0x400, $0x38;
	[tilespmem:$0x1EC80] =	vst v63  }
.Ltmp3:
0x139: {  	s10 =	sadd.s32 s14, s23;
	(pc) =	sbr.rel .LBB2_2-.Ltmp3, $4  }
0x13a: {  	[tilespmem:s4], [sflag:$0x6] =	stream.linear.gather [hbm4b:s10+s3], $0x400, $0x38;
	[tilespmem:$0x1EC80] =	vst v63  }
0x13b: {  	s10 =	rddreg [dreg:$0x14]  }
0x13c: {  	s18 =	sadd.s32 $0xC00, s18;
	s5 =	sadd.s32 s14, s10;
	s14 =	sadd.s32 $0x180, s14  }
0x13d: {  	[tilespmem:s19], [sflag:$0x9] =	stream.linear.gather [hbm4b:s5+s3], $0x400, $0x38;
	[tilespmem:$0x1EC80] =	vst v63  }
.LBB2_4:
0x13e: {  	_ =	swait.ge [sflag:s20], $0x400  }
0x13f: {  	[sflag:s20] =	ssyncset.done $0x0  }
0x140: {  	[sflag:s20] =	ssyncadd.s32 $0xFFFFFC00  }
0x141: {  	_ =	swait.ge [sflag:s7], $0x400  }
0x142: {  	[sflag:s7] =	ssyncset.done $0x0  }
0x143: {  	[sflag:s7] =	ssyncadd.s32 $0xFFFFFC00  }
0x144: {  	[tilespmem:s9], [sflag:$0x1] =	stream.indirect.gather [hbm4b:s1+s8], $0x80, s3, s8, $0xb8;
	[tilespmem:$0x1EC80] =	vst v63  }
0x145: {  	s5 =	simm.s32 $0x80  }
0x146: {  	[tilespmem:s12], [sflag:$0x2] =	stream.indirect.gather [hbm4b:s1+s8], $0x80, s5, s8, $0xb8;
	[tilespmem:$0x1EC80] =	vst v63  }
0x147: {  	_ =	swait.ge [sflag:s13], $0x3200  }
0x148: {  	[sflag:s13] =	ssyncset.done $0x0  }
0x149: {  	s18 =	simm.s32 $0x100;
	[sflag:s13] =	ssyncadd.s32 $0xFFFFCE00  }
0x14a: {  	[tilespmem:s15], [sflag:$0x3] =	stream.indirect.gather [hbm4b:s1+s8], $0x80, s18, s8, $0xb8;
	[tilespmem:$0x1EC80] =	vst v63  }
0x14b: {  	_ = 	snop  }
0x14c: {  	[spmem:s2] =	stream.indirect.scatter.add.f32 [tilespmem:s9], [sflag:$0xA], $0x80, s30, s8, $0xb8;
	[tilespmem:$0x1EC80] =	vst v63  }
0x14d: {  	_ =	swait.ge [sflag:s29], $0x3200  }
0x14e: {  	[sflag:s29] =	ssyncset.done $0x0  }
0x14f: {  	[sflag:s29] =	ssyncadd.s32 $0xFFFFCE00  }
0x150: {  	_ =	swait.ge [sflag:s16], $0x3200  }
0x151: {  	[sflag:s16] =	ssyncset.done $0x0  }
0x152: {  	s10 =	simm.s32 $0x180;
	[sflag:s16] =	ssyncadd.s32 $0xFFFFCE00  }
0x153: {  	[tilespmem:s9], [sflag:$0x1] =	stream.indirect.gather [hbm4b:s1+s8], $0x80, s10, s8, $0xb8;
	[tilespmem:$0x1EC80] =	vst v63  }
0x154: {  	s14 =	simm.s32 $0xC80  }
0x155: {  	[spmem:s2] =	stream.indirect.scatter.add.f32 [tilespmem:s12], [sflag:$0xA], $0x80, s14, s8, $0xb8;
	[tilespmem:$0x1EC80] =	vst v63  }
0x156: {  	_ =	swait.ge [sflag:s29], $0x3200  }
0x157: {  	[sflag:s29] =	ssyncset.done $0x0  }
0x158: {  	[sflag:s29] =	ssyncadd.s32 $0xFFFFCE00  }
0x159: {  	_ =	swait.ge [sflag:s21], $0x3200  }
0x15a: {  	[sflag:s21] =	ssyncset.done $0x0  }
0x15b: {  	s18 =	simm.s32 $0x200;
	[sflag:s21] =	ssyncadd.s32 $0xFFFFCE00  }
0x15c: {  	[tilespmem:s12], [sflag:$0x2] =	stream.indirect.gather [hbm4b:s1+s8], $0x80, s18, s8, $0xb8;
	[tilespmem:$0x1EC80] =	vst v63  }
0x15d: {  	s10 =	simm.s32 $0xD00  }
0x15e: {  	[spmem:s2] =	stream.indirect.scatter.add.f32 [tilespmem:s15], [sflag:$0xA], $0x80, s10, s8, $0xb8;
	[tilespmem:$0x1EC80] =	vst v63  }
0x15f: {  	_ =	swait.ge [sflag:s29], $0x3200  }
0x160: {  	[sflag:s29] =	ssyncset.done $0x0  }
0x161: {  	[sflag:s29] =	ssyncadd.s32 $0xFFFFCE00  }
0x162: {  	_ =	swait.ge [sflag:s13], $0x3200  }
0x163: {  	[sflag:s13] =	ssyncset.done $0x0  }
0x164: {  	s14 =	simm.s32 $0x280;
	[sflag:s13] =	ssyncadd.s32 $0xFFFFCE00  }
0x165: {  	[tilespmem:s15], [sflag:$0x3] =	stream.indirect.gather [hbm4b:s1+s8], $0x80, s14, s8, $0xb8;
	[tilespmem:$0x1EC80] =	vst v63  }
0x166: {  	s18 =	simm.s32 $0xD80  }
0x167: {  	[spmem:s2] =	stream.indirect.scatter.add.f32 [tilespmem:s9], [sflag:$0xA], $0x80, s18, s8, $0xb8;
	[tilespmem:$0x1EC80] =	vst v63  }
0x168: {  	_ =	swait.ge [sflag:s29], $0x3200  }
0x169: {  	[sflag:s29] =	ssyncset.done $0x0  }
0x16a: {  	[sflag:s29] =	ssyncadd.s32 $0xFFFFCE00  }
0x16b: {  	_ =	swait.ge [sflag:s16], $0x3200  }
0x16c: {  	[sflag:s16] =	ssyncset.done $0x0  }
0x16d: {  	s10 =	simm.s32 $0x300;
	[sflag:s16] =	ssyncadd.s32 $0xFFFFCE00  }
0x16e: {  	[tilespmem:s9], [sflag:$0x1] =	stream.indirect.gather [hbm4b:s1+s8], $0x80, s10, s8, $0xb8;
	[tilespmem:$0x1EC80] =	vst v63  }
0x16f: {  	s14 =	simm.s32 $0xE00  }
0x170: {  	[spmem:s2] =	stream.indirect.scatter.add.f32 [tilespmem:s12], [sflag:$0xA], $0x80, s14, s8, $0xb8;
	[tilespmem:$0x1EC80] =	vst v63  }
0x171: {  	_ =	swait.ge [sflag:s29], $0x3200  }
0x172: {  	[sflag:s29] =	ssyncset.done $0x0  }
0x173: {  	[sflag:s29] =	ssyncadd.s32 $0xFFFFCE00  }
0x174: {  	_ =	swait.ge [sflag:s21], $0x3200  }
0x175: {  	[sflag:s21] =	ssyncset.done $0x0  }
0x176: {  	s18 =	simm.s32 $0x380;
	[sflag:s21] =	ssyncadd.s32 $0xFFFFCE00  }
0x177: {  	[tilespmem:s12], [sflag:$0x2] =	stream.indirect.gather [hbm4b:s1+s8], $0x80, s18, s8, $0xb8;
	[tilespmem:$0x1EC80] =	vst v63  }
0x178: {  	s10 =	simm.s32 $0xE80  }
0x179: {  	[spmem:s2] =	stream.indirect.scatter.add.f32 [tilespmem:s15], [sflag:$0xA], $0x80, s10, s8, $0xb8;
	[tilespmem:$0x1EC80] =	vst v63  }
0x17a: {  	_ =	swait.ge [sflag:s29], $0x3200  }
0x17b: {  	[sflag:s29] =	ssyncset.done $0x0  }
0x17c: {  	[sflag:s29] =	ssyncadd.s32 $0xFFFFCE00  }
0x17d: {  	_ =	swait.ge [sflag:s13], $0x3200  }
0x17e: {  	[sflag:s13] =	ssyncset.done $0x0  }
0x17f: {  	s14 =	simm.s32 $0xF00;
	[sflag:s13] =	ssyncadd.s32 $0xFFFFCE00  }
0x180: {  	[spmem:s2] =	stream.indirect.scatter.add.f32 [tilespmem:s9], [sflag:$0xA], $0x80, s14, s8, $0xb8;
	[tilespmem:$0x1EC80] =	vst v63  }
0x181: {  	_ =	swait.ge [sflag:s29], $0x3200  }
0x182: {  	[sflag:s29] =	ssyncset.done $0x0  }
0x183: {  	[sflag:s29] =	ssyncadd.s32 $0xFFFFCE00  }
0x184: {  	_ =	swait.ge [sflag:s16], $0x3200  }
0x185: {  	[sflag:s16] =	ssyncset.done $0x0  }
0x186: {  	s18 =	simm.s32 $0xF80;
	[sflag:s16] =	ssyncadd.s32 $0xFFFFCE00  }
0x187: {  	[spmem:s2] =	stream.indirect.scatter.add.f32 [tilespmem:s12], [sflag:$0xA], $0x80, s18, s8, $0xb8;
	[tilespmem:$0x1EC80] =	vst v63  }
.Ltmp4:
0x188: {  	_ =	swait.ge [sflag:s29], $0x3200;
	(pc) =	sbr.rel @!p0 .LBB2_5-.Ltmp4, $3  }
0x189: {  	[sflag:s29] =	ssyncset.done $0x0  }
0x18a: {  	[sflag:s29] =	ssyncadd.s32 $0xFFFFCE00  }
0x18b: {  	[bflag:$0x0] =	sbarrier.arrive $0xFFFF;
	_ =	sdelay $0x1  }
0x18c: {  	s14 =	rddreg [dreg:$0x9]  }
0x18d: {  	s5 =	rddreg [dreg:$0x12]  }
0x18e: {  	s10 =	rddreg [dreg:$0x18]  }
0x18f: {  	[hbm:s5], [sflag:s14] =	dma.local [spmem:s10], $0x2700  }
.Ltmp5:
0x190: {  	_ = 	snop;
	(pc) =	sbr.rel @p1 .LBB2_8-.Ltmp5, $4  }
.Ltmp6:
0x191: {  	_ = 	snop;
	(pc) =	sbr.rel @!p1 .LBB2_7-.Ltmp6, $4  }
0x192: {  	_ =	swait.ge [sflag:s29], $0x2700  }
0x193: {  	[sflag:s29] =	ssyncset.done $0x0;
	s14 =	rddreg [dreg:$0x6]  }
0x194: {  	s18 =	rddreg [dreg:$0x17];
	[sflag:s29] =	ssyncadd.s32 $0xFFFFD900  }
0x195: {  	_ = 	snop  }
.LBB2_5:
0x196: {  	s14 =	rddreg [dreg:$0x9]  }
0x197: {  	s5 =	rddreg [dreg:$0x11]  }
0x198: {  	s10 =	rddreg [dreg:$0x18]  }
0x199: {  	[hbm:s5], [sflag:s14] =	dma.local [spmem:s10], $0x2700  }
.Ltmp7:
0x19a: {  	_ = 	snop;
	(pc) =	sbr.rel @p2 .LBB2_7-.Ltmp7, $4  }
.Ltmp8:
0x19b: {  	_ = 	snop;
	(pc) =	sbr.rel @!p2 .LBB2_8-.Ltmp8, $4  }
0x19c: {  	_ =	swait.ge [sflag:s29], $0x2700  }
0x19d: {  	[sflag:s29] =	ssyncset.done $0x0;
	s14 =	rddreg [dreg:$0x5]  }
0x19e: {  	s18 =	rddreg [dreg:$0x17];
	[sflag:s29] =	ssyncadd.s32 $0xFFFFD900  }
0x19f: {  	_ = 	snop  }
.LBB2_9:
0x1a0: {  	_ =	sfence.sel $0x180000  }
0x1a1: {  	[bflag:$0x0] =	sbarrier.arrive $0xFFFF  }
0x1a2: {  	_ =	strace $0x90000047  }
0x1a3: {  	s0 =	stileid.u32;
	[bflag:$0x2] =	sbarrier.arrive $0xFFFF  }
0x1a4: {  	p0 =	sne.s32 s0, $0x0;
	s0 =	rddreg [dreg:$0x4]  }
0x1a5: {  	s0 =	sadd.s32 @!p0 $0x100000, s0  }
0x1a6: {  	[sflag:s0] =	ssyncadd.tile.s32 @!p0 $0x1;
	_ =	shalt  }
.Lfunc_end2:
_tile_overlayer_lowered:
.L_overlay_start_2:
0x1a7: {  	(tag) =	ssettag $0x2  }
0x1a8: {  	s0 =	rddreg [dreg:$0x0];
	s2 =	stileid.u32  }
0x1a9: {  	s1 =	rddreg [dreg:$0x1];
	p0 =	sne.s32 s2, $0x0  }
0x1aa: {  	s3 =	rddreg [dreg:$0x2];
	[bflag:$0x3] =	sbarrier.arrive $0xFFFF;
	s2 =	simm.s32 @!p0 $0x1C0A  }
0x1ab: {  	[timem:s3], [sflag:s2] =	dma.local @!p0 [hbm:s0], s1  }
0x1ac: {  	s0 =	simm.s32 @!p0 $0xA  }
0x1ad: {  	_ =	swait.ge @!p0 [sflag:s0], s1  }
0x1ae: {  	s1 =	ssub.s32 @!p0 $0x0, s1;
	[sflag:s0] =	ssyncset.done @!p0 $0x0  }
0x1af: {  	[sflag:s0] =	ssyncadd.s32 @!p0 s1  }
0x1b0: {  	[bflag:$0x3] =	sbarrier.arrive $0xFFFF  }
0x1b1: {  	_ =	shalt  }

</sc_bundles>
